<compile_context>
chip_gen: v7x
topology: tpu7x:2x2x1
jax: 0.10.2.dev20260603
libtpu: 0.0.44.dev20260713+nightly
codegen_flags: <defaults>
</compile_context>

<pallas_src>
import functools

import jax
import jax.numpy as jnp
from jax import lax
from jax.experimental import pallas as pl
from jax.experimental.pallas import tpu as pltpu
from jax.experimental.pallas import tpu_sc as plsc

N = 2_000_000
L = 16
CHUNK = 4000
NCH = N // CHUNK
NW = 32
CH_PER_W = (NCH + NW - 1) // NW

TBL = 1424

_SIXTH = float(1.0 / 6.0)


def _floor_to_i32(t):
    i = t.astype(jnp.int32)
    return i - (i.astype(jnp.float32) > t).astype(jnp.int32)


def _basis(frac):
    t2 = frac * frac
    t3 = t2 * frac
    u1 = 1.0 - frac
    b0 = _SIXTH * (u1 * u1 * u1)
    b1 = 0.5 * t3 - t2 + (2.0 / 3.0)
    b3 = _SIXTH * t3
    b2 = 1.0 - b0 - b1 - b3
    return b0, b1, b2, b3


def _make_sc_kernel():
    mesh = plsc.VectorSubcoreMesh(core_axis_name="c", subcore_axis_name="s")

    @functools.partial(
        pl.kernel,
        mesh=mesh,
        out_type=jax.ShapeDtypeStruct((N,), jnp.float32),
        compiler_params=pltpu.CompilerParams(needs_layout_passes=False),
        scratch_types=[
            pltpu.VMEM((16 * TBL,), jnp.float32),
            pltpu.VMEM((160,), jnp.float32),
            pltpu.VMEM((TBL,), jnp.int32),
            pltpu.VMEM((CHUNK,), jnp.float32),
            pltpu.VMEM((CHUNK,), jnp.float32),
            pltpu.VMEM((CHUNK,), jnp.float32),
            pltpu.VMEM((CHUNK,), jnp.float32),
            pltpu.VMEM((CHUNK,), jnp.float32),
            pltpu.VMEM((CHUNK,), jnp.float32),
            pltpu.VMEM((CHUNK,), jnp.float32),
            pltpu.VMEM((CHUNK,), jnp.float32),
            pltpu.SemaphoreType.DMA,
            pltpu.SemaphoreType.DMA,
            pltpu.SemaphoreType.DMA,
            pltpu.SemaphoreType.DMA,
        ],
    )
    def sc_kernel(u_hbm, v_hbm, d_hbm, cpuv_hbm, cpd_hbm, calib_hbm, out_hbm,
                  cpuv_v, cpd_v, calib_v, u0_v, u1_v, v0_v, v1_v,
                  d0_v, d1_v, o0_v, o1_v,
                  sem_in0, sem_in1, sem_out0, sem_out1):
        cid = lax.axis_index("c")
        sid = lax.axis_index("s")
        wid = sid * 2 + cid
        u_v = (u0_v, u1_v)
        v_v = (v0_v, v1_v)
        d_v = (d0_v, d1_v)
        o_v = (o0_v, o1_v)
        sem_in = (sem_in0, sem_in1)
        sem_out = (sem_out0, sem_out1)

        pltpu.sync_copy(cpuv_hbm, cpuv_v)
        pltpu.sync_copy(cpd_hbm, cpd_v)
        pltpu.sync_copy(calib_hbm, calib_v)

        cpuv_w = [[cpuv_v.at[pl.ds((4 * a + b) * TBL, TBL)] for b in range(4)]
                  for a in range(4)]
        cpd_w = [cpd_v.at[pl.ds(40 * k, 40)] for k in range(4)]
        calib_w = calib_v

        kw = jnp.where(wid < NCH - (CH_PER_W - 1) * NW, CH_PER_W, CH_PER_W - 1)

        nanv = jnp.full((L,), jnp.nan, dtype=jnp.float32)

        def start_in(b, idx):
            base = (wid + idx * NW) * CHUNK
            pltpu.async_copy(u_hbm.at[pl.ds(base, CHUNK)], u_v[b], sem_in[b])
            pltpu.async_copy(v_hbm.at[pl.ds(base, CHUNK)], v_v[b], sem_in[b])
            pltpu.async_copy(d_hbm.at[pl.ds(base, CHUNK)], d_v[b], sem_in[b])

        def wait_in(b):
            pltpu.make_async_copy(u_hbm.at[pl.ds(0, CHUNK)], u_v[b], sem_in[b]).wait()
            pltpu.make_async_copy(v_hbm.at[pl.ds(0, CHUNK)], v_v[b], sem_in[b]).wait()
            pltpu.make_async_copy(d_hbm.at[pl.ds(0, CHUNK)], d_v[b], sem_in[b]).wait()

        def start_out(b, idx):
            base = (wid + idx * NW) * CHUNK
            pltpu.async_copy(o_v[b], out_hbm.at[pl.ds(base, CHUNK)], sem_out[b])

        def wait_out(b):
            pltpu.make_async_copy(o_v[b], out_hbm.at[pl.ds(0, CHUNK)], sem_out[b]).wait()

        def make_vec_body(b):
            ub, vb, db, ob = u_v[b], v_v[b], d_v[b], o_v[b]

            def vec_body(off):
                u = ub[pl.ds(off, L)]
                v = vb[pl.ds(off, L)]
                dd = db[pl.ds(off, L)]

                tu = u * 0.0625
                tv = v * 0.0625
                td = (dd - 0.25) * 4.0

                fu = _floor_to_i32(tu)
                fv = _floor_to_i32(tv)
                fd = _floor_to_i32(td)

                cu = jnp.clip(fu, 0, 39)
                cv = jnp.clip(fv, 0, 29)
                cd = jnp.clip(fd, 0, 30)

                bu = _basis(tu - cu.astype(jnp.float32))
                bv = _basis(tv - cv.astype(jnp.float32))
                bd = _basis(td - cd.astype(jnp.float32))

                buv = cu * 33 + cv

                s_uv = jnp.zeros((L,), jnp.float32)
                for a in range(4):
                    row = jnp.zeros((L,), jnp.float32)
                    for c in range(4):
                        row = row + bv[c] * plsc.load_gather(cpuv_w[a][c], [buv])
                    s_uv = s_uv + bu[a] * row

                s_d = (bd[0] * plsc.load_gather(cpd_w[0], [cd])
                       + bd[1] * plsc.load_gather(cpd_w[1], [cd])
                       + bd[2] * plsc.load_gather(cpd_w[2], [cd])
                       + bd[3] * plsc.load_gather(cpd_w[3], [cd]))

                word = plsc.load_gather(calib_w, [buv])
                bit = lax.shift_right_logical(word, cd) & 1

                valid = ((fu.astype(jnp.uint32) < 40)
                         & (fv.astype(jnp.uint32) < 30)
                         & (fd.astype(jnp.uint32) < 31)
                         & (bit != 0))

                ob[pl.ds(off, L)] = jnp.where(valid, s_uv * s_d, nanv)

            return vec_body

        vec_bodies = (make_vec_body(0), make_vec_body(1))

        start_in(0, 0)

        def pair_body(p, _):
            for b in (0, 1):
                idx = 2 * p + b

                @pl.when(idx < kw)
                def _():
                    wait_in(b)

                    @pl.when(idx + 1 < kw)
                    def _():
                        start_in(1 - b, idx + 1)

                    @pl.when(idx >= 2)
                    def _():
                        wait_out(b)

                    plsc.parallel_loop(0, CHUNK, L, unroll=10)(vec_bodies[b])
                    start_out(b, idx)

            return 0

        lax.fori_loop(0, (CH_PER_W + 1) // 2, pair_body, 0)

        for b in (0, 1):
            @pl.when(kw > b)
            def _():
                wait_out(b)

    return sc_kernel


_SC_KERNEL = _make_sc_kernel()


def kernel(uv, d, cp_uv, cp_d, cell_is_calib):
    u = uv[:, 0]
    v = uv[:, 1]
    d_flat = d[:, 0]

    cp1 = jnp.concatenate([cp_uv[:1], cp_uv], axis=0)
    cp2 = jnp.concatenate([cp1[:, :1], cp1], axis=1)
    ext = jnp.pad(cp2.reshape(-1), (0, 1536 - 43 * 33))
    cpuv_flat = jnp.concatenate(
        [lax.slice(ext, (33 * a + b,), (33 * a + b + TBL,))
         for a in range(4) for b in range(4)])

    cpd_ext = jnp.pad(jnp.concatenate([cp_d[:1], cp_d]), (0, 10))
    cpd_flat = jnp.concatenate(
        [lax.slice(cpd_ext, (k,), (k + 40,)) for k in range(4)])

    shifts = jnp.arange(31, dtype=jnp.int32)
    packed = jnp.sum(cell_is_calib.astype(jnp.int32) << shifts[None, None, :],
                     axis=-1, dtype=jnp.int32)
    calib_flat = jnp.pad(packed, ((0, 3), (0, 3))).reshape(-1)
    calib_flat = jnp.pad(calib_flat, (0, TBL - 43 * 33))

    return _SC_KERNEL(u, v, d_flat, cpuv_flat, cpd_flat, calib_flat)

# --- scband reference (transcript-rebuilt; emitter-appended) ---
"""Pipeline reference for scband-pix-batch-uv-dundistortion-model-91053306675536 (READ-ONLY COPY).

The authoritative reference and input builder live on the scoring server;
editing this copy changes nothing except your own understanding.
"""

import jax, jax.numpy as jnp
import numpy as np

MIN_UV = np.array([0.0, 0.0], dtype=np.float32)
STEP_UV = np.array([16.0, 16.0], dtype=np.float32)
MIN_D = np.float32(0.25)
STEP_D = np.float32(0.25)


def bspline_basis(t):
    t2 = t * t
    t3 = t2 * t
    b0 = (1.0 - 3.0 * t + 3.0 * t2 - t3) / 6.0
    b1 = (3.0 * t3 - 6.0 * t2 + 4.0) / 6.0
    b2 = (-3.0 * t3 + 3.0 * t2 + 3.0 * t + 1.0) / 6.0
    b3 = t3 / 6.0
    return jnp.stack([b0, b1, b2, b3], axis=-1)


def spline_eval_1d(cp, x, mn, step):
    m = cp.shape[0]
    t = (x - mn) / step
    c = jnp.clip(jnp.floor(t), 0.0, m - 3)
    frac = t - c
    ci = c.astype(jnp.int32)
    basis = bspline_basis(frac)
    idx = jnp.clip(ci[:, None] + jnp.arange(-1, 3), 0, m - 1)
    pts = jnp.take(cp, idx, axis=0)
    return jnp.sum(basis * pts, axis=-1)


def spline_eval_2d(cp, uv, mn, step):
    m0, m1 = cp.shape
    t = (uv - mn) / step
    cmax = jnp.array([m0 - 3, m1 - 3], dtype=t.dtype)
    c = jnp.clip(jnp.floor(t), 0.0, cmax)
    frac = t - c
    ci = c.astype(jnp.int32)
    bu = bspline_basis(frac[:, 0])
    bv = bspline_basis(frac[:, 1])
    iu = jnp.clip(ci[:, 0:1] + jnp.arange(-1, 3), 0, m0 - 1)
    iv = jnp.clip(ci[:, 1:2] + jnp.arange(-1, 3), 0, m1 - 1)
    pts = cp[iu[:, :, None], iv[:, None, :]]
    w = bu[:, :, None] * bv[:, None, :]
    return jnp.sum(w * pts, axis=(1, 2))


def cell_ids(x, mn, step, m):
    c = jnp.floor((x - mn) / step).astype(jnp.int32)
    valid = (c >= 0) & (c < m - 2)
    return jnp.where(valid, c, -1)


def setup_inputs(seed: int = 0):
    key = jax.random.key(seed)
    k1, k2, k3, k4, k5 = jax.random.split(key, 5)
    n = 2000000
    uv = jax.random.uniform(k1, (n, 2), dtype=jnp.float32, minval=jnp.array([-16.0, -16.0]), maxval=jnp.array([656.0, 496.0]))
    d = jax.random.uniform(k2, (n, 1), dtype=jnp.float32, minval=0.0, maxval=8.5)
    cp_uv = 1.0 + 0.01 * jax.random.normal(k3, (42, 32), dtype=jnp.float32)
    cp_d = 1.0 + 0.01 * jax.random.normal(k4, (33,), dtype=jnp.float32)
    cell_is_calib = jax.random.bernoulli(k5, 0.9, (40, 30, 31))
    return {"uv": uv, "d": d, "cp_uv": cp_uv, "cp_d": cp_d, "cell_is_calib": cell_is_calib}


def reference(uv, d, cp_uv, cp_d, cell_is_calib):
    s_uv = spline_eval_2d(cp_uv, uv, jnp.asarray(MIN_UV), jnp.asarray(STEP_UV))
    s_d = spline_eval_1d(cp_d, d[:, 0], MIN_D, STEP_D)
    undist_d = s_uv * s_d
    u_ids = cell_ids(uv[:, 0], MIN_UV[0], STEP_UV[0], cp_uv.shape[0])
    v_ids = cell_ids(uv[:, 1], MIN_UV[1], STEP_UV[1], cp_uv.shape[1])
    d_ids = cell_ids(d[:, 0], MIN_D, STEP_D, cp_d.shape[0])
    is_calib = (u_ids != -1) & (v_ids != -1) & (d_ids != -1)
    is_calib = is_calib & cell_is_calib[jnp.maximum(u_ids, 0), jnp.maximum(v_ids, 0), jnp.maximum(d_ids, 0)]
    return jnp.where(is_calib, undist_d, jnp.float32(jnp.nan))

if __name__ == "__main__":
    import jax
    _d = setup_inputs()
    print(jax.jit(kernel)(*tuple(_d.values())))

</pallas_src>

<mosaic_0001>
#map = affine_map<(d0, d1) -> (0)>
module attributes {stable_mosaic.version = 14 : i64} {
  func.func @sc_kernel(%arg0: i32, %arg1: i32, %arg2: memref<2000000xf32, #tpu.memory_space<hbm>>, %arg3: memref<2000000xf32, #tpu.memory_space<hbm>>, %arg4: memref<2000000xf32, #tpu.memory_space<hbm>>, %arg5: memref<22784xf32, #tpu.memory_space<hbm>>, %arg6: memref<160xf32, #tpu.memory_space<hbm>>, %arg7: memref<1424xi32, #tpu.memory_space<hbm>>, %arg8: memref<2000000xf32, #tpu.memory_space<hbm>>, %arg9: memref<22784xf32, #tpu.memory_space<vmem>>, %arg10: memref<160xf32, #tpu.memory_space<vmem>>, %arg11: memref<1424xi32, #tpu.memory_space<vmem>>, %arg12: memref<4000xf32, #tpu.memory_space<vmem>>, %arg13: memref<4000xf32, #tpu.memory_space<vmem>>, %arg14: memref<4000xf32, #tpu.memory_space<vmem>>, %arg15: memref<4000xf32, #tpu.memory_space<vmem>>, %arg16: memref<4000xf32, #tpu.memory_space<vmem>>, %arg17: memref<4000xf32, #tpu.memory_space<vmem>>, %arg18: memref<4000xf32, #tpu.memory_space<vmem>>, %arg19: memref<4000xf32, #tpu.memory_space<vmem>>, %arg20: memref<!tpu.dma_semaphore, #tpu.memory_space<semaphore_mem>>, %arg21: memref<!tpu.dma_semaphore, #tpu.memory_space<semaphore_mem>>, %arg22: memref<!tpu.dma_semaphore, #tpu.memory_space<semaphore_mem>>, %arg23: memref<!tpu.dma_semaphore, #tpu.memory_space<semaphore_mem>>) attributes {dimension_semantics = [#tpu.dimension_semantics<core_parallel>, #tpu.dimension_semantics<subcore_parallel>], iteration_bounds = array<i64: 2, 16>, scalar_prefetch = 0 : i64, scratch_operands = 15 : i64, tpu.core_type = #tpu.core_type<sc_vector_subcore>, window_params = [{transform_indices = #map}, {transform_indices = #map}, {transform_indices = #map}, {transform_indices = #map}, {transform_indices = #map}, {transform_indices = #map}, {transform_indices = #map}]} {
    %mul3A = arith.constant 2 : i32
    %mul3A_0 = arith.muli %arg1, %mul3A : i32
    %add3A = arith.addi %mul3A_0, %arg0 : i32
    "tpu.region"() ({
      %run_scoped3A = tpu.sem_alloc : memref<!tpu.dma_semaphore, #tpu.memory_space<semaphore_mem>>
      tpu.enqueue_dma source(%arg5 : memref<22784xf32, #tpu.memory_space<hbm>>) target(%arg9 : memref<22784xf32, #tpu.memory_space<vmem>>) target_semaphore(%run_scoped3A : memref<!tpu.dma_semaphore, #tpu.memory_space<semaphore_mem>>)
      tpu.wait_dma2 semaphore(%run_scoped3A : memref<!tpu.dma_semaphore, #tpu.memory_space<semaphore_mem>>) src(%arg5 : memref<22784xf32, #tpu.memory_space<hbm>>) dst(%arg9 : memref<22784xf32, #tpu.memory_space<vmem>>)
      tpu.yield
    }) : () -> ()
    "tpu.region"() ({
      %run_scoped3A = tpu.sem_alloc : memref<!tpu.dma_semaphore, #tpu.memory_space<semaphore_mem>>
      tpu.enqueue_dma source(%arg6 : memref<160xf32, #tpu.memory_space<hbm>>) target(%arg10 : memref<160xf32, #tpu.memory_space<vmem>>) target_semaphore(%run_scoped3A : memref<!tpu.dma_semaphore, #tpu.memory_space<semaphore_mem>>)
      tpu.wait_dma2 semaphore(%run_scoped3A : memref<!tpu.dma_semaphore, #tpu.memory_space<semaphore_mem>>) src(%arg6 : memref<160xf32, #tpu.memory_space<hbm>>) dst(%arg10 : memref<160xf32, #tpu.memory_space<vmem>>)
      tpu.yield
    }) : () -> ()
    "tpu.region"() ({
      %run_scoped3A = tpu.sem_alloc : memref<!tpu.dma_semaphore, #tpu.memory_space<semaphore_mem>>
      tpu.enqueue_dma source(%arg7 : memref<1424xi32, #tpu.memory_space<hbm>>) target(%arg11 : memref<1424xi32, #tpu.memory_space<vmem>>) target_semaphore(%run_scoped3A : memref<!tpu.dma_semaphore, #tpu.memory_space<semaphore_mem>>)
      tpu.wait_dma2 semaphore(%run_scoped3A : memref<!tpu.dma_semaphore, #tpu.memory_space<semaphore_mem>>) src(%arg7 : memref<1424xi32, #tpu.memory_space<hbm>>) dst(%arg11 : memref<1424xi32, #tpu.memory_space<vmem>>)
      tpu.yield
    }) : () -> ()
    %lt3A = arith.constant 20 : i32
    %lt3A_1 = arith.cmpi slt, %add3A, %lt3A : i32
    %jit3A = arith.constant 16 : i32
    %jit3A_2 = arith.constant 15 : i32
    %select_n3A = arith.select %lt3A_1, %jit3A, %jit3A_2 : i32
    %broadcast_in_dim3A = arith.constant 0x7FC00000 : f32
    %broadcast_in_dim3A_3 = vector.broadcast %broadcast_in_dim3A : f32 to vector<16xf32>
    %add3A_4 = arith.constant 0 : i32
    %add3A_5 = arith.addi %add3A, %add3A_4 : i32
    %mul3A_6 = arith.constant 4000 : i32
    %mul3A_7 = arith.muli %add3A_5, %mul3A_6 : i32
    %dma_start3A = tpu.memref_slice %arg2[%mul3A_7] : memref<2000000xf32, #tpu.memory_space<hbm>> -> memref<4000xf32, #tpu.memory_space<hbm>>
    %dma_start3A_8 = tpu.memref_slice %arg2[%mul3A_7] : memref<2000000xf32, #tpu.memory_space<hbm>> -> memref<4000xf32, #tpu.memory_space<hbm>>
    tpu.enqueue_dma source(%dma_start3A_8 : memref<4000xf32, #tpu.memory_space<hbm>>) target(%arg12 : memref<4000xf32, #tpu.memory_space<vmem>>) target_semaphore(%arg20 : memref<!tpu.dma_semaphore, #tpu.memory_space<semaphore_mem>>)
    %dma_start3A_9 = tpu.memref_slice %arg3[%mul3A_7] : memref<2000000xf32, #tpu.memory_space<hbm>> -> memref<4000xf32, #tpu.memory_space<hbm>>
    %dma_start3A_10 = tpu.memref_slice %arg3[%mul3A_7] : memref<2000000xf32, #tpu.memory_space<hbm>> -> memref<4000xf32, #tpu.memory_space<hbm>>
    tpu.enqueue_dma source(%dma_start3A_10 : memref<4000xf32, #tpu.memory_space<hbm>>) target(%arg14 : memref<4000xf32, #tpu.memory_space<vmem>>) target_semaphore(%arg20 : memref<!tpu.dma_semaphore, #tpu.memory_space<semaphore_mem>>)
    %dma_start3A_11 = tpu.memref_slice %arg4[%mul3A_7] : memref<2000000xf32, #tpu.memory_space<hbm>> -> memref<4000xf32, #tpu.memory_space<hbm>>
    %dma_start3A_12 = tpu.memref_slice %arg4[%mul3A_7] : memref<2000000xf32, #tpu.memory_space<hbm>> -> memref<4000xf32, #tpu.memory_space<hbm>>
    tpu.enqueue_dma source(%dma_start3A_12 : memref<4000xf32, #tpu.memory_space<hbm>>) target(%arg16 : memref<4000xf32, #tpu.memory_space<vmem>>) target_semaphore(%arg20 : memref<!tpu.dma_semaphore, #tpu.memory_space<semaphore_mem>>)
    %scan3A = arith.constant 0 : i32
    %scan3A_13 = arith.constant 0 : i32
    %scan3A_14 = arith.constant 8 : i32
    %scan3A_15 = arith.addi %scan3A_13, %scan3A_14 : i32
    %scan3A_16 = arith.constant 1 : i32
    %scan3A_17 = scf.for %scan3A_26 = %scan3A_13 to %scan3A_15 step %scan3A_16 iter_args(%scan3A_27 = %scan3A) -> (i32)  : i32 {
      %mul3A_28 = arith.constant 2 : i32
      %mul3A_29 = arith.muli %mul3A_28, %scan3A_26 : i32
      %add3A_30 = arith.constant 0 : i32
      %add3A_31 = arith.addi %mul3A_29, %add3A_30 : i32
      %lt3A_32 = arith.cmpi slt, %add3A_31, %select_n3A : i32
      %convert_element_type3A_33 = arith.extui %lt3A_32 : i1 to i32
      %cond3A_34 = arith.constant 0 : i32
      %cond3A_35 = arith.cmpi ne, %convert_element_type3A_33, %cond3A_34 : i32
      scf.if %cond3A_35 {
        %dma_wait3A = arith.constant 0 : i32
        %dma_wait3A_45 = tpu.memref_slice %arg2[%dma_wait3A] : memref<2000000xf32, #tpu.memory_space<hbm>> -> memref<4000xf32, #tpu.memory_space<hbm>>
        %dma_wait3A_46 = arith.constant 0 : i32
        %dma_wait3A_47 = tpu.memref_slice %arg2[%dma_wait3A_46] : memref<2000000xf32, #tpu.memory_space<hbm>> -> memref<4000xf32, #tpu.memory_space<hbm>>
        tpu.wait_dma2 semaphore(%arg20 : memref<!tpu.dma_semaphore, #tpu.memory_space<semaphore_mem>>) src(%dma_wait3A_47 : memref<4000xf32, #tpu.memory_space<hbm>>) dst(%arg12 : memref<4000xf32, #tpu.memory_space<vmem>>)
        %dma_wait3A_48 = arith.constant 0 : i32
        %dma_wait3A_49 = tpu.memref_slice %arg3[%dma_wait3A_48] : memref<2000000xf32, #tpu.memory_space<hbm>> -> memref<4000xf32, #tpu.memory_space<hbm>>
        %dma_wait3A_50 = arith.constant 0 : i32
        %dma_wait3A_51 = tpu.memref_slice %arg3[%dma_wait3A_50] : memref<2000000xf32, #tpu.memory_space<hbm>> -> memref<4000xf32, #tpu.memory_space<hbm>>
        tpu.wait_dma2 semaphore(%arg20 : memref<!tpu.dma_semaphore, #tpu.memory_space<semaphore_mem>>) src(%dma_wait3A_51 : memref<4000xf32, #tpu.memory_space<hbm>>) dst(%arg14 : memref<4000xf32, #tpu.memory_space<vmem>>)
        %dma_wait3A_52 = arith.constant 0 : i32
        %dma_wait3A_53 = tpu.memref_slice %arg4[%dma_wait3A_52] : memref<2000000xf32, #tpu.memory_space<hbm>> -> memref<4000xf32, #tpu.memory_space<hbm>>
        %dma_wait3A_54 = arith.constant 0 : i32
        %dma_wait3A_55 = tpu.memref_slice %arg4[%dma_wait3A_54] : memref<2000000xf32, #tpu.memory_space<hbm>> -> memref<4000xf32, #tpu.memory_space<hbm>>
        tpu.wait_dma2 semaphore(%arg20 : memref<!tpu.dma_semaphore, #tpu.memory_space<semaphore_mem>>) src(%dma_wait3A_55 : memref<4000xf32, #tpu.memory_space<hbm>>) dst(%arg16 : memref<4000xf32, #tpu.memory_space<vmem>>)
        %add3A_56 = arith.constant 1 : i32
        %add3A_57 = arith.addi %add3A_31, %add3A_56 : i32
        %lt3A_58 = arith.cmpi slt, %add3A_57, %select_n3A : i32
        %convert_element_type3A_59 = arith.extui %lt3A_58 : i1 to i32
        %cond3A_60 = arith.constant 0 : i32
        %cond3A_61 = arith.cmpi ne, %convert_element_type3A_59, %cond3A_60 : i32
        scf.if %cond3A_61 {
          %add3A_75 = arith.constant 1 : i32
          %add3A_76 = arith.addi %add3A_31, %add3A_75 : i32
          %mul3A_77 = arith.constant 32 : i32
          %mul3A_78 = arith.muli %add3A_76, %mul3A_77 : i32
          %add3A_79 = arith.addi %add3A, %mul3A_78 : i32
          %mul3A_80 = arith.constant 4000 : i32
          %mul3A_81 = arith.muli %add3A_79, %mul3A_80 : i32
          %dma_start3A_82 = tpu.memref_slice %arg2[%mul3A_81] : memref<2000000xf32, #tpu.memory_space<hbm>> -> memref<4000xf32, #tpu.memory_space<hbm>>
          %dma_start3A_83 = tpu.memref_slice %arg2[%mul3A_81] : memref<2000000xf32, #tpu.memory_space<hbm>> -> memref<4000xf32, #tpu.memory_space<hbm>>
          tpu.enqueue_dma source(%dma_start3A_83 : memref<4000xf32, #tpu.memory_space<hbm>>) target(%arg13 : memref<4000xf32, #tpu.memory_space<vmem>>) target_semaphore(%arg21 : memref<!tpu.dma_semaphore, #tpu.memory_space<semaphore_mem>>)
          %dma_start3A_84 = tpu.memref_slice %arg3[%mul3A_81] : memref<2000000xf32, #tpu.memory_space<hbm>> -> memref<4000xf32, #tpu.memory_space<hbm>>
          %dma_start3A_85 = tpu.memref_slice %arg3[%mul3A_81] : memref<2000000xf32, #tpu.memory_space<hbm>> -> memref<4000xf32, #tpu.memory_space<hbm>>
          tpu.enqueue_dma source(%dma_start3A_85 : memref<4000xf32, #tpu.memory_space<hbm>>) target(%arg15 : memref<4000xf32, #tpu.memory_space<vmem>>) target_semaphore(%arg21 : memref<!tpu.dma_semaphore, #tpu.memory_space<semaphore_mem>>)
          %dma_start3A_86 = tpu.memref_slice %arg4[%mul3A_81] : memref<2000000xf32, #tpu.memory_space<hbm>> -> memref<4000xf32, #tpu.memory_space<hbm>>
          %dma_start3A_87 = tpu.memref_slice %arg4[%mul3A_81] : memref<2000000xf32, #tpu.memory_space<hbm>> -> memref<4000xf32, #tpu.memory_space<hbm>>
          tpu.enqueue_dma source(%dma_start3A_87 : memref<4000xf32, #tpu.memory_space<hbm>>) target(%arg17 : memref<4000xf32, #tpu.memory_space<vmem>>) target_semaphore(%arg21 : memref<!tpu.dma_semaphore, #tpu.memory_space<semaphore_mem>>)
        } else {
        }
        %ge3A = arith.constant 2 : i32
        %ge3A_62 = arith.cmpi sge, %add3A_31, %ge3A : i32
        %convert_element_type3A_63 = arith.extui %ge3A_62 : i1 to i32
        %cond3A_64 = arith.constant 0 : i32
        %cond3A_65 = arith.cmpi ne, %convert_element_type3A_63, %cond3A_64 : i32
        scf.if %cond3A_65 {
          %dma_wait3A_75 = arith.constant 0 : i32
          %dma_wait3A_76 = tpu.memref_slice %arg8[%dma_wait3A_75] : memref<2000000xf32, #tpu.memory_space<hbm>> -> memref<4000xf32, #tpu.memory_space<hbm>>
          %dma_wait3A_77 = arith.constant 0 : i32
          %dma_wait3A_78 = tpu.memref_slice %arg8[%dma_wait3A_77] : memref<2000000xf32, #tpu.memory_space<hbm>> -> memref<4000xf32, #tpu.memory_space<hbm>>
          tpu.wait_dma2 semaphore(%arg22 : memref<!tpu.dma_semaphore, #tpu.memory_space<semaphore_mem>>) src(%arg18 : memref<4000xf32, #tpu.memory_space<vmem>>) dst(%dma_wait3A_78 : memref<4000xf32, #tpu.memory_space<hbm>>)
        } else {
        }
        %parallel_loop3A = arith.constant 0 : i32
        %parallel_loop3A_66 = arith.constant 4000 : i32
        %parallel_loop3A_67 = arith.constant 16 : i32
        scf.for %parallel_loop3A_75 = %parallel_loop3A to %parallel_loop3A_66 step %parallel_loop3A_67  : i32 {
          %parallel_loop3A_76 = arith.index_cast %parallel_loop3A_75 : i32 to index
          %parallel_loop3A_77 = tpu.vector_load %arg12[%parallel_loop3A_76] {strides = array<i32>} : memref<4000xf32, #tpu.memory_space<vmem>>, vector<16xf32>,
          %parallel_loop3A_78 = arith.index_cast %parallel_loop3A_75 : i32 to index
          %parallel_loop3A_79 = tpu.vector_load %arg14[%parallel_loop3A_78] {strides = array<i32>} : memref<4000xf32, #tpu.memory_space<vmem>>, vector<16xf32>,
          %parallel_loop3A_80 = arith.index_cast %parallel_loop3A_75 : i32 to index
          %parallel_loop3A_81 = tpu.vector_load %arg16[%parallel_loop3A_80] {strides = array<i32>} : memref<4000xf32, #tpu.memory_space<vmem>>, vector<16xf32>,
          %parallel_loop3A_82 = arith.constant 6.250000e-02 : f32
          %parallel_loop3A_83 = vector.broadcast %parallel_loop3A_82 : f32 to vector<16xf32>
          %parallel_loop3A_84 = arith.mulf %parallel_loop3A_77, %parallel_loop3A_83 : vector<16xf32>
          %parallel_loop3A_85 = arith.constant 6.250000e-02 : f32
          %parallel_loop3A_86 = vector.broadcast %parallel_loop3A_85 : f32 to vector<16xf32>
          %parallel_loop3A_87 = arith.mulf %parallel_loop3A_79, %parallel_loop3A_86 : vector<16xf32>
          %parallel_loop3A_88 = arith.constant 2.500000e-01 : f32
          %parallel_loop3A_89 = vector.broadcast %parallel_loop3A_88 : f32 to vector<16xf32>
          %parallel_loop3A_90 = arith.subf %parallel_loop3A_81, %parallel_loop3A_89 : vector<16xf32>
          %parallel_loop3A_91 = arith.constant 4.000000e+00 : f32
          %parallel_loop3A_92 = vector.broadcast %parallel_loop3A_91 : f32 to vector<16xf32>
          %parallel_loop3A_93 = arith.mulf %parallel_loop3A_90, %parallel_loop3A_92 : vector<16xf32>
          %parallel_loop3A_94 = arith.fptosi %parallel_loop3A_84 : vector<16xf32> to vector<16xi32>
          %parallel_loop3A_95 = arith.sitofp %parallel_loop3A_94 : vector<16xi32> to vector<16xf32>
          %parallel_loop3A_96 = arith.cmpf ogt, %parallel_loop3A_95, %parallel_loop3A_84 : vector<16xf32>
          %parallel_loop3A_97 = arith.extui %parallel_loop3A_96 : vector<16xi1> to vector<16xi32>
          %parallel_loop3A_98 = arith.subi %parallel_loop3A_94, %parallel_loop3A_97 : vector<16xi32>
          %parallel_loop3A_99 = arith.fptosi %parallel_loop3A_87 : vector<16xf32> to vector<16xi32>
          %parallel_loop3A_100 = arith.sitofp %parallel_loop3A_99 : vector<16xi32> to vector<16xf32>
          %parallel_loop3A_101 = arith.cmpf ogt, %parallel_loop3A_100, %parallel_loop3A_87 : vector<16xf32>
          %parallel_loop3A_102 = arith.extui %parallel_loop3A_101 : vector<16xi1> to vector<16xi32>
          %parallel_loop3A_103 = arith.subi %parallel_loop3A_99, %parallel_loop3A_102 : vector<16xi32>
          %parallel_loop3A_104 = arith.fptosi %parallel_loop3A_93 : vector<16xf32> to vector<16xi32>
          %parallel_loop3A_105 = arith.sitofp %parallel_loop3A_104 : vector<16xi32> to vector<16xf32>
          %parallel_loop3A_106 = arith.cmpf ogt, %parallel_loop3A_105, %parallel_loop3A_93 : vector<16xf32>
          %parallel_loop3A_107 = arith.extui %parallel_loop3A_106 : vector<16xi1> to vector<16xi32>
          %parallel_loop3A_108 = arith.subi %parallel_loop3A_104, %parallel_loop3A_107 : vector<16xi32>
          %parallel_loop3A_109 = arith.constant 0 : i32
          %parallel_loop3A_110 = arith.constant 39 : i32
          %parallel_loop3A_111 = vector.broadcast %parallel_loop3A_109 : i32 to vector<16xi32>
          %parallel_loop3A_112 = arith.maxsi %parallel_loop3A_111, %parallel_loop3A_98 : vector<16xi32>
          %parallel_loop3A_113 = vector.broadcast %parallel_loop3A_110 : i32 to vector<16xi32>
          %parallel_loop3A_114 = arith.minsi %parallel_loop3A_113, %parallel_loop3A_112 : vector<16xi32>
          %parallel_loop3A_115 = arith.constant 0 : i32
          %parallel_loop3A_116 = arith.constant 29 : i32
          %parallel_loop3A_117 = vector.broadcast %parallel_loop3A_115 : i32 to vector<16xi32>
          %parallel_loop3A_118 = arith.maxsi %parallel_loop3A_117, %parallel_loop3A_103 : vector<16xi32>
          %parallel_loop3A_119 = vector.broadcast %parallel_loop3A_116 : i32 to vector<16xi32>
          %parallel_loop3A_120 = arith.minsi %parallel_loop3A_119, %parallel_loop3A_118 : vector<16xi32>
          %parallel_loop3A_121 = arith.constant 0 : i32
          %parallel_loop3A_122 = arith.constant 30 : i32
          %parallel_loop3A_123 = vector.broadcast %parallel_loop3A_121 : i32 to vector<16xi32>
          %parallel_loop3A_124 = arith.maxsi %parallel_loop3A_123, %parallel_loop3A_108 : vector<16xi32>
          %parallel_loop3A_125 = vector.broadcast %parallel_loop3A_122 : i32 to vector<16xi32>
          %parallel_loop3A_126 = arith.minsi %parallel_loop3A_125, %parallel_loop3A_124 : vector<16xi32>
          %parallel_loop3A_127 = arith.sitofp %parallel_loop3A_114 : vector<16xi32> to vector<16xf32>
          %parallel_loop3A_128 = arith.subf %parallel_loop3A_84, %parallel_loop3A_127 : vector<16xf32>
          %parallel_loop3A_129 = arith.mulf %parallel_loop3A_128, %parallel_loop3A_128 : vector<16xf32>
          %parallel_loop3A_130 = arith.mulf %parallel_loop3A_129, %parallel_loop3A_128 : vector<16xf32>
          %parallel_loop3A_131 = arith.constant 1.000000e+00 : f32
          %parallel_loop3A_132 = vector.broadcast %parallel_loop3A_131 : f32 to vector<16xf32>
          %parallel_loop3A_133 = arith.subf %parallel_loop3A_132, %parallel_loop3A_128 : vector<16xf32>
          %parallel_loop3A_134 = arith.mulf %parallel_loop3A_133, %parallel_loop3A_133 : vector<16xf32>
          %parallel_loop3A_135 = arith.mulf %parallel_loop3A_134, %parallel_loop3A_133 : vector<16xf32>
          %parallel_loop3A_136 = arith.constant 0.166666672 : f32
          %parallel_loop3A_137 = vector.broadcast %parallel_loop3A_136 : f32 to vector<16xf32>
          %parallel_loop3A_138 = arith.mulf %parallel_loop3A_137, %parallel_loop3A_135 : vector<16xf32>
          %parallel_loop3A_139 = arith.constant 5.000000e-01 : f32
          %parallel_loop3A_140 = vector.broadcast %parallel_loop3A_139 : f32 to vector<16xf32>
          %parallel_loop3A_141 = arith.mulf %parallel_loop3A_140, %parallel_loop3A_130 : vector<16xf32>
          %parallel_loop3A_142 = arith.subf %parallel_loop3A_141, %parallel_loop3A_129 : vector<16xf32>
          %parallel_loop3A_143 = arith.constant 0.666666686 : f32
          %parallel_loop3A_144 = vector.broadcast %parallel_loop3A_143 : f32 to vector<16xf32>
          %parallel_loop3A_145 = arith.addf %parallel_loop3A_142, %parallel_loop3A_144 : vector<16xf32>
          %parallel_loop3A_146 = arith.constant 0.166666672 : f32
          %parallel_loop3A_147 = vector.broadcast %parallel_loop3A_146 : f32 to vector<16xf32>
          %parallel_loop3A_148 = arith.mulf %parallel_loop3A_147, %parallel_loop3A_130 : vector<16xf32>
          %parallel_loop3A_149 = arith.constant 1.000000e+00 : f32
          %parallel_loop3A_150 = vector.broadcast %parallel_loop3A_149 : f32 to vector<16xf32>
          %parallel_loop3A_151 = arith.subf %parallel_loop3A_150, %parallel_loop3A_138 : vector<16xf32>
          %parallel_loop3A_152 = arith.subf %parallel_loop3A_151, %parallel_loop3A_145 : vector<16xf32>
          %parallel_loop3A_153 = arith.subf %parallel_loop3A_152, %parallel_loop3A_148 : vector<16xf32>
          %parallel_loop3A_154 = arith.sitofp %parallel_loop3A_120 : vector<16xi32> to vector<16xf32>
          %parallel_loop3A_155 = arith.subf %parallel_loop3A_87, %parallel_loop3A_154 : vector<16xf32>
          %parallel_loop3A_156 = arith.mulf %parallel_loop3A_155, %parallel_loop3A_155 : vector<16xf32>
          %parallel_loop3A_157 = arith.mulf %parallel_loop3A_156, %parallel_loop3A_155 : vector<16xf32>
          %parallel_loop3A_158 = arith.constant 1.000000e+00 : f32
          %parallel_loop3A_159 = vector.broadcast %parallel_loop3A_158 : f32 to vector<16xf32>
          %parallel_loop3A_160 = arith.subf %parallel_loop3A_159, %parallel_loop3A_155 : vector<16xf32>
          %parallel_loop3A_161 = arith.mulf %parallel_loop3A_160, %parallel_loop3A_160 : vector<16xf32>
          %parallel_loop3A_162 = arith.mulf %parallel_loop3A_161, %parallel_loop3A_160 : vector<16xf32>
          %parallel_loop3A_163 = arith.constant 0.166666672 : f32
          %parallel_loop3A_164 = vector.broadcast %parallel_loop3A_163 : f32 to vector<16xf32>
          %parallel_loop3A_165 = arith.mulf %parallel_loop3A_164, %parallel_loop3A_162 : vector<16xf32>
          %parallel_loop3A_166 = arith.constant 5.000000e-01 : f32
          %parallel_loop3A_167 = vector.broadcast %parallel_loop3A_166 : f32 to vector<16xf32>
          %parallel_loop3A_168 = arith.mulf %parallel_loop3A_167, %parallel_loop3A_157 : vector<16xf32>
          %parallel_loop3A_169 = arith.subf %parallel_loop3A_168, %parallel_loop3A_156 : vector<16xf32>
          %parallel_loop3A_170 = arith.constant 0.666666686 : f32
          %parallel_loop3A_171 = vector.broadcast %parallel_loop3A_170 : f32 to vector<16xf32>
          %parallel_loop3A_172 = arith.addf %parallel_loop3A_169, %parallel_loop3A_171 : vector<16xf32>
          %parallel_loop3A_173 = arith.constant 0.166666672 : f32
          %parallel_loop3A_174 = vector.broadcast %parallel_loop3A_173 : f32 to vector<16xf32>
          %parallel_loop3A_175 = arith.mulf %parallel_loop3A_174, %parallel_loop3A_157 : vector<16xf32>
          %parallel_loop3A_176 = arith.constant 1.000000e+00 : f32
          %parallel_loop3A_177 = vector.broadcast %parallel_loop3A_176 : f32 to vector<16xf32>
          %parallel_loop3A_178 = arith.subf %parallel_loop3A_177, %parallel_loop3A_165 : vector<16xf32>
          %parallel_loop3A_179 = arith.subf %parallel_loop3A_178, %parallel_loop3A_172 : vector<16xf32>
          %parallel_loop3A_180 = arith.subf %parallel_loop3A_179, %parallel_loop3A_175 : vector<16xf32>
          %parallel_loop3A_181 = arith.sitofp %parallel_loop3A_126 : vector<16xi32> to vector<16xf32>
          %parallel_loop3A_182 = arith.subf %parallel_loop3A_93, %parallel_loop3A_181 : vector<16xf32>
          %parallel_loop3A_183 = arith.mulf %parallel_loop3A_182, %parallel_loop3A_182 : vector<16xf32>
          %parallel_loop3A_184 = arith.mulf %parallel_loop3A_183, %parallel_loop3A_182 : vector<16xf32>
          %parallel_loop3A_185 = arith.constant 1.000000e+00 : f32
          %parallel_loop3A_186 = vector.broadcast %parallel_loop3A_185 : f32 to vector<16xf32>
          %parallel_loop3A_187 = arith.subf %parallel_loop3A_186, %parallel_loop3A_182 : vector<16xf32>
          %parallel_loop3A_188 = arith.mulf %parallel_loop3A_187, %parallel_loop3A_187 : vector<16xf32>
          %parallel_loop3A_189 = arith.mulf %parallel_loop3A_188, %parallel_loop3A_187 : vector<16xf32>
          %parallel_loop3A_190 = arith.constant 0.166666672 : f32
          %parallel_loop3A_191 = vector.broadcast %parallel_loop3A_190 : f32 to vector<16xf32>
          %parallel_loop3A_192 = arith.mulf %parallel_loop3A_191, %parallel_loop3A_189 : vector<16xf32>
          %parallel_loop3A_193 = arith.constant 5.000000e-01 : f32
          %parallel_loop3A_194 = vector.broadcast %parallel_loop3A_193 : f32 to vector<16xf32>
          %parallel_loop3A_195 = arith.mulf %parallel_loop3A_194, %parallel_loop3A_184 : vector<16xf32>
          %parallel_loop3A_196 = arith.subf %parallel_loop3A_195, %parallel_loop3A_183 : vector<16xf32>
          %parallel_loop3A_197 = arith.constant 0.666666686 : f32
          %parallel_loop3A_198 = vector.broadcast %parallel_loop3A_197 : f32 to vector<16xf32>
          %parallel_loop3A_199 = arith.addf %parallel_loop3A_196, %parallel_loop3A_198 : vector<16xf32>
          %parallel_loop3A_200 = arith.constant 0.166666672 : f32
          %parallel_loop3A_201 = vector.broadcast %parallel_loop3A_200 : f32 to vector<16xf32>
          %parallel_loop3A_202 = arith.mulf %parallel_loop3A_201, %parallel_loop3A_184 : vector<16xf32>
          %parallel_loop3A_203 = arith.constant 1.000000e+00 : f32
          %parallel_loop3A_204 = vector.broadcast %parallel_loop3A_203 : f32 to vector<16xf32>
          %parallel_loop3A_205 = arith.subf %parallel_loop3A_204, %parallel_loop3A_192 : vector<16xf32>
          %parallel_loop3A_206 = arith.subf %parallel_loop3A_205, %parallel_loop3A_199 : vector<16xf32>
          %parallel_loop3A_207 = arith.subf %parallel_loop3A_206, %parallel_loop3A_202 : vector<16xf32>
          %parallel_loop3A_208 = arith.constant 33 : i32
          %parallel_loop3A_209 = vector.broadcast %parallel_loop3A_208 : i32 to vector<16xi32>
          %parallel_loop3A_210 = arith.muli %parallel_loop3A_114, %parallel_loop3A_209 : vector<16xi32>
          %parallel_loop3A_211 = arith.addi %parallel_loop3A_210, %parallel_loop3A_120 : vector<16xi32>
          %parallel_loop3A_212 = arith.constant 0.000000e+00 : f32
          %parallel_loop3A_213 = vector.broadcast %parallel_loop3A_212 : f32 to vector<16xf32>
          %parallel_loop3A_214 = arith.constant 0.000000e+00 : f32
          %parallel_loop3A_215 = vector.broadcast %parallel_loop3A_214 : f32 to vector<16xf32>
          %parallel_loop3A_216 = arith.constant 0 : i32
          %parallel_loop3A_217 = tpu.memref_slice %arg9[%parallel_loop3A_216] : memref<22784xf32, #tpu.memory_space<vmem>> -> memref<1424xf32, #tpu.memory_space<vmem>>
          %parallel_loop3A_218 = tpu.vector_load_idx %parallel_loop3A_217[%parallel_loop3A_211] : memref<1424xf32, #tpu.memory_space<vmem>>[vector<16xi32>], vector<16xf32>,
          %parallel_loop3A_219 = arith.mulf %parallel_loop3A_165, %parallel_loop3A_218 : vector<16xf32>
          %parallel_loop3A_220 = arith.addf %parallel_loop3A_215, %parallel_loop3A_219 : vector<16xf32>
          %parallel_loop3A_221 = arith.constant 1424 : i32
          %parallel_loop3A_222 = tpu.memref_slice %arg9[%parallel_loop3A_221] : memref<22784xf32, #tpu.memory_space<vmem>> -> memref<1424xf32, #tpu.memory_space<vmem>>
          %parallel_loop3A_223 = tpu.vector_load_idx %parallel_loop3A_222[%parallel_loop3A_211] : memref<1424xf32, #tpu.memory_space<vmem>>[vector<16xi32>], vector<16xf32>,
          %parallel_loop3A_224 = arith.mulf %parallel_loop3A_172, %parallel_loop3A_223 : vector<16xf32>
          %parallel_loop3A_225 = arith.addf %parallel_loop3A_220, %parallel_loop3A_224 : vector<16xf32>
          %parallel_loop3A_226 = arith.constant 2848 : i32
          %parallel_loop3A_227 = tpu.memref_slice %arg9[%parallel_loop3A_226] : memref<22784xf32, #tpu.memory_space<vmem>> -> memref<1424xf32, #tpu.memory_space<vmem>>
          %parallel_loop3A_228 = tpu.vector_load_idx %parallel_loop3A_227[%parallel_loop3A_211] : memref<1424xf32, #tpu.memory_space<vmem>>[vector<16xi32>], vector<16xf32>,
          %parallel_loop3A_229 = arith.mulf %parallel_loop3A_180, %parallel_loop3A_228 : vector<16xf32>
          %parallel_loop3A_230 = arith.addf %parallel_loop3A_225, %parallel_loop3A_229 : vector<16xf32>
          %parallel_loop3A_231 = arith.constant 4272 : i32
          %parallel_loop3A_232 = tpu.memref_slice %arg9[%parallel_loop3A_231] : memref<22784xf32, #tpu.memory_space<vmem>> -> memref<1424xf32, #tpu.memory_space<vmem>>
          %parallel_loop3A_233 = tpu.vector_load_idx %parallel_loop3A_232[%parallel_loop3A_211] : memref<1424xf32, #tpu.memory_space<vmem>>[vector<16xi32>], vector<16xf32>,
          %parallel_loop3A_234 = arith.mulf %parallel_loop3A_175, %parallel_loop3A_233 : vector<16xf32>
          %parallel_loop3A_235 = arith.addf %parallel_loop3A_230, %parallel_loop3A_234 : vector<16xf32>
          %parallel_loop3A_236 = arith.mulf %parallel_loop3A_138, %parallel_loop3A_235 : vector<16xf32>
          %parallel_loop3A_237 = arith.addf %parallel_loop3A_213, %parallel_loop3A_236 : vector<16xf32>
          %parallel_loop3A_238 = arith.constant 0.000000e+00 : f32
          %parallel_loop3A_239 = vector.broadcast %parallel_loop3A_238 : f32 to vector<16xf32>
          %parallel_loop3A_240 = arith.constant 5696 : i32
          %parallel_loop3A_241 = tpu.memref_slice %arg9[%parallel_loop3A_240] : memref<22784xf32, #tpu.memory_space<vmem>> -> memref<1424xf32, #tpu.memory_space<vmem>>
          %parallel_loop3A_242 = tpu.vector_load_idx %parallel_loop3A_241[%parallel_loop3A_211] : memref<1424xf32, #tpu.memory_space<vmem>>[vector<16xi32>], vector<16xf32>,
          %parallel_loop3A_243 = arith.mulf %parallel_loop3A_165, %parallel_loop3A_242 : vector<16xf32>
          %parallel_loop3A_244 = arith.addf %parallel_loop3A_239, %parallel_loop3A_243 : vector<16xf32>
          %parallel_loop3A_245 = arith.constant 7120 : i32
          %parallel_loop3A_246 = tpu.memref_slice %arg9[%parallel_loop3A_245] : memref<22784xf32, #tpu.memory_space<vmem>> -> memref<1424xf32, #tpu.memory_space<vmem>>
          %parallel_loop3A_247 = tpu.vector_load_idx %parallel_loop3A_246[%parallel_loop3A_211] : memref<1424xf32, #tpu.memory_space<vmem>>[vector<16xi32>], vector<16xf32>,
          %parallel_loop3A_248 = arith.mulf %parallel_loop3A_172, %parallel_loop3A_247 : vector<16xf32>
          %parallel_loop3A_249 = arith.addf %parallel_loop3A_244, %parallel_loop3A_248 : vector<16xf32>
          %parallel_loop3A_250 = arith.constant 8544 : i32
          %parallel_loop3A_251 = tpu.memref_slice %arg9[%parallel_loop3A_250] : memref<22784xf32, #tpu.memory_space<vmem>> -> memref<1424xf32, #tpu.memory_space<vmem>>
          %parallel_loop3A_252 = tpu.vector_load_idx %parallel_loop3A_251[%parallel_loop3A_211] : memref<1424xf32, #tpu.memory_space<vmem>>[vector<16xi32>], vector<16xf32>,
          %parallel_loop3A_253 = arith.mulf %parallel_loop3A_180, %parallel_loop3A_252 : vector<16xf32>
          %parallel_loop3A_254 = arith.addf %parallel_loop3A_249, %parallel_loop3A_253 : vector<16xf32>
          %parallel_loop3A_255 = arith.constant 9968 : i32
          %parallel_loop3A_256 = tpu.memref_slice %arg9[%parallel_loop3A_255] : memref<22784xf32, #tpu.memory_space<vmem>> -> memref<1424xf32, #tpu.memory_space<vmem>>
          %parallel_loop3A_257 = tpu.vector_load_idx %parallel_loop3A_256[%parallel_loop3A_211] : memref<1424xf32, #tpu.memory_space<vmem>>[vector<16xi32>], vector<16xf32>,
          %parallel_loop3A_258 = arith.mulf %parallel_loop3A_175, %parallel_loop3A_257 : vector<16xf32>
          %parallel_loop3A_259 = arith.addf %parallel_loop3A_254, %parallel_loop3A_258 : vector<16xf32>
          %parallel_loop3A_260 = arith.mulf %parallel_loop3A_145, %parallel_loop3A_259 : vector<16xf32>
          %parallel_loop3A_261 = arith.addf %parallel_loop3A_237, %parallel_loop3A_260 : vector<16xf32>
          %parallel_loop3A_262 = arith.constant 0.000000e+00 : f32
          %parallel_loop3A_263 = vector.broadcast %parallel_loop3A_262 : f32 to vector<16xf32>
          %parallel_loop3A_264 = arith.constant 11392 : i32
          %parallel_loop3A_265 = tpu.memref_slice %arg9[%parallel_loop3A_264] : memref<22784xf32, #tpu.memory_space<vmem>> -> memref<1424xf32, #tpu.memory_space<vmem>>
          %parallel_loop3A_266 = tpu.vector_load_idx %parallel_loop3A_265[%parallel_loop3A_211] : memref<1424xf32, #tpu.memory_space<vmem>>[vector<16xi32>], vector<16xf32>,
          %parallel_loop3A_267 = arith.mulf %parallel_loop3A_165, %parallel_loop3A_266 : vector<16xf32>
          %parallel_loop3A_268 = arith.addf %parallel_loop3A_263, %parallel_loop3A_267 : vector<16xf32>
          %parallel_loop3A_269 = arith.constant 12816 : i32
          %parallel_loop3A_270 = tpu.memref_slice %arg9[%parallel_loop3A_269] : memref<22784xf32, #tpu.memory_space<vmem>> -> memref<1424xf32, #tpu.memory_space<vmem>>
          %parallel_loop3A_271 = tpu.vector_load_idx %parallel_loop3A_270[%parallel_loop3A_211] : memref<1424xf32, #tpu.memory_space<vmem>>[vector<16xi32>], vector<16xf32>,
          %parallel_loop3A_272 = arith.mulf %parallel_loop3A_172, %parallel_loop3A_271 : vector<16xf32>
          %parallel_loop3A_273 = arith.addf %parallel_loop3A_268, %parallel_loop3A_272 : vector<16xf32>
          %parallel_loop3A_274 = arith.constant 14240 : i32
          %parallel_loop3A_275 = tpu.memref_slice %arg9[%parallel_loop3A_274] : memref<22784xf32, #tpu.memory_space<vmem>> -> memref<1424xf32, #tpu.memory_space<vmem>>
          %parallel_loop3A_276 = tpu.vector_load_idx %parallel_loop3A_275[%parallel_loop3A_211] : memref<1424xf32, #tpu.memory_space<vmem>>[vector<16xi32>], vector<16xf32>,
          %parallel_loop3A_277 = arith.mulf %parallel_loop3A_180, %parallel_loop3A_276 : vector<16xf32>
          %parallel_loop3A_278 = arith.addf %parallel_loop3A_273, %parallel_loop3A_277 : vector<16xf32>
          %parallel_loop3A_279 = arith.constant 15664 : i32
          %parallel_loop3A_280 = tpu.memref_slice %arg9[%parallel_loop3A_279] : memref<22784xf32, #tpu.memory_space<vmem>> -> memref<1424xf32, #tpu.memory_space<vmem>>
          %parallel_loop3A_281 = tpu.vector_load_idx %parallel_loop3A_280[%parallel_loop3A_211] : memref<1424xf32, #tpu.memory_space<vmem>>[vector<16xi32>], vector<16xf32>,
          %parallel_loop3A_282 = arith.mulf %parallel_loop3A_175, %parallel_loop3A_281 : vector<16xf32>
          %parallel_loop3A_283 = arith.addf %parallel_loop3A_278, %parallel_loop3A_282 : vector<16xf32>
          %parallel_loop3A_284 = arith.mulf %parallel_loop3A_153, %parallel_loop3A_283 : vector<16xf32>
          %parallel_loop3A_285 = arith.addf %parallel_loop3A_261, %parallel_loop3A_284 : vector<16xf32>
          %parallel_loop3A_286 = arith.constant 0.000000e+00 : f32
          %parallel_loop3A_287 = vector.broadcast %parallel_loop3A_286 : f32 to vector<16xf32>
          %parallel_loop3A_288 = arith.constant 17088 : i32
          %parallel_loop3A_289 = tpu.memref_slice %arg9[%parallel_loop3A_288] : memref<22784xf32, #tpu.memory_space<vmem>> -> memref<1424xf32, #tpu.memory_space<vmem>>
          %parallel_loop3A_290 = tpu.vector_load_idx %parallel_loop3A_289[%parallel_loop3A_211] : memref<1424xf32, #tpu.memory_space<vmem>>[vector<16xi32>], vector<16xf32>,
          %parallel_loop3A_291 = arith.mulf %parallel_loop3A_165, %parallel_loop3A_290 : vector<16xf32>
          %parallel_loop3A_292 = arith.addf %parallel_loop3A_287, %parallel_loop3A_291 : vector<16xf32>
          %parallel_loop3A_293 = arith.constant 18512 : i32
          %parallel_loop3A_294 = tpu.memref_slice %arg9[%parallel_loop3A_293] : memref<22784xf32, #tpu.memory_space<vmem>> -> memref<1424xf32, #tpu.memory_space<vmem>>
          %parallel_loop3A_295 = tpu.vector_load_idx %parallel_loop3A_294[%parallel_loop3A_211] : memref<1424xf32, #tpu.memory_space<vmem>>[vector<16xi32>], vector<16xf32>,
          %parallel_loop3A_296 = arith.mulf %parallel_loop3A_172, %parallel_loop3A_295 : vector<16xf32>
          %parallel_loop3A_297 = arith.addf %parallel_loop3A_292, %parallel_loop3A_296 : vector<16xf32>
          %parallel_loop3A_298 = arith.constant 19936 : i32
          %parallel_loop3A_299 = tpu.memref_slice %arg9[%parallel_loop3A_298] : memref<22784xf32, #tpu.memory_space<vmem>> -> memref<1424xf32, #tpu.memory_space<vmem>>
          %parallel_loop3A_300 = tpu.vector_load_idx %parallel_loop3A_299[%parallel_loop3A_211] : memref<1424xf32, #tpu.memory_space<vmem>>[vector<16xi32>], vector<16xf32>,
          %parallel_loop3A_301 = arith.mulf %parallel_loop3A_180, %parallel_loop3A_300 : vector<16xf32>
          %parallel_loop3A_302 = arith.addf %parallel_loop3A_297, %parallel_loop3A_301 : vector<16xf32>
          %parallel_loop3A_303 = arith.constant 21360 : i32
          %parallel_loop3A_304 = tpu.memref_slice %arg9[%parallel_loop3A_303] : memref<22784xf32, #tpu.memory_space<vmem>> -> memref<1424xf32, #tpu.memory_space<vmem>>
          %parallel_loop3A_305 = tpu.vector_load_idx %parallel_loop3A_304[%parallel_loop3A_211] : memref<1424xf32, #tpu.memory_space<vmem>>[vector<16xi32>], vector<16xf32>,
          %parallel_loop3A_306 = arith.mulf %parallel_loop3A_175, %parallel_loop3A_305 : vector<16xf32>
          %parallel_loop3A_307 = arith.addf %parallel_loop3A_302, %parallel_loop3A_306 : vector<16xf32>
          %parallel_loop3A_308 = arith.mulf %parallel_loop3A_148, %parallel_loop3A_307 : vector<16xf32>
          %parallel_loop3A_309 = arith.addf %parallel_loop3A_285, %parallel_loop3A_308 : vector<16xf32>
          %parallel_loop3A_310 = arith.constant 0 : i32
          %parallel_loop3A_311 = tpu.memref_slice %arg10[%parallel_loop3A_310] : memref<160xf32, #tpu.memory_space<vmem>> -> memref<40xf32, #tpu.memory_space<vmem>>
          %parallel_loop3A_312 = tpu.vector_load_idx %parallel_loop3A_311[%parallel_loop3A_126] : memref<40xf32, #tpu.memory_space<vmem>>[vector<16xi32>], vector<16xf32>,
          %parallel_loop3A_313 = arith.mulf %parallel_loop3A_192, %parallel_loop3A_312 : vector<16xf32>
          %parallel_loop3A_314 = arith.constant 40 : i32
          %parallel_loop3A_315 = tpu.memref_slice %arg10[%parallel_loop3A_314] : memref<160xf32, #tpu.memory_space<vmem>> -> memref<40xf32, #tpu.memory_space<vmem>>
          %parallel_loop3A_316 = tpu.vector_load_idx %parallel_loop3A_315[%parallel_loop3A_126] : memref<40xf32, #tpu.memory_space<vmem>>[vector<16xi32>], vector<16xf32>,
          %parallel_loop3A_317 = arith.mulf %parallel_loop3A_199, %parallel_loop3A_316 : vector<16xf32>
          %parallel_loop3A_318 = arith.addf %parallel_loop3A_313, %parallel_loop3A_317 : vector<16xf32>
          %parallel_loop3A_319 = arith.constant 80 : i32
          %parallel_loop3A_320 = tpu.memref_slice %arg10[%parallel_loop3A_319] : memref<160xf32, #tpu.memory_space<vmem>> -> memref<40xf32, #tpu.memory_space<vmem>>
          %parallel_loop3A_321 = tpu.vector_load_idx %parallel_loop3A_320[%parallel_loop3A_126] : memref<40xf32, #tpu.memory_space<vmem>>[vector<16xi32>], vector<16xf32>,
          %parallel_loop3A_322 = arith.mulf %parallel_loop3A_207, %parallel_loop3A_321 : vector<16xf32>
          %parallel_loop3A_323 = arith.addf %parallel_loop3A_318, %parallel_loop3A_322 : vector<16xf32>
          %parallel_loop3A_324 = arith.constant 120 : i32
          %parallel_loop3A_325 = tpu.memref_slice %arg10[%parallel_loop3A_324] : memref<160xf32, #tpu.memory_space<vmem>> -> memref<40xf32, #tpu.memory_space<vmem>>
          %parallel_loop3A_326 = tpu.vector_load_idx %parallel_loop3A_325[%parallel_loop3A_126] : memref<40xf32, #tpu.memory_space<vmem>>[vector<16xi32>], vector<16xf32>,
          %parallel_loop3A_327 = arith.mulf %parallel_loop3A_202, %parallel_loop3A_326 : vector<16xf32>
          %parallel_loop3A_328 = arith.addf %parallel_loop3A_323, %parallel_loop3A_327 : vector<16xf32>
          %parallel_loop3A_329 = tpu.vector_load_idx %arg11[%parallel_loop3A_211] : memref<1424xi32, #tpu.memory_space<vmem>>[vector<16xi32>], vector<16xi32>,
          %parallel_loop3A_330 = arith.shrui %parallel_loop3A_329, %parallel_loop3A_126 : vector<16xi32>
          %parallel_loop3A_331 = arith.constant 1 : i32
          %parallel_loop3A_332 = vector.broadcast %parallel_loop3A_331 : i32 to vector<16xi32>
          %parallel_loop3A_333 = arith.andi %parallel_loop3A_330, %parallel_loop3A_332 : vector<16xi32>
          %parallel_loop3A_334 = arith.constant 40 : i32
          %parallel_loop3A_335 = vector.broadcast %parallel_loop3A_334 : i32 to vector<16xi32>
          %parallel_loop3A_336 = arith.cmpi ult, %parallel_loop3A_98, %parallel_loop3A_335 : vector<16xi32>
          %parallel_loop3A_337 = arith.constant 30 : i32
          %parallel_loop3A_338 = vector.broadcast %parallel_loop3A_337 : i32 to vector<16xi32>
          %parallel_loop3A_339 = arith.cmpi ult, %parallel_loop3A_103, %parallel_loop3A_338 : vector<16xi32>
          %parallel_loop3A_340 = arith.andi %parallel_loop3A_336, %parallel_loop3A_339 : vector<16xi1>
          %parallel_loop3A_341 = arith.constant 31 : i32
          %parallel_loop3A_342 = vector.broadcast %parallel_loop3A_341 : i32 to vector<16xi32>
          %parallel_loop3A_343 = arith.cmpi ult, %parallel_loop3A_108, %parallel_loop3A_342 : vector<16xi32>
          %parallel_loop3A_344 = arith.andi %parallel_loop3A_340, %parallel_loop3A_343 : vector<16xi1>
          %parallel_loop3A_345 = arith.constant 0 : i32
          %parallel_loop3A_346 = vector.broadcast %parallel_loop3A_345 : i32 to vector<16xi32>
          %parallel_loop3A_347 = arith.cmpi ne, %parallel_loop3A_333, %parallel_loop3A_346 : vector<16xi32>
          %parallel_loop3A_348 = arith.andi %parallel_loop3A_344, %parallel_loop3A_347 : vector<16xi1>
          %parallel_loop3A_349 = arith.mulf %parallel_loop3A_309, %parallel_loop3A_328 : vector<16xf32>
          %parallel_loop3A_350 = arith.select %parallel_loop3A_348, %parallel_loop3A_349, %broadcast_in_dim3A_3 : vector<16xi1>, vector<16xf32>
          %parallel_loop3A_351 = arith.index_cast %parallel_loop3A_75 : i32 to index
          %parallel_loop3A_352 = tpu.vector_load %arg18[%parallel_loop3A_351] {strides = array<i32>} : memref<4000xf32, #tpu.memory_space<vmem>>, vector<16xf32>,
          tpu.vector_store %arg18[%parallel_loop3A_351], %parallel_loop3A_350 {strides = array<i32>} : memref<4000xf32, #tpu.memory_space<vmem>>, vector<16xf32>,
        } {sc.loop_unroll_factor = 10 : i64, sc.parallel_access}
        %mul3A_68 = arith.constant 32 : i32
        %mul3A_69 = arith.muli %add3A_31, %mul3A_68 : i32
        %add3A_70 = arith.addi %add3A, %mul3A_69 : i32
        %mul3A_71 = arith.constant 4000 : i32
        %mul3A_72 = arith.muli %add3A_70, %mul3A_71 : i32
        %dma_start3A_73 = tpu.memref_slice %arg8[%mul3A_72] : memref<2000000xf32, #tpu.memory_space<hbm>> -> memref<4000xf32, #tpu.memory_space<hbm>>
        %dma_start3A_74 = tpu.memref_slice %arg8[%mul3A_72] : memref<2000000xf32, #tpu.memory_space<hbm>> -> memref<4000xf32, #tpu.memory_space<hbm>>
        tpu.enqueue_dma source(%arg18 : memref<4000xf32, #tpu.memory_space<vmem>>) target(%dma_start3A_74 : memref<4000xf32, #tpu.memory_space<hbm>>) target_semaphore(%arg22 : memref<!tpu.dma_semaphore, #tpu.memory_space<semaphore_mem>>)
      } else {
      }
      %mul3A_36 = arith.constant 2 : i32
      %mul3A_37 = arith.muli %mul3A_36, %scan3A_26 : i32
      %add3A_38 = arith.constant 1 : i32
      %add3A_39 = arith.addi %mul3A_37, %add3A_38 : i32
      %lt3A_40 = arith.cmpi slt, %add3A_39, %select_n3A : i32
      %convert_element_type3A_41 = arith.extui %lt3A_40 : i1 to i32
      %cond3A_42 = arith.constant 0 : i32
      %cond3A_43 = arith.cmpi ne, %convert_element_type3A_41, %cond3A_42 : i32
      scf.if %cond3A_43 {
        %dma_wait3A = arith.constant 0 : i32
        %dma_wait3A_45 = tpu.memref_slice %arg2[%dma_wait3A] : memref<2000000xf32, #tpu.memory_space<hbm>> -> memref<4000xf32, #tpu.memory_space<hbm>>
        %dma_wait3A_46 = arith.constant 0 : i32
        %dma_wait3A_47 = tpu.memref_slice %arg2[%dma_wait3A_46] : memref<2000000xf32, #tpu.memory_space<hbm>> -> memref<4000xf32, #tpu.memory_space<hbm>>
        tpu.wait_dma2 semaphore(%arg21 : memref<!tpu.dma_semaphore, #tpu.memory_space<semaphore_mem>>) src(%dma_wait3A_47 : memref<4000xf32, #tpu.memory_space<hbm>>) dst(%arg13 : memref<4000xf32, #tpu.memory_space<vmem>>)
        %dma_wait3A_48 = arith.constant 0 : i32
        %dma_wait3A_49 = tpu.memref_slice %arg3[%dma_wait3A_48] : memref<2000000xf32, #tpu.memory_space<hbm>> -> memref<4000xf32, #tpu.memory_space<hbm>>
        %dma_wait3A_50 = arith.constant 0 : i32
        %dma_wait3A_51 = tpu.memref_slice %arg3[%dma_wait3A_50] : memref<2000000xf32, #tpu.memory_space<hbm>> -> memref<4000xf32, #tpu.memory_space<hbm>>
        tpu.wait_dma2 semaphore(%arg21 : memref<!tpu.dma_semaphore, #tpu.memory_space<semaphore_mem>>) src(%dma_wait3A_51 : memref<4000xf32, #tpu.memory_space<hbm>>) dst(%arg15 : memref<4000xf32, #tpu.memory_space<vmem>>)
        %dma_wait3A_52 = arith.constant 0 : i32
        %dma_wait3A_53 = tpu.memref_slice %arg4[%dma_wait3A_52] : memref<2000000xf32, #tpu.memory_space<hbm>> -> memref<4000xf32, #tpu.memory_space<hbm>>
        %dma_wait3A_54 = arith.constant 0 : i32
        %dma_wait3A_55 = tpu.memref_slice %arg4[%dma_wait3A_54] : memref<2000000xf32, #tpu.memory_space<hbm>> -> memref<4000xf32, #tpu.memory_space<hbm>>
        tpu.wait_dma2 semaphore(%arg21 : memref<!tpu.dma_semaphore, #tpu.memory_space<semaphore_mem>>) src(%dma_wait3A_55 : memref<4000xf32, #tpu.memory_space<hbm>>) dst(%arg17 : memref<4000xf32, #tpu.memory_space<vmem>>)
        %add3A_56 = arith.constant 1 : i32
        %add3A_57 = arith.addi %add3A_39, %add3A_56 : i32
        %lt3A_58 = arith.cmpi slt, %add3A_57, %select_n3A : i32
        %convert_element_type3A_59 = arith.extui %lt3A_58 : i1 to i32
        %cond3A_60 = arith.constant 0 : i32
        %cond3A_61 = arith.cmpi ne, %convert_element_type3A_59, %cond3A_60 : i32
        scf.if %cond3A_61 {
          %add3A_75 = arith.constant 1 : i32
          %add3A_76 = arith.addi %add3A_39, %add3A_75 : i32
          %mul3A_77 = arith.constant 32 : i32
          %mul3A_78 = arith.muli %add3A_76, %mul3A_77 : i32
          %add3A_79 = arith.addi %add3A, %mul3A_78 : i32
          %mul3A_80 = arith.constant 4000 : i32
          %mul3A_81 = arith.muli %add3A_79, %mul3A_80 : i32
          %dma_start3A_82 = tpu.memref_slice %arg2[%mul3A_81] : memref<2000000xf32, #tpu.memory_space<hbm>> -> memref<4000xf32, #tpu.memory_space<hbm>>
          %dma_start3A_83 = tpu.memref_slice %arg2[%mul3A_81] : memref<2000000xf32, #tpu.memory_space<hbm>> -> memref<4000xf32, #tpu.memory_space<hbm>>
          tpu.enqueue_dma source(%dma_start3A_83 : memref<4000xf32, #tpu.memory_space<hbm>>) target(%arg12 : memref<4000xf32, #tpu.memory_space<vmem>>) target_semaphore(%arg20 : memref<!tpu.dma_semaphore, #tpu.memory_space<semaphore_mem>>)
          %dma_start3A_84 = tpu.memref_slice %arg3[%mul3A_81] : memref<2000000xf32, #tpu.memory_space<hbm>> -> memref<4000xf32, #tpu.memory_space<hbm>>
          %dma_start3A_85 = tpu.memref_slice %arg3[%mul3A_81] : memref<2000000xf32, #tpu.memory_space<hbm>> -> memref<4000xf32, #tpu.memory_space<hbm>>
          tpu.enqueue_dma source(%dma_start3A_85 : memref<4000xf32, #tpu.memory_space<hbm>>) target(%arg14 : memref<4000xf32, #tpu.memory_space<vmem>>) target_semaphore(%arg20 : memref<!tpu.dma_semaphore, #tpu.memory_space<semaphore_mem>>)
          %dma_start3A_86 = tpu.memref_slice %arg4[%mul3A_81] : memref<2000000xf32, #tpu.memory_space<hbm>> -> memref<4000xf32, #tpu.memory_space<hbm>>
          %dma_start3A_87 = tpu.memref_slice %arg4[%mul3A_81] : memref<2000000xf32, #tpu.memory_space<hbm>> -> memref<4000xf32, #tpu.memory_space<hbm>>
          tpu.enqueue_dma source(%dma_start3A_87 : memref<4000xf32, #tpu.memory_space<hbm>>) target(%arg16 : memref<4000xf32, #tpu.memory_space<vmem>>) target_semaphore(%arg20 : memref<!tpu.dma_semaphore, #tpu.memory_space<semaphore_mem>>)
        } else {
        }
        %ge3A = arith.constant 2 : i32
        %ge3A_62 = arith.cmpi sge, %add3A_39, %ge3A : i32
        %convert_element_type3A_63 = arith.extui %ge3A_62 : i1 to i32
        %cond3A_64 = arith.constant 0 : i32
        %cond3A_65 = arith.cmpi ne, %convert_element_type3A_63, %cond3A_64 : i32
        scf.if %cond3A_65 {
          %dma_wait3A_75 = arith.constant 0 : i32
          %dma_wait3A_76 = tpu.memref_slice %arg8[%dma_wait3A_75] : memref<2000000xf32, #tpu.memory_space<hbm>> -> memref<4000xf32, #tpu.memory_space<hbm>>
          %dma_wait3A_77 = arith.constant 0 : i32
          %dma_wait3A_78 = tpu.memref_slice %arg8[%dma_wait3A_77] : memref<2000000xf32, #tpu.memory_space<hbm>> -> memref<4000xf32, #tpu.memory_space<hbm>>
          tpu.wait_dma2 semaphore(%arg23 : memref<!tpu.dma_semaphore, #tpu.memory_space<semaphore_mem>>) src(%arg19 : memref<4000xf32, #tpu.memory_space<vmem>>) dst(%dma_wait3A_78 : memref<4000xf32, #tpu.memory_space<hbm>>)
        } else {
        }
        %parallel_loop3A = arith.constant 0 : i32
        %parallel_loop3A_66 = arith.constant 4000 : i32
        %parallel_loop3A_67 = arith.constant 16 : i32
        scf.for %parallel_loop3A_75 = %parallel_loop3A to %parallel_loop3A_66 step %parallel_loop3A_67  : i32 {
          %parallel_loop3A_76 = arith.index_cast %parallel_loop3A_75 : i32 to index
          %parallel_loop3A_77 = tpu.vector_load %arg13[%parallel_loop3A_76] {strides = array<i32>} : memref<4000xf32, #tpu.memory_space<vmem>>, vector<16xf32>,
          %parallel_loop3A_78 = arith.index_cast %parallel_loop3A_75 : i32 to index
          %parallel_loop3A_79 = tpu.vector_load %arg15[%parallel_loop3A_78] {strides = array<i32>} : memref<4000xf32, #tpu.memory_space<vmem>>, vector<16xf32>,
          %parallel_loop3A_80 = arith.index_cast %parallel_loop3A_75 : i32 to index
          %parallel_loop3A_81 = tpu.vector_load %arg17[%parallel_loop3A_80] {strides = array<i32>} : memref<4000xf32, #tpu.memory_space<vmem>>, vector<16xf32>,
          %parallel_loop3A_82 = arith.constant 6.250000e-02 : f32
          %parallel_loop3A_83 = vector.broadcast %parallel_loop3A_82 : f32 to vector<16xf32>
          %parallel_loop3A_84 = arith.mulf %parallel_loop3A_77, %parallel_loop3A_83 : vector<16xf32>
          %parallel_loop3A_85 = arith.constant 6.250000e-02 : f32
          %parallel_loop3A_86 = vector.broadcast %parallel_loop3A_85 : f32 to vector<16xf32>
          %parallel_loop3A_87 = arith.mulf %parallel_loop3A_79, %parallel_loop3A_86 : vector<16xf32>
          %parallel_loop3A_88 = arith.constant 2.500000e-01 : f32
          %parallel_loop3A_89 = vector.broadcast %parallel_loop3A_88 : f32 to vector<16xf32>
          %parallel_loop3A_90 = arith.subf %parallel_loop3A_81, %parallel_loop3A_89 : vector<16xf32>
          %parallel_loop3A_91 = arith.constant 4.000000e+00 : f32
          %parallel_loop3A_92 = vector.broadcast %parallel_loop3A_91 : f32 to vector<16xf32>
          %parallel_loop3A_93 = arith.mulf %parallel_loop3A_90, %parallel_loop3A_92 : vector<16xf32>
          %parallel_loop3A_94 = arith.fptosi %parallel_loop3A_84 : vector<16xf32> to vector<16xi32>
          %parallel_loop3A_95 = arith.sitofp %parallel_loop3A_94 : vector<16xi32> to vector<16xf32>
          %parallel_loop3A_96 = arith.cmpf ogt, %parallel_loop3A_95, %parallel_loop3A_84 : vector<16xf32>
          %parallel_loop3A_97 = arith.extui %parallel_loop3A_96 : vector<16xi1> to vector<16xi32>
          %parallel_loop3A_98 = arith.subi %parallel_loop3A_94, %parallel_loop3A_97 : vector<16xi32>
          %parallel_loop3A_99 = arith.fptosi %parallel_loop3A_87 : vector<16xf32> to vector<16xi32>
          %parallel_loop3A_100 = arith.sitofp %parallel_loop3A_99 : vector<16xi32> to vector<16xf32>
          %parallel_loop3A_101 = arith.cmpf ogt, %parallel_loop3A_100, %parallel_loop3A_87 : vector<16xf32>
          %parallel_loop3A_102 = arith.extui %parallel_loop3A_101 : vector<16xi1> to vector<16xi32>
          %parallel_loop3A_103 = arith.subi %parallel_loop3A_99, %parallel_loop3A_102 : vector<16xi32>
          %parallel_loop3A_104 = arith.fptosi %parallel_loop3A_93 : vector<16xf32> to vector<16xi32>
          %parallel_loop3A_105 = arith.sitofp %parallel_loop3A_104 : vector<16xi32> to vector<16xf32>
          %parallel_loop3A_106 = arith.cmpf ogt, %parallel_loop3A_105, %parallel_loop3A_93 : vector<16xf32>
          %parallel_loop3A_107 = arith.extui %parallel_loop3A_106 : vector<16xi1> to vector<16xi32>
          %parallel_loop3A_108 = arith.subi %parallel_loop3A_104, %parallel_loop3A_107 : vector<16xi32>
          %parallel_loop3A_109 = arith.constant 0 : i32
          %parallel_loop3A_110 = arith.constant 39 : i32
          %parallel_loop3A_111 = vector.broadcast %parallel_loop3A_109 : i32 to vector<16xi32>
          %parallel_loop3A_112 = arith.maxsi %parallel_loop3A_111, %parallel_loop3A_98 : vector<16xi32>
          %parallel_loop3A_113 = vector.broadcast %parallel_loop3A_110 : i32 to vector<16xi32>
          %parallel_loop3A_114 = arith.minsi %parallel_loop3A_113, %parallel_loop3A_112 : vector<16xi32>
          %parallel_loop3A_115 = arith.constant 0 : i32
          %parallel_loop3A_116 = arith.constant 29 : i32
          %parallel_loop3A_117 = vector.broadcast %parallel_loop3A_115 : i32 to vector<16xi32>
          %parallel_loop3A_118 = arith.maxsi %parallel_loop3A_117, %parallel_loop3A_103 : vector<16xi32>
          %parallel_loop3A_119 = vector.broadcast %parallel_loop3A_116 : i32 to vector<16xi32>
          %parallel_loop3A_120 = arith.minsi %parallel_loop3A_119, %parallel_loop3A_118 : vector<16xi32>
          %parallel_loop3A_121 = arith.constant 0 : i32
          %parallel_loop3A_122 = arith.constant 30 : i32
          %parallel_loop3A_123 = vector.broadcast %parallel_loop3A_121 : i32 to vector<16xi32>
          %parallel_loop3A_124 = arith.maxsi %parallel_loop3A_123, %parallel_loop3A_108 : vector<16xi32>
          %parallel_loop3A_125 = vector.broadcast %parallel_loop3A_122 : i32 to vector<16xi32>
          %parallel_loop3A_126 = arith.minsi %parallel_loop3A_125, %parallel_loop3A_124 : vector<16xi32>
          %parallel_loop3A_127 = arith.sitofp %parallel_loop3A_114 : vector<16xi32> to vector<16xf32>
          %parallel_loop3A_128 = arith.subf %parallel_loop3A_84, %parallel_loop3A_127 : vector<16xf32>
          %parallel_loop3A_129 = arith.mulf %parallel_loop3A_128, %parallel_loop3A_128 : vector<16xf32>
          %parallel_loop3A_130 = arith.mulf %parallel_loop3A_129, %parallel_loop3A_128 : vector<16xf32>
          %parallel_loop3A_131 = arith.constant 1.000000e+00 : f32
          %parallel_loop3A_132 = vector.broadcast %parallel_loop3A_131 : f32 to vector<16xf32>
          %parallel_loop3A_133 = arith.subf %parallel_loop3A_132, %parallel_loop3A_128 : vector<16xf32>
          %parallel_loop3A_134 = arith.mulf %parallel_loop3A_133, %parallel_loop3A_133 : vector<16xf32>
          %parallel_loop3A_135 = arith.mulf %parallel_loop3A_134, %parallel_loop3A_133 : vector<16xf32>
          %parallel_loop3A_136 = arith.constant 0.166666672 : f32
          %parallel_loop3A_137 = vector.broadcast %parallel_loop3A_136 : f32 to vector<16xf32>
          %parallel_loop3A_138 = arith.mulf %parallel_loop3A_137, %parallel_loop3A_135 : vector<16xf32>
          %parallel_loop3A_139 = arith.constant 5.000000e-01 : f32
          %parallel_loop3A_140 = vector.broadcast %parallel_loop3A_139 : f32 to vector<16xf32>
          %parallel_loop3A_141 = arith.mulf %parallel_loop3A_140, %parallel_loop3A_130 : vector<16xf32>
          %parallel_loop3A_142 = arith.subf %parallel_loop3A_141, %parallel_loop3A_129 : vector<16xf32>
          %parallel_loop3A_143 = arith.constant 0.666666686 : f32
          %parallel_loop3A_144 = vector.broadcast %parallel_loop3A_143 : f32 to vector<16xf32>
          %parallel_loop3A_145 = arith.addf %parallel_loop3A_142, %parallel_loop3A_144 : vector<16xf32>
          %parallel_loop3A_146 = arith.constant 0.166666672 : f32
          %parallel_loop3A_147 = vector.broadcast %parallel_loop3A_146 : f32 to vector<16xf32>
          %parallel_loop3A_148 = arith.mulf %parallel_loop3A_147, %parallel_loop3A_130 : vector<16xf32>
          %parallel_loop3A_149 = arith.constant 1.000000e+00 : f32
          %parallel_loop3A_150 = vector.broadcast %parallel_loop3A_149 : f32 to vector<16xf32>
          %parallel_loop3A_151 = arith.subf %parallel_loop3A_150, %parallel_loop3A_138 : vector<16xf32>
          %parallel_loop3A_152 = arith.subf %parallel_loop3A_151, %parallel_loop3A_145 : vector<16xf32>
          %parallel_loop3A_153 = arith.subf %parallel_loop3A_152, %parallel_loop3A_148 : vector<16xf32>
          %parallel_loop3A_154 = arith.sitofp %parallel_loop3A_120 : vector<16xi32> to vector<16xf32>
          %parallel_loop3A_155 = arith.subf %parallel_loop3A_87, %parallel_loop3A_154 : vector<16xf32>
          %parallel_loop3A_156 = arith.mulf %parallel_loop3A_155, %parallel_loop3A_155 : vector<16xf32>
          %parallel_loop3A_157 = arith.mulf %parallel_loop3A_156, %parallel_loop3A_155 : vector<16xf32>
          %parallel_loop3A_158 = arith.constant 1.000000e+00 : f32
          %parallel_loop3A_159 = vector.broadcast %parallel_loop3A_158 : f32 to vector<16xf32>
          %parallel_loop3A_160 = arith.subf %parallel_loop3A_159, %parallel_loop3A_155 : vector<16xf32>
          %parallel_loop3A_161 = arith.mulf %parallel_loop3A_160, %parallel_loop3A_160 : vector<16xf32>
          %parallel_loop3A_162 = arith.mulf %parallel_loop3A_161, %parallel_loop3A_160 : vector<16xf32>
          %parallel_loop3A_163 = arith.constant 0.166666672 : f32
          %parallel_loop3A_164 = vector.broadcast %parallel_loop3A_163 : f32 to vector<16xf32>
          %parallel_loop3A_165 = arith.mulf %parallel_loop3A_164, %parallel_loop3A_162 : vector<16xf32>
          %parallel_loop3A_166 = arith.constant 5.000000e-01 : f32
          %parallel_loop3A_167 = vector.broadcast %parallel_loop3A_166 : f32 to vector<16xf32>
          %parallel_loop3A_168 = arith.mulf %parallel_loop3A_167, %parallel_loop3A_157 : vector<16xf32>
          %parallel_loop3A_169 = arith.subf %parallel_loop3A_168, %parallel_loop3A_156 : vector<16xf32>
          %parallel_loop3A_170 = arith.constant 0.666666686 : f32
          %parallel_loop3A_171 = vector.broadcast %parallel_loop3A_170 : f32 to vector<16xf32>
          %parallel_loop3A_172 = arith.addf %parallel_loop3A_169, %parallel_loop3A_171 : vector<16xf32>
          %parallel_loop3A_173 = arith.constant 0.166666672 : f32
          %parallel_loop3A_174 = vector.broadcast %parallel_loop3A_173 : f32 to vector<16xf32>
          %parallel_loop3A_175 = arith.mulf %parallel_loop3A_174, %parallel_loop3A_157 : vector<16xf32>
          %parallel_loop3A_176 = arith.constant 1.000000e+00 : f32
          %parallel_loop3A_177 = vector.broadcast %parallel_loop3A_176 : f32 to vector<16xf32>
          %parallel_loop3A_178 = arith.subf %parallel_loop3A_177, %parallel_loop3A_165 : vector<16xf32>
          %parallel_loop3A_179 = arith.subf %parallel_loop3A_178, %parallel_loop3A_172 : vector<16xf32>
          %parallel_loop3A_180 = arith.subf %parallel_loop3A_179, %parallel_loop3A_175 : vector<16xf32>
          %parallel_loop3A_181 = arith.sitofp %parallel_loop3A_126 : vector<16xi32> to vector<16xf32>
          %parallel_loop3A_182 = arith.subf %parallel_loop3A_93, %parallel_loop3A_181 : vector<16xf32>
          %parallel_loop3A_183 = arith.mulf %parallel_loop3A_182, %parallel_loop3A_182 : vector<16xf32>
          %parallel_loop3A_184 = arith.mulf %parallel_loop3A_183, %parallel_loop3A_182 : vector<16xf32>
          %parallel_loop3A_185 = arith.constant 1.000000e+00 : f32
          %parallel_loop3A_186 = vector.broadcast %parallel_loop3A_185 : f32 to vector<16xf32>
          %parallel_loop3A_187 = arith.subf %parallel_loop3A_186, %parallel_loop3A_182 : vector<16xf32>
          %parallel_loop3A_188 = arith.mulf %parallel_loop3A_187, %parallel_loop3A_187 : vector<16xf32>
          %parallel_loop3A_189 = arith.mulf %parallel_loop3A_188, %parallel_loop3A_187 : vector<16xf32>
          %parallel_loop3A_190 = arith.constant 0.166666672 : f32
          %parallel_loop3A_191 = vector.broadcast %parallel_loop3A_190 : f32 to vector<16xf32>
          %parallel_loop3A_192 = arith.mulf %parallel_loop3A_191, %parallel_loop3A_189 : vector<16xf32>
          %parallel_loop3A_193 = arith.constant 5.000000e-01 : f32
          %parallel_loop3A_194 = vector.broadcast %parallel_loop3A_193 : f32 to vector<16xf32>
          %parallel_loop3A_195 = arith.mulf %parallel_loop3A_194, %parallel_loop3A_184 : vector<16xf32>
          %parallel_loop3A_196 = arith.subf %parallel_loop3A_195, %parallel_loop3A_183 : vector<16xf32>
          %parallel_loop3A_197 = arith.constant 0.666666686 : f32
          %parallel_loop3A_198 = vector.broadcast %parallel_loop3A_197 : f32 to vector<16xf32>
          %parallel_loop3A_199 = arith.addf %parallel_loop3A_196, %parallel_loop3A_198 : vector<16xf32>
          %parallel_loop3A_200 = arith.constant 0.166666672 : f32
          %parallel_loop3A_201 = vector.broadcast %parallel_loop3A_200 : f32 to vector<16xf32>
          %parallel_loop3A_202 = arith.mulf %parallel_loop3A_201, %parallel_loop3A_184 : vector<16xf32>
          %parallel_loop3A_203 = arith.constant 1.000000e+00 : f32
          %parallel_loop3A_204 = vector.broadcast %parallel_loop3A_203 : f32 to vector<16xf32>
          %parallel_loop3A_205 = arith.subf %parallel_loop3A_204, %parallel_loop3A_192 : vector<16xf32>
          %parallel_loop3A_206 = arith.subf %parallel_loop3A_205, %parallel_loop3A_199 : vector<16xf32>
          %parallel_loop3A_207 = arith.subf %parallel_loop3A_206, %parallel_loop3A_202 : vector<16xf32>
          %parallel_loop3A_208 = arith.constant 33 : i32
          %parallel_loop3A_209 = vector.broadcast %parallel_loop3A_208 : i32 to vector<16xi32>
          %parallel_loop3A_210 = arith.muli %parallel_loop3A_114, %parallel_loop3A_209 : vector<16xi32>
          %parallel_loop3A_211 = arith.addi %parallel_loop3A_210, %parallel_loop3A_120 : vector<16xi32>
          %parallel_loop3A_212 = arith.constant 0.000000e+00 : f32
          %parallel_loop3A_213 = vector.broadcast %parallel_loop3A_212 : f32 to vector<16xf32>
          %parallel_loop3A_214 = arith.constant 0.000000e+00 : f32
          %parallel_loop3A_215 = vector.broadcast %parallel_loop3A_214 : f32 to vector<16xf32>
          %parallel_loop3A_216 = arith.constant 0 : i32
          %parallel_loop3A_217 = tpu.memref_slice %arg9[%parallel_loop3A_216] : memref<22784xf32, #tpu.memory_space<vmem>> -> memref<1424xf32, #tpu.memory_space<vmem>>
          %parallel_loop3A_218 = tpu.vector_load_idx %parallel_loop3A_217[%parallel_loop3A_211] : memref<1424xf32, #tpu.memory_space<vmem>>[vector<16xi32>], vector<16xf32>,
          %parallel_loop3A_219 = arith.mulf %parallel_loop3A_165, %parallel_loop3A_218 : vector<16xf32>
          %parallel_loop3A_220 = arith.addf %parallel_loop3A_215, %parallel_loop3A_219 : vector<16xf32>
          %parallel_loop3A_221 = arith.constant 1424 : i32
          %parallel_loop3A_222 = tpu.memref_slice %arg9[%parallel_loop3A_221] : memref<22784xf32, #tpu.memory_space<vmem>> -> memref<1424xf32, #tpu.memory_space<vmem>>
          %parallel_loop3A_223 = tpu.vector_load_idx %parallel_loop3A_222[%parallel_loop3A_211] : memref<1424xf32, #tpu.memory_space<vmem>>[vector<16xi32>], vector<16xf32>,
          %parallel_loop3A_224 = arith.mulf %parallel_loop3A_172, %parallel_loop3A_223 : vector<16xf32>
          %parallel_loop3A_225 = arith.addf %parallel_loop3A_220, %parallel_loop3A_224 : vector<16xf32>
          %parallel_loop3A_226 = arith.constant 2848 : i32
          %parallel_loop3A_227 = tpu.memref_slice %arg9[%parallel_loop3A_226] : memref<22784xf32, #tpu.memory_space<vmem>> -> memref<1424xf32, #tpu.memory_space<vmem>>
          %parallel_loop3A_228 = tpu.vector_load_idx %parallel_loop3A_227[%parallel_loop3A_211] : memref<1424xf32, #tpu.memory_space<vmem>>[vector<16xi32>], vector<16xf32>,
          %parallel_loop3A_229 = arith.mulf %parallel_loop3A_180, %parallel_loop3A_228 : vector<16xf32>
          %parallel_loop3A_230 = arith.addf %parallel_loop3A_225, %parallel_loop3A_229 : vector<16xf32>
          %parallel_loop3A_231 = arith.constant 4272 : i32
          %parallel_loop3A_232 = tpu.memref_slice %arg9[%parallel_loop3A_231] : memref<22784xf32, #tpu.memory_space<vmem>> -> memref<1424xf32, #tpu.memory_space<vmem>>
          %parallel_loop3A_233 = tpu.vector_load_idx %parallel_loop3A_232[%parallel_loop3A_211] : memref<1424xf32, #tpu.memory_space<vmem>>[vector<16xi32>], vector<16xf32>,
          %parallel_loop3A_234 = arith.mulf %parallel_loop3A_175, %parallel_loop3A_233 : vector<16xf32>
          %parallel_loop3A_235 = arith.addf %parallel_loop3A_230, %parallel_loop3A_234 : vector<16xf32>
          %parallel_loop3A_236 = arith.mulf %parallel_loop3A_138, %parallel_loop3A_235 : vector<16xf32>
          %parallel_loop3A_237 = arith.addf %parallel_loop3A_213, %parallel_loop3A_236 : vector<16xf32>
          %parallel_loop3A_238 = arith.constant 0.000000e+00 : f32
          %parallel_loop3A_239 = vector.broadcast %parallel_loop3A_238 : f32 to vector<16xf32>
          %parallel_loop3A_240 = arith.constant 5696 : i32
          %parallel_loop3A_241 = tpu.memref_slice %arg9[%parallel_loop3A_240] : memref<22784xf32, #tpu.memory_space<vmem>> -> memref<1424xf32, #tpu.memory_space<vmem>>
          %parallel_loop3A_242 = tpu.vector_load_idx %parallel_loop3A_241[%parallel_loop3A_211] : memref<1424xf32, #tpu.memory_space<vmem>>[vector<16xi32>], vector<16xf32>,
          %parallel_loop3A_243 = arith.mulf %parallel_loop3A_165, %parallel_loop3A_242 : vector<16xf32>
          %parallel_loop3A_244 = arith.addf %parallel_loop3A_239, %parallel_loop3A_243 : vector<16xf32>
          %parallel_loop3A_245 = arith.constant 7120 : i32
          %parallel_loop3A_246 = tpu.memref_slice %arg9[%parallel_loop3A_245] : memref<22784xf32, #tpu.memory_space<vmem>> -> memref<1424xf32, #tpu.memory_space<vmem>>
          %parallel_loop3A_247 = tpu.vector_load_idx %parallel_loop3A_246[%parallel_loop3A_211] : memref<1424xf32, #tpu.memory_space<vmem>>[vector<16xi32>], vector<16xf32>,
          %parallel_loop3A_248 = arith.mulf %parallel_loop3A_172, %parallel_loop3A_247 : vector<16xf32>
          %parallel_loop3A_249 = arith.addf %parallel_loop3A_244, %parallel_loop3A_248 : vector<16xf32>
          %parallel_loop3A_250 = arith.constant 8544 : i32
          %parallel_loop3A_251 = tpu.memref_slice %arg9[%parallel_loop3A_250] : memref<22784xf32, #tpu.memory_space<vmem>> -> memref<1424xf32, #tpu.memory_space<vmem>>
          %parallel_loop3A_252 = tpu.vector_load_idx %parallel_loop3A_251[%parallel_loop3A_211] : memref<1424xf32, #tpu.memory_space<vmem>>[vector<16xi32>], vector<16xf32>,
          %parallel_loop3A_253 = arith.mulf %parallel_loop3A_180, %parallel_loop3A_252 : vector<16xf32>
          %parallel_loop3A_254 = arith.addf %parallel_loop3A_249, %parallel_loop3A_253 : vector<16xf32>
          %parallel_loop3A_255 = arith.constant 9968 : i32
          %parallel_loop3A_256 = tpu.memref_slice %arg9[%parallel_loop3A_255] : memref<22784xf32, #tpu.memory_space<vmem>> -> memref<1424xf32, #tpu.memory_space<vmem>>
          %parallel_loop3A_257 = tpu.vector_load_idx %parallel_loop3A_256[%parallel_loop3A_211] : memref<1424xf32, #tpu.memory_space<vmem>>[vector<16xi32>], vector<16xf32>,
          %parallel_loop3A_258 = arith.mulf %parallel_loop3A_175, %parallel_loop3A_257 : vector<16xf32>
          %parallel_loop3A_259 = arith.addf %parallel_loop3A_254, %parallel_loop3A_258 : vector<16xf32>
          %parallel_loop3A_260 = arith.mulf %parallel_loop3A_145, %parallel_loop3A_259 : vector<16xf32>
          %parallel_loop3A_261 = arith.addf %parallel_loop3A_237, %parallel_loop3A_260 : vector<16xf32>
          %parallel_loop3A_262 = arith.constant 0.000000e+00 : f32
          %parallel_loop3A_263 = vector.broadcast %parallel_loop3A_262 : f32 to vector<16xf32>
          %parallel_loop3A_264 = arith.constant 11392 : i32
          %parallel_loop3A_265 = tpu.memref_slice %arg9[%parallel_loop3A_264] : memref<22784xf32, #tpu.memory_space<vmem>> -> memref<1424xf32, #tpu.memory_space<vmem>>
          %parallel_loop3A_266 = tpu.vector_load_idx %parallel_loop3A_265[%parallel_loop3A_211] : memref<1424xf32, #tpu.memory_space<vmem>>[vector<16xi32>], vector<16xf32>,
          %parallel_loop3A_267 = arith.mulf %parallel_loop3A_165, %parallel_loop3A_266 : vector<16xf32>
          %parallel_loop3A_268 = arith.addf %parallel_loop3A_263, %parallel_loop3A_267 : vector<16xf32>
          %parallel_loop3A_269 = arith.constant 12816 : i32
          %parallel_loop3A_270 = tpu.memref_slice %arg9[%parallel_loop3A_269] : memref<22784xf32, #tpu.memory_space<vmem>> -> memref<1424xf32, #tpu.memory_space<vmem>>
          %parallel_loop3A_271 = tpu.vector_load_idx %parallel_loop3A_270[%parallel_loop3A_211] : memref<1424xf32, #tpu.memory_space<vmem>>[vector<16xi32>], vector<16xf32>,
          %parallel_loop3A_272 = arith.mulf %parallel_loop3A_172, %parallel_loop3A_271 : vector<16xf32>
          %parallel_loop3A_273 = arith.addf %parallel_loop3A_268, %parallel_loop3A_272 : vector<16xf32>
          %parallel_loop3A_274 = arith.constant 14240 : i32
          %parallel_loop3A_275 = tpu.memref_slice %arg9[%parallel_loop3A_274] : memref<22784xf32, #tpu.memory_space<vmem>> -> memref<1424xf32, #tpu.memory_space<vmem>>
          %parallel_loop3A_276 = tpu.vector_load_idx %parallel_loop3A_275[%parallel_loop3A_211] : memref<1424xf32, #tpu.memory_space<vmem>>[vector<16xi32>], vector<16xf32>,
          %parallel_loop3A_277 = arith.mulf %parallel_loop3A_180, %parallel_loop3A_276 : vector<16xf32>
          %parallel_loop3A_278 = arith.addf %parallel_loop3A_273, %parallel_loop3A_277 : vector<16xf32>
          %parallel_loop3A_279 = arith.constant 15664 : i32
          %parallel_loop3A_280 = tpu.memref_slice %arg9[%parallel_loop3A_279] : memref<22784xf32, #tpu.memory_space<vmem>> -> memref<1424xf32, #tpu.memory_space<vmem>>
          %parallel_loop3A_281 = tpu.vector_load_idx %parallel_loop3A_280[%parallel_loop3A_211] : memref<1424xf32, #tpu.memory_space<vmem>>[vector<16xi32>], vector<16xf32>,
          %parallel_loop3A_282 = arith.mulf %parallel_loop3A_175, %parallel_loop3A_281 : vector<16xf32>
          %parallel_loop3A_283 = arith.addf %parallel_loop3A_278, %parallel_loop3A_282 : vector<16xf32>
          %parallel_loop3A_284 = arith.mulf %parallel_loop3A_153, %parallel_loop3A_283 : vector<16xf32>
          %parallel_loop3A_285 = arith.addf %parallel_loop3A_261, %parallel_loop3A_284 : vector<16xf32>
          %parallel_loop3A_286 = arith.constant 0.000000e+00 : f32
          %parallel_loop3A_287 = vector.broadcast %parallel_loop3A_286 : f32 to vector<16xf32>
          %parallel_loop3A_288 = arith.constant 17088 : i32
          %parallel_loop3A_289 = tpu.memref_slice %arg9[%parallel_loop3A_288] : memref<22784xf32, #tpu.memory_space<vmem>> -> memref<1424xf32, #tpu.memory_space<vmem>>
          %parallel_loop3A_290 = tpu.vector_load_idx %parallel_loop3A_289[%parallel_loop3A_211] : memref<1424xf32, #tpu.memory_space<vmem>>[vector<16xi32>], vector<16xf32>,
          %parallel_loop3A_291 = arith.mulf %parallel_loop3A_165, %parallel_loop3A_290 : vector<16xf32>
          %parallel_loop3A_292 = arith.addf %parallel_loop3A_287, %parallel_loop3A_291 : vector<16xf32>
          %parallel_loop3A_293 = arith.constant 18512 : i32
          %parallel_loop3A_294 = tpu.memref_slice %arg9[%parallel_loop3A_293] : memref<22784xf32, #tpu.memory_space<vmem>> -> memref<1424xf32, #tpu.memory_space<vmem>>
          %parallel_loop3A_295 = tpu.vector_load_idx %parallel_loop3A_294[%parallel_loop3A_211] : memref<1424xf32, #tpu.memory_space<vmem>>[vector<16xi32>], vector<16xf32>,
          %parallel_loop3A_296 = arith.mulf %parallel_loop3A_172, %parallel_loop3A_295 : vector<16xf32>
          %parallel_loop3A_297 = arith.addf %parallel_loop3A_292, %parallel_loop3A_296 : vector<16xf32>
          %parallel_loop3A_298 = arith.constant 19936 : i32
          %parallel_loop3A_299 = tpu.memref_slice %arg9[%parallel_loop3A_298] : memref<22784xf32, #tpu.memory_space<vmem>> -> memref<1424xf32, #tpu.memory_space<vmem>>
          %parallel_loop3A_300 = tpu.vector_load_idx %parallel_loop3A_299[%parallel_loop3A_211] : memref<1424xf32, #tpu.memory_space<vmem>>[vector<16xi32>], vector<16xf32>,
          %parallel_loop3A_301 = arith.mulf %parallel_loop3A_180, %parallel_loop3A_300 : vector<16xf32>
          %parallel_loop3A_302 = arith.addf %parallel_loop3A_297, %parallel_loop3A_301 : vector<16xf32>
          %parallel_loop3A_303 = arith.constant 21360 : i32
          %parallel_loop3A_304 = tpu.memref_slice %arg9[%parallel_loop3A_303] : memref<22784xf32, #tpu.memory_space<vmem>> -> memref<1424xf32, #tpu.memory_space<vmem>>
          %parallel_loop3A_305 = tpu.vector_load_idx %parallel_loop3A_304[%parallel_loop3A_211] : memref<1424xf32, #tpu.memory_space<vmem>>[vector<16xi32>], vector<16xf32>,
          %parallel_loop3A_306 = arith.mulf %parallel_loop3A_175, %parallel_loop3A_305 : vector<16xf32>
          %parallel_loop3A_307 = arith.addf %parallel_loop3A_302, %parallel_loop3A_306 : vector<16xf32>
          %parallel_loop3A_308 = arith.mulf %parallel_loop3A_148, %parallel_loop3A_307 : vector<16xf32>
          %parallel_loop3A_309 = arith.addf %parallel_loop3A_285, %parallel_loop3A_308 : vector<16xf32>
          %parallel_loop3A_310 = arith.constant 0 : i32
          %parallel_loop3A_311 = tpu.memref_slice %arg10[%parallel_loop3A_310] : memref<160xf32, #tpu.memory_space<vmem>> -> memref<40xf32, #tpu.memory_space<vmem>>
          %parallel_loop3A_312 = tpu.vector_load_idx %parallel_loop3A_311[%parallel_loop3A_126] : memref<40xf32, #tpu.memory_space<vmem>>[vector<16xi32>], vector<16xf32>,
          %parallel_loop3A_313 = arith.mulf %parallel_loop3A_192, %parallel_loop3A_312 : vector<16xf32>
          %parallel_loop3A_314 = arith.constant 40 : i32
          %parallel_loop3A_315 = tpu.memref_slice %arg10[%parallel_loop3A_314] : memref<160xf32, #tpu.memory_space<vmem>> -> memref<40xf32, #tpu.memory_space<vmem>>
          %parallel_loop3A_316 = tpu.vector_load_idx %parallel_loop3A_315[%parallel_loop3A_126] : memref<40xf32, #tpu.memory_space<vmem>>[vector<16xi32>], vector<16xf32>,
          %parallel_loop3A_317 = arith.mulf %parallel_loop3A_199, %parallel_loop3A_316 : vector<16xf32>
          %parallel_loop3A_318 = arith.addf %parallel_loop3A_313, %parallel_loop3A_317 : vector<16xf32>
          %parallel_loop3A_319 = arith.constant 80 : i32
          %parallel_loop3A_320 = tpu.memref_slice %arg10[%parallel_loop3A_319] : memref<160xf32, #tpu.memory_space<vmem>> -> memref<40xf32, #tpu.memory_space<vmem>>
          %parallel_loop3A_321 = tpu.vector_load_idx %parallel_loop3A_320[%parallel_loop3A_126] : memref<40xf32, #tpu.memory_space<vmem>>[vector<16xi32>], vector<16xf32>,
          %parallel_loop3A_322 = arith.mulf %parallel_loop3A_207, %parallel_loop3A_321 : vector<16xf32>
          %parallel_loop3A_323 = arith.addf %parallel_loop3A_318, %parallel_loop3A_322 : vector<16xf32>
          %parallel_loop3A_324 = arith.constant 120 : i32
          %parallel_loop3A_325 = tpu.memref_slice %arg10[%parallel_loop3A_324] : memref<160xf32, #tpu.memory_space<vmem>> -> memref<40xf32, #tpu.memory_space<vmem>>
          %parallel_loop3A_326 = tpu.vector_load_idx %parallel_loop3A_325[%parallel_loop3A_126] : memref<40xf32, #tpu.memory_space<vmem>>[vector<16xi32>], vector<16xf32>,
          %parallel_loop3A_327 = arith.mulf %parallel_loop3A_202, %parallel_loop3A_326 : vector<16xf32>
          %parallel_loop3A_328 = arith.addf %parallel_loop3A_323, %parallel_loop3A_327 : vector<16xf32>
          %parallel_loop3A_329 = tpu.vector_load_idx %arg11[%parallel_loop3A_211] : memref<1424xi32, #tpu.memory_space<vmem>>[vector<16xi32>], vector<16xi32>,
          %parallel_loop3A_330 = arith.shrui %parallel_loop3A_329, %parallel_loop3A_126 : vector<16xi32>
          %parallel_loop3A_331 = arith.constant 1 : i32
          %parallel_loop3A_332 = vector.broadcast %parallel_loop3A_331 : i32 to vector<16xi32>
          %parallel_loop3A_333 = arith.andi %parallel_loop3A_330, %parallel_loop3A_332 : vector<16xi32>
          %parallel_loop3A_334 = arith.constant 40 : i32
          %parallel_loop3A_335 = vector.broadcast %parallel_loop3A_334 : i32 to vector<16xi32>
          %parallel_loop3A_336 = arith.cmpi ult, %parallel_loop3A_98, %parallel_loop3A_335 : vector<16xi32>
          %parallel_loop3A_337 = arith.constant 30 : i32
          %parallel_loop3A_338 = vector.broadcast %parallel_loop3A_337 : i32 to vector<16xi32>
          %parallel_loop3A_339 = arith.cmpi ult, %parallel_loop3A_103, %parallel_loop3A_338 : vector<16xi32>
          %parallel_loop3A_340 = arith.andi %parallel_loop3A_336, %parallel_loop3A_339 : vector<16xi1>
          %parallel_loop3A_341 = arith.constant 31 : i32
          %parallel_loop3A_342 = vector.broadcast %parallel_loop3A_341 : i32 to vector<16xi32>
          %parallel_loop3A_343 = arith.cmpi ult, %parallel_loop3A_108, %parallel_loop3A_342 : vector<16xi32>
          %parallel_loop3A_344 = arith.andi %parallel_loop3A_340, %parallel_loop3A_343 : vector<16xi1>
          %parallel_loop3A_345 = arith.constant 0 : i32
          %parallel_loop3A_346 = vector.broadcast %parallel_loop3A_345 : i32 to vector<16xi32>
          %parallel_loop3A_347 = arith.cmpi ne, %parallel_loop3A_333, %parallel_loop3A_346 : vector<16xi32>
          %parallel_loop3A_348 = arith.andi %parallel_loop3A_344, %parallel_loop3A_347 : vector<16xi1>
          %parallel_loop3A_349 = arith.mulf %parallel_loop3A_309, %parallel_loop3A_328 : vector<16xf32>
          %parallel_loop3A_350 = arith.select %parallel_loop3A_348, %parallel_loop3A_349, %broadcast_in_dim3A_3 : vector<16xi1>, vector<16xf32>
          %parallel_loop3A_351 = arith.index_cast %parallel_loop3A_75 : i32 to index
          %parallel_loop3A_352 = tpu.vector_load %arg19[%parallel_loop3A_351] {strides = array<i32>} : memref<4000xf32, #tpu.memory_space<vmem>>, vector<16xf32>,
          tpu.vector_store %arg19[%parallel_loop3A_351], %parallel_loop3A_350 {strides = array<i32>} : memref<4000xf32, #tpu.memory_space<vmem>>, vector<16xf32>,
        } {sc.loop_unroll_factor = 10 : i64, sc.parallel_access}
        %mul3A_68 = arith.constant 32 : i32
        %mul3A_69 = arith.muli %add3A_39, %mul3A_68 : i32
        %add3A_70 = arith.addi %add3A, %mul3A_69 : i32
        %mul3A_71 = arith.constant 4000 : i32
        %mul3A_72 = arith.muli %add3A_70, %mul3A_71 : i32
        %dma_start3A_73 = tpu.memref_slice %arg8[%mul3A_72] : memref<2000000xf32, #tpu.memory_space<hbm>> -> memref<4000xf32, #tpu.memory_space<hbm>>
        %dma_start3A_74 = tpu.memref_slice %arg8[%mul3A_72] : memref<2000000xf32, #tpu.memory_space<hbm>> -> memref<4000xf32, #tpu.memory_space<hbm>>
        tpu.enqueue_dma source(%arg19 : memref<4000xf32, #tpu.memory_space<vmem>>) target(%dma_start3A_74 : memref<4000xf32, #tpu.memory_space<hbm>>) target_semaphore(%arg23 : memref<!tpu.dma_semaphore, #tpu.memory_space<semaphore_mem>>)
      } else {
      }
      %scan3A_44 = arith.constant 0 : i32
      scf.yield %scan3A_44 : i32
    }
    %scan3A_18 = arith.constant 8 : i32
    %gt3A = arith.constant 0 : i32
    %gt3A_19 = arith.cmpi sgt, %select_n3A, %gt3A : i32
    %convert_element_type3A = arith.extui %gt3A_19 : i1 to i32
    %cond3A = arith.constant 0 : i32
    %cond3A_20 = arith.cmpi ne, %convert_element_type3A, %cond3A : i32
    scf.if %cond3A_20 {
      %dma_wait3A = arith.constant 0 : i32
      %dma_wait3A_26 = tpu.memref_slice %arg8[%dma_wait3A] : memref<2000000xf32, #tpu.memory_space<hbm>> -> memref<4000xf32, #tpu.memory_space<hbm>>
      %dma_wait3A_27 = arith.constant 0 : i32
      %dma_wait3A_28 = tpu.memref_slice %arg8[%dma_wait3A_27] : memref<2000000xf32, #tpu.memory_space<hbm>> -> memref<4000xf32, #tpu.memory_space<hbm>>
      tpu.wait_dma2 semaphore(%arg22 : memref<!tpu.dma_semaphore, #tpu.memory_space<semaphore_mem>>) src(%arg18 : memref<4000xf32, #tpu.memory_space<vmem>>) dst(%dma_wait3A_28 : memref<4000xf32, #tpu.memory_space<hbm>>)
    } else {
    }
    %gt3A_21 = arith.constant 1 : i32
    %gt3A_22 = arith.cmpi sgt, %select_n3A, %gt3A_21 : i32
    %convert_element_type3A_23 = arith.extui %gt3A_22 : i1 to i32
    %cond3A_24 = arith.constant 0 : i32
    %cond3A_25 = arith.cmpi ne, %convert_element_type3A_23, %cond3A_24 : i32
    scf.if %cond3A_25 {
      %dma_wait3A = arith.constant 0 : i32
      %dma_wait3A_26 = tpu.memref_slice %arg8[%dma_wait3A] : memref<2000000xf32, #tpu.memory_space<hbm>> -> memref<4000xf32, #tpu.memory_space<hbm>>
      %dma_wait3A_27 = arith.constant 0 : i32
      %dma_wait3A_28 = tpu.memref_slice %arg8[%dma_wait3A_27] : memref<2000000xf32, #tpu.memory_space<hbm>> -> memref<4000xf32, #tpu.memory_space<hbm>>
      tpu.wait_dma2 semaphore(%arg23 : memref<!tpu.dma_semaphore, #tpu.memory_space<semaphore_mem>>) src(%arg19 : memref<4000xf32, #tpu.memory_space<vmem>>) dst(%dma_wait3A_28 : memref<4000xf32, #tpu.memory_space<hbm>>)
    } else {
    }
    return
  }
}

</mosaic_0001>

<sc_bundles>
// kernel: kernel.3.cloned.1.call-start
scs
__scs_entry_jumppad:
0x0: {  	(pc) =	sbr.rel $0x88, $3  }
0x1: {  	(tag) =	ssettag $0x0;
	lr =	simm.s32 $0x1  }
0x2: {  	[smem:$0x3F9C] =	sst lr;
	_ =	strace $0xD0000000  }
0x3: {  	_ = 	snop  }
0x4: {  	_ = 	snop  }
0x5: {  	_ = 	snop  }
0x6: {  	_ = 	snop  }
0x7: {  	_ = 	snop  }
__scs_overlays_trampoline_lowered:
0x8: {  	[smem:$0x3FAB] =	sst s0  }
0x9: {  	[smem:$0x3FAC] =	sst s1  }
0xa: {  	[smem:$0x3FAD] =	sst s2  }
0xb: {  	[smem:$0x3FAE] =	sst s3  }
0xc: {  	[smem:$0x3FAF] =	sst s4  }
0xd: {  	[smem:$0x3FB0] =	sst s5  }
0xe: {  	[smem:$0x3FB1] =	sst s6  }
0xf: {  	[smem:$0x3FB2] =	sst s7  }
0x10: {  	[smem:$0x3FB3] =	sst s8  }
0x11: {  	[smem:$0x3FB4] =	sst s9;
	s0 =	simm.s32 @!p0 $0x0  }
0x12: {  	s1 =	sld [smem:$0x3F9A];
	s0 =	simm.s32 @p0 $0x1  }
0x13: {  	[smem:$0x3FB5] =	sst s0;
	s0 =	simm.s32 @!p1 $0x0  }
0x14: {  	s2 =	sld [smem:$0x3F99];
	s0 =	simm.s32 @p1 $0x1  }
0x15: {  	[smem:$0x3FB6] =	sst s0;
	s0 =	simm.s32 @!p2 $0x0  }
0x16: {  	s3 =	sld [smem:$0x3FDB];
	s0 =	simm.s32 @p2 $0x1  }
0x17: {  	s4 =	simm.s32 $0x1BF5;
	[smem:$0x3FB8] =	sst s0  }
0x18: {  	s0 =	sld [smem:$0x3F9B];
	_ =	swait.ge [sflag:s4], $0x0  }
0x19: {  	s7 =	sld [smem:$0x3F9C]  }
0x1a: {  	s8 =	sadd.s32 $0xFFFFE003, lr  }
0x1b: {  	s9 =	sadd.s32 $0xFFFFFEF7, lr;
	s5 =	simm.s32 $0xFFFFFFFF;
	p2 =	slt.u32 s8, $0xFFFFF086  }
0x1c: {  	p1 =	slt.u32 s9, $0xF7A;
	s5 =	simm.s32 @!p2 $0x0  }
0x1d: {  	s5 =	simm.s32 @p1 $0x1;
	p0 =	seq.s32 s7, s2  }
0x1e: {  	s7 =	smul.u32 @!p0 $0xF7A, s2;
	p2 =	seq.s32 @!p0 s5, $0x0  }
0x1f: {  	s9 =	smul.u32 $0xF7A, s1;
	s8 =	simm.s32 @!p0 $0x1BF5;
	p2 =	por !p2, p0  }
0x20: {  	[sflag:s8] =	ssyncset.s32 @!p0 $0xFFFFF086;
	s6 =	sadd.s32 @!p0 s3, s7;
	s7 =	simm.s32 @!p0 $0x108  }
0x21: {  	s3 =	sadd.s32 s3, s9;
	s6 =	sadd.s32 @!p0 $0x88, s6;
	s7 =	simm.s32 @p2 $0x1082  }
0x22: {  	[simem:s7], [sflag:s8] =	dma.local @!p0 [hbm:s6], $0xF7A  }
0x23: {  	s9 =	sor.u32 $0xD0000000, s2;
	s6 =	simm.s32 $0x108;
	_ =	swait.ge @!p0 [sflag:s8], $0x0  }
0x24: {  	s3 =	sadd.s32 $0x88, s3;
	s6 =	simm.s32 @!p1 $0x1082;
	[sflag:s4] =	ssyncset.s32 $0xFFFFF086  }
0x25: {  	[simem:s6], [sflag:s4] =	dma.local [hbm:s3], $0xF7A  }
0x26: {  	[smem:$0x3F9C] =	sst s1;
	(tag) =	ssettag s2;
	_ =	strace s9  }
0x27: {  	s1 =	sld [smem:$0x3FAC]  }
0x28: {  	s2 =	sld [smem:$0x3FAD]  }
0x29: {  	s4 =	sld [smem:$0x3FAF]  }
0x2a: {  	p0 =	seq.s32 s5, $0x0;
	s5 =	sld [smem:$0x3FB0]  }
0x2b: {  	s6 =	sld [smem:$0x3FB1]  }
0x2c: {  	s7 =	sld [smem:$0x3FB2]  }
0x2d: {  	s3 =	simm.s32 $0x108;
	s8 =	sld [smem:$0x3FB3]  }
0x2e: {  	s3 =	simm.s32 @!p0 $0x1082;
	s9 =	sld [smem:$0x3FB4]  }
0x2f: {  	lr =	sadd.s32 s0, s3;
	s0 =	sld [smem:$0x3FAB]  }
0x30: {  	s3 =	sld [smem:$0x3FAE]  }
0x31: {  	[smem:$0x3FB7] =	sst s10  }
0x32: {  	s10 =	sld [smem:$0x3FB5];
	_ =	sdelay $0x3  }
0x33: {  	p0 =	seq.s32 s10, $0x1;
	s10 =	sld [smem:$0x3FB7];
	_ =	sdelay $0x3  }
0x34: {  	[smem:$0x3FB7] =	sst s10  }
0x35: {  	s10 =	sld [smem:$0x3FB6];
	_ =	sdelay $0x3  }
0x36: {  	p1 =	seq.s32 s10, $0x1;
	s10 =	sld [smem:$0x3FB7];
	_ =	sdelay $0x3  }
0x37: {  	[smem:$0x3FB7] =	sst s10  }
0x38: {  	s10 =	sld [smem:$0x3FB8]  }
0x39: {  	_ = 	snop;
	(pc) =	sbr.ind lr, $3  }
0x3a: {  	_ = 	snop  }
0x3b: {  	_ = 	snop  }
0x3c: {  	p2 =	seq.s32 s10, $0x1;
	s10 =	sld [smem:$0x3FB7]  }
0x3d: {  	_ =	shalt  }
0x3e: {  	_ =	shalt  }
0x3f: {  	_ =	shalt  }
0x40: {  	_ =	shalt  }
0x41: {  	_ =	shalt  }
0x42: {  	_ =	shalt  }
0x43: {  	_ =	shalt  }
0x44: {  	_ =	shalt  }
0x45: {  	_ =	shalt  }
0x46: {  	_ =	shalt  }
0x47: {  	_ =	shalt  }
0x48: {  	_ =	shalt  }
0x49: {  	_ =	shalt  }
0x4a: {  	_ =	shalt  }
0x4b: {  	_ =	shalt  }
0x4c: {  	_ =	shalt  }
0x4d: {  	_ =	shalt  }
0x4e: {  	_ =	shalt  }
0x4f: {  	_ =	shalt  }
0x50: {  	_ =	shalt  }
0x51: {  	_ =	shalt  }
0x52: {  	_ =	shalt  }
0x53: {  	_ =	shalt  }
0x54: {  	_ =	shalt  }
0x55: {  	_ =	shalt  }
0x56: {  	_ =	shalt  }
0x57: {  	_ =	shalt  }
0x58: {  	_ =	shalt  }
0x59: {  	_ =	shalt  }
0x5a: {  	_ =	shalt  }
0x5b: {  	_ =	shalt  }
0x5c: {  	_ =	shalt  }
0x5d: {  	_ =	shalt  }
0x5e: {  	_ =	shalt  }
0x5f: {  	_ =	shalt  }
0x60: {  	_ =	shalt  }
0x61: {  	_ =	shalt  }
0x62: {  	_ =	shalt  }
0x63: {  	_ =	shalt  }
0x64: {  	_ =	shalt  }
0x65: {  	_ =	shalt  }
0x66: {  	_ =	shalt  }
0x67: {  	_ =	shalt  }
0x68: {  	_ =	shalt  }
0x69: {  	_ =	shalt  }
0x6a: {  	_ =	shalt  }
0x6b: {  	_ =	shalt  }
0x6c: {  	_ =	shalt  }
0x6d: {  	_ =	shalt  }
0x6e: {  	_ =	shalt  }
0x6f: {  	_ =	shalt  }
0x70: {  	_ =	shalt  }
0x71: {  	_ =	shalt  }
0x72: {  	_ =	shalt  }
0x73: {  	_ =	shalt  }
0x74: {  	_ =	shalt  }
0x75: {  	_ =	shalt  }
0x76: {  	_ =	shalt  }
0x77: {  	_ =	shalt  }
0x78: {  	_ =	shalt  }
0x79: {  	_ =	shalt  }
0x7a: {  	_ =	shalt  }
0x7b: {  	_ =	shalt  }
0x7c: {  	_ =	shalt  }
0x7d: {  	_ =	shalt  }
0x7e: {  	_ =	shalt  }
0x7f: {  	_ =	shalt  }
0x80: {  	_ =	shalt  }
0x81: {  	_ =	shalt  }
0x82: {  	_ =	shalt  }
0x83: {  	_ =	shalt  }
0x84: {  	_ =	shalt  }
0x85: {  	_ =	shalt  }
0x86: {  	_ =	shalt  }
0x87: {  	_ =	shalt  }
.Lfunc_end0:
.L_simem_size_0:
called_computation_lowered:
.L_overlay_start_0:
0x88: {  	s2 =	sld [smem:$0x3FD9]  }
0x89: {  	s3 =	sld [smem:$0x3FFE];
	_ =	sdelay $0x1  }
0x8a: {  	s1 =	srdreg.scid  }
0x8b: {  	s0 =	sand.u32 $0x1, s1  }
0x8c: {  	s17 =	sshll.u32 s0, $0xA;
	s2 =	sadd.s32 s3, s2  }
0x8d: {  	s2 =	sadd.s32 s2, s17  }
0x8e: {  	[smem:$0x3FC3] =	sst s2  }
0x8f: {  	_ = 	snop  }
0x90: {  	s2 =	sld [smem:$0x3FD0];
	(tm) =	ssettm $0x1  }
0x91: {  	s18 =	sld [smem:$0x3FFB];
	_ =	sdelay $0x3  }
0x92: {  	_ =	strace s18  }
0x93: {  	s3 =	sld [smem:$0x3FFC];
	_ =	sdelay $0x3  }
0x94: {  	_ =	strace s3  }
0x95: {  	s3 =	sld [smem:$0x3FFD];
	_ =	sdelay $0x3  }
0x96: {  	_ =	strace s3  }
0x97: {  	_ =	strace $0x8FFFFFFF  }
0x98: {  	s19 =	sld [smem:$0x3FDB];
	_ =	sdelay $0x1  }
0x99: {  	s4 =	simm.s32 $_scs_section_size  }
0x9a: {  	s5 =	simm.s32 $_size__tile_overlayer_lowered;
	s6 =	simm.s32 $_tile_overlayer_lowered  }
0x9b: {  	s22 =	simm.s32 $0x1BFF;
	s21 =	sshll.u32 s6, $0x1;
	s3 =	sadd.s32 s4, s19  }
0x9c: {  	s7 =	simm.s32 $0x0;
	s20 =	sshll.u32 s5, $0x1;
	s5 =	sadd.s32 s21, s3  }
0x9d: {  	[timem:s7], [sflag:s22] =	dma.local [hbm:s5], s20  }
0x9e: {  	_ =	swait.ge [sflag:s22], s20  }
0x9f: {  	s4 =	ssub.s32 $0x0, s20;
	[sflag:s22] =	ssyncset.done $0x0  }
0xa0: {  	[sflag:s22] =	ssyncadd.s32 s4;
	_ =	sdelay $0x1  }
0xa1: {  	s23 =	simm.s32 $0x1B8B  }
0xa2: {  	_ =	swait.ge [sflag:s23], $0x1  }
0xa3: {  	[sflag:s23] =	ssyncset.done $0x0  }
0xa4: {  	s25 =	simm.s32 $0x1B8E;
	s24 =	sld [smem:$0x3FFE];
	[sflag:s23] =	ssyncadd.s32 $0xFFFFFFFF  }
0xa5: {  	s26 =	simm.s32 $execute0_lowered;
	[smem:$0x3FD2] =	sst s25  }
0xa6: {  	s5 =	sshll.u32 s26, $0x1;
	_ =	strace $0x80000046;
	[dreg:$0x1] =	wrdreg $0xFFFFFFFF  }
0xa7: {  	s28 =	simm.s32 $_size_execute0_lowered;
	s3 =	sadd.s32 s3, s5;
	[dreg:$0x0] =	wrdreg $0x0  }
0xa8: {  	s5 =	sshll.u32 s28, $0x1;
	[dreg:$0x2] =	wrdreg s3  }
0xa9: {  	[dreg:$0x3] =	wrdreg s5  }
0xaa: {  	[dreg:$0x4] =	wrdreg $0xC0  }
0xab: {  	_ =	task [dreg:s7], $0x5FFFF  }
0xac: {  	[dreg:$0x1] =	wrdreg $0xFFFFFFFF  }
0xad: {  	[dreg:$0x0] =	wrdreg $0x60  }
0xae: {  	[dreg:$0x2] =	wrdreg s24  }
0xaf: {  	[dreg:$0x3] =	wrdreg s2  }
0xb0: {  	[dreg:$0x4] =	wrdreg $0x9  }
0xb1: {  	_ =	task.clear_ibuf [dreg:s7], $0x5FFFF;
	_ =	strace $0x90000046  }
0xb2: {  	s29 =	simm.s32 $0x9;
	_ =	strace $0x80000048  }
0xb3: {  	_ =	swait.ge [sflag:s29], $0x1  }
0xb4: {  	[sflag:s29] =	ssyncadd.s32 $0xFFFFFFFF  }
0xb5: {  	_ =	strace $0x90000048  }
0xb6: {  	_ =	sfence  }
0xb7: {  	s30 =	sld [smem:$0x0];
	_ =	sdelay $0x2  }
0xb8: {  	s31 =	sshll.u32 s1, $0xD;
	s1 =	sshrl.u32 s1, $0x2  }
0xb9: {  	s3 =	sand.u32 $0x4000, s31;
	s1 =	sadd.s32 s1, s30  }
0xba: {  	s0 =	sor.u32 s3, s0;
	s1 =	sshll.u32 s1, $0x11  }
0xbb: {  	s0 =	sor.u32 s1, s0  }
0xbc: {  	s0 =	sadd.s32 $0x8F2B, s0  }
0xbd: {  	[sflag:s0] =	ssyncadd.remote.s32 $0x1  }
0xbe: {  	_ =	sfence.sel $0xFFFF  }
0xbf: {  	[dreg:$0x0] =	wrdreg $0xFFFFFFFF;
	(pc) =	sbr.abs _section_cstart, $3  }
0xc0: {  	[dreg:$0x1] =	wrdreg $0xFFFFFFFF  }
0xc1: {  	_ =	task.clear_ibuf [dreg:s7], $0x2FFFF;
	_ =	strace $0x9FFFFFFF  }
0xc2: {  	(tm) =	ssettm $0x7FFFFFFF  }
0xc3: {  	_ =	shalt  }
tec
execute0_lowered:
.L_overlay_start_1:
0x0: {  	(tag) =	ssettag $0x1  }
0x1: {  	s4 =	rddreg [dreg:$0x0]  }
0x2: {  	s22 =	rddreg [dreg:$0x1];
	s3 =	simm.s32 $0x0;
	s0 =	srdreg.scid  }
0x3: {  	s5 =	stileid.u32;
	s11 =	simm.s32 $0x10;
	s17 =	simm.s32 $0x5900  }
0x4: {  	s18 =	simm.s32 $0x5A00;
	s28 =	simm.s32 $0x1BD0;
	s29 =	simm.s32 $0x2160  }
0x5: {  	s30 =	simm.s32 $0x26F0;
	s31 =	simm.s32 $0x2C80;
	s19 =	simm.s32 $0x3D30  }
0x6: {  	s20 =	simm.s32 $0x42C0;
	s10 =	simm.s32 $0x5928;
	s12 =	simm.s32 $0x5950  }
0x7: {  	s13 =	simm.s32 $0x5978;
	[smem:$0x7FF] =	sst s3;
	s6 =	sadd.s32 $0x3D400, s4  }
0x8: {  	s7 =	sadd.s32 $0x200, s4;
	s8 =	sadd.s32 $0x7A600, s4;
	s2 =	sadd.s32 $0xB7A00, s4  }
0x9: {  	s23 =	sadd.s32 $0xB7800, s4;
	_ =	strace $0x80000047;
	[dreg:$0x6] =	wrdreg s2  }
0xa: {  	s0 =	sand.u32 $0x1, s0;
	s1 =	sshll.u32 s5, $0x1;
	[dreg:$0x8] =	wrdreg s23  }
0xb: {  	p0 =	slt.u32 s5, $0xA;
	s4 =	simm.s32 $0x37A0;
	[dreg:$0x3] =	wrdreg s6  }
0xc: {  	s21 =	ssub.s32 $0x2, s0;
	s9 =	sor.u32 s0, s1;
	[dreg:$0x4] =	wrdreg s7  }
0xd: {  	s11 =	simm.s32 @!p0 $0xF;
	[dreg:$0x5] =	wrdreg s8;
	s1 =	smul.u32 $0x1F4, s9  }
0xe: {  	s23 =	simm.s32 $0x590;
	s24 =	sshrl.u32 s21, $0x1;
	[dreg:$0x7] =	wrdreg s9  }
0xf: {  	s0 =	ssub.s32 s21, s24;
	s24 =	simm.s32 $0xB20;
	s25 =	sadd.s32 s6, s1  }
.Ltmp0:
0x10: {  	s26 =	sadd.s32 s7, s1;
	[dreg:$0x9] =	wrdreg s25;
	(pc) =	sbr.rel .LBB2_1-.Ltmp0, $4  }
0x11: {  	s21 =	simm.s32 $0x4850;
	s1 =	sadd.s32 s8, s1;
	[dreg:$0xa] =	wrdreg s26  }
0x12: {  	s0 =	smax.u32 s0, $0x1;
	s8 =	simm.s32 $0x5370;
	[dreg:$0xb] =	wrdreg s1  }
0x13: {  	s6 =	simm.s32 $0x0;
	[dreg:$0xc] =	wrdreg s0;
	s25 =	simm.s32 $0x10B0  }
0x14: {  	v0 =	vimm.s32 $0x0;
	s26 =	simm.s32 $0x1640;
	s0 =	simm.s32 $0x3210;
	s1 =	simm.s32 $0x4DE0  }
.LBB2_12:
0x15: {  	s2 =	simm.s32 $0x3  }
0x16: {  	_ =	swait.ge [sflag:s2], $0xFA0  }
0x17: {  	[sflag:s2] =	ssyncset.done $0x0  }
0x18: {  	s5 =	simm.s32 $0x4;
	[sflag:s2] =	ssyncadd.s32 $0xFFFFF060  }
0x19: {  	_ =	swait.ge [sflag:s5], $0xFA0  }
0x1a: {  	s6 =	rddreg [dreg:$0xd]  }
0x1b: {  	s16 =	rddreg [dreg:$0xc];
	s6 =	sadd.s32 $0x1, s6  }
0x1c: {  	p0 =	sne.s32 s6, s16  }
.Ltmp1:
0x1d: {  	_ = 	snop;
	(pc) =	sbr.rel @!p0 .LBB2_13-.Ltmp1, $3  }
0x1e: {  	_ =	sdelay $0x1  }
0x1f: {  	[sflag:s5] =	ssyncset.done $0x0  }
0x20: {  	[sflag:s5] =	ssyncadd.s32 $0xFFFFF060  }
.LBB2_1:
0x21: {  	[dreg:$0xd] =	wrdreg s6  }
0x22: {  	s2 =	rddreg [dreg:$0x6];
	s5 =	simm.s32 $0x5  }
0x23: {  	[tilespmem:s3], [sflag:$0x5] =	stream.linear.gather [hbm4b:s2+s3], $0x5900, $0x38;
	[tilespmem:$0xE000] =	vst v63  }
0x24: {  	_ =	swait.ge [sflag:s5], $0x5900  }
0x25: {  	[sflag:s5] =	ssyncset.done $0x0  }
0x26: {  	s15 =	rddreg [dreg:$0x8];
	[sflag:s5] =	ssyncadd.s32 $0xFFFFA700  }
0x27: {  	[tilespmem:s17], [sflag:$0x5] =	stream.linear.gather [hbm4b:s15+s3], $0x100, $0x38;
	[tilespmem:$0xE000] =	vst v63  }
0x28: {  	_ =	swait.ge [sflag:s5], $0x100  }
0x29: {  	[sflag:s5] =	ssyncset.done $0x0  }
0x2a: {  	[sflag:s5] =	ssyncadd.s32 $0xFFFFFF00  }
0x2b: {  	s16 =	rddreg [dreg:$0x0]  }
0x2c: {  	[tilespmem:s18], [sflag:$0x5] =	stream.linear.gather [hbm4b:s16+s3], $0x600, $0x38;
	[tilespmem:$0xE000] =	vst v63  }
0x2d: {  	_ =	swait.ge [sflag:s5], $0x600  }
0x2e: {  	[sflag:s5] =	ssyncset.done $0x0  }
0x2f: {  	s6 =	simm.s32 $0x6000;
	[sflag:s5] =	ssyncadd.s32 $0xFFFFFA00;
	s5 =	rddreg [dreg:$0x9]  }
0x30: {  	[tilespmem:s6], [sflag:$0x1] =	stream.linear.gather [hbm4b:s5+s3], $0xFA0, $0x38;
	[tilespmem:$0xE000] =	vst v63  }
.Ltmp2:
0x31: {  	_ = 	snop;
	(pc) =	sbr.rel .LBB2_2-.Ltmp2, $4  }
0x32: {  	s14 =	simm.s32 $0x8000;
	s7 =	rddreg [dreg:$0xa]  }
0x33: {  	[tilespmem:s14], [sflag:$0x1] =	stream.linear.gather [hbm4b:s7+s3], $0xFA0, $0x38;
	[tilespmem:$0xE000] =	vst v63  }
0x34: {  	s16 =	simm.s32 $0xA000;
	s15 =	rddreg [dreg:$0xb];
	s14 =	simm.s32 $0x0  }
0x35: {  	[tilespmem:s16], [sflag:$0x1] =	stream.linear.gather [hbm4b:s15+s3], $0xFA0, $0x38;
	[tilespmem:$0xE000] =	vst v63  }
.LBB2_10:
0x36: {  	s2 =	sshll.u32 s16, $0x5;
	s9 =	rddreg [dreg:$0x7]  }
0x37: {  	s2 =	sor.u32 s9, s2  }
0x38: {  	s2 =	smul.u32 $0x1F4, s2;
	_ =	sdelay $0x1  }
0x39: {  	s5 =	simm.s32 $0xD000;
	s2 =	sadd.s32 s22, s2  }
0x3a: {  	[hbm4b:s2+s3] =	stream.linear.scatter [tilespmem:s5], [sflag:$0x4], $0xFA0, $0x38;
	[tilespmem:$0xE000] =	vst v63  }
.LBB2_11:
0x3b: {  	s14 =	sadd.s32 $0x1, s14  }
0x3c: {  	p0 =	sne.s32 s14, $0x8  }
.Ltmp3:
0x3d: {  	_ = 	snop;
	(pc) =	sbr.rel @!p0 .LBB2_12-.Ltmp3, $1  }
0x3e: {  	_ =	sdelay $0x3  }
.LBB2_2:
0x3f: {  	s2 =	sshll.u32 s14, $0x1  }
0x40: {  	p0 =	slt.u32 s2, s11  }
.Ltmp4:
0x41: {  	_ = 	snop;
	(pc) =	sbr.rel @!p0 .LBB2_3-.Ltmp4, $1  }
0x42: {  	_ =	sdelay $0x3  }
0x43: {  	s6 =	simm.s32 $0x1  }
0x44: {  	_ =	swait.ge [sflag:s6], $0xFA0  }
0x45: {  	[sflag:s6] =	ssyncset.done $0x0  }
0x46: {  	[sflag:s6] =	ssyncadd.s32 $0xFFFFF060  }
0x47: {  	s16 =	sor.u32 $0x1, s2;
	_ =	swait.ge [sflag:s6], $0xFA0  }
0x48: {  	p0 =	sge.u32 s16, s11;
	[sflag:s6] =	ssyncset.done $0x0  }
0x49: {  	s5 =	sshll.u32 @!p0 s16, $0x5;
	[sflag:s6] =	ssyncadd.s32 $0xFFFFF060  }
0x4a: {  	s5 =	sor.u32 @!p0 s9, s5;
	_ =	swait.ge [sflag:s6], $0xFA0  }
0x4b: {  	s5 =	smul.u32 @!p0 $0x1F4, s5;
	[sflag:s6] =	ssyncset.done $0x0  }
0x4c: {  	[sflag:s6] =	ssyncadd.s32 $0xFFFFF060;
	s6 =	rddreg [dreg:$0x3]  }
0x4d: {  	s7 =	simm.s32 @!p0 $0x0;
	s9 =	simm.s32 @!p0 $0x7000;
	s6 =	sadd.s32 @!p0 s6, s5  }
0x4e: {  	[tilespmem:s9], [sflag:$0x2] =	stream.linear.gather @!p0 [hbm4b:s6+s7], $0xFA0, $0x38;
	[tilespmem:$0xE000] =	vst v63  }
0x4f: {  	s6 =	rddreg [dreg:$0x4]  }
0x50: {  	s9 =	simm.s32 @!p0 $0x9000;
	s6 =	sadd.s32 @!p0 s6, s5  }
0x51: {  	[tilespmem:s9], [sflag:$0x2] =	stream.linear.gather @!p0 [hbm4b:s6+s7], $0xFA0, $0x38;
	[tilespmem:$0xE000] =	vst v63  }
0x52: {  	s6 =	rddreg [dreg:$0x5]  }
0x53: {  	s5 =	sadd.s32 @!p0 s6, s5;
	s6 =	simm.s32 @!p0 $0xB000  }
0x54: {  	[tilespmem:s6], [sflag:$0x2] =	stream.linear.gather @!p0 [hbm4b:s5+s7], $0xFA0, $0x38;
	[tilespmem:$0xE000] =	vst v63  }
0x55: {  	p0 =	seq.s32 s14, $0x0  }
0x56: {  	s5 =	simm.s32 @!p0 $0x3  }
0x57: {  	s22 =	simm.s32 $0xC050;
	_ =	swait.ge @!p0 [sflag:s5], $0xFA0  }
0x58: {  	s9 =	simm.s32 $0xA050;
	s6 =	simm.s32 $0x6050;
	[sflag:s5] =	ssyncset.done @!p0 $0x0  }
0x59: {  	s7 =	simm.s32 $0x8050;
	[sflag:s5] =	ssyncadd.s32 @!p0 $0xFFFFF060;
	s5 =	simm.s32 $0xFFFFFF60  }
.LBB2_5:
0x5a: {  	v1 =	vld [tilespmem:s7+$0xFFFFFFB0]  }
0x5b: {  	v2 =	vld [tilespmem:s9+$0xFFFFFFB0]  }
0x5c: {  	v3 =	vld [tilespmem:s6+$0xFFFFFFB0];
	_ =	sdelay $0x3  }
0x5d: {  	v4 =	vmul.f32 $6.250000000e-02, v1;
	v1 =	vadd.f32 $-2.500000000e-01, v2  }
0x5e: {  	v5 =	vmul.f32 $6.250000000e-02, v3  }
0x5f: {  	v6 =	vmul.f32 $4.000000000e+00, v1;
	v1 =	vtrunc.f32 v4  }
0x60: {  	v2 =	vtrunc.f32 v5;
	v3 =	vcvt.f32.s32 v1  }
0x61: {  	vm0 =	vlt.f32 v4, v1;
	v7 =	vcvt.f32.s32 v2;
	vm1 =	vlt.f32 v5, v2  }
0x62: {  	v1 =	vsel vm0, $0xFFFFFFFF, v0;
	v2 =	vsel vm1, $0xFFFFFFFF, v0  }
0x63: {  	v1 =	vadd.s32 v3, v1;
	v3 =	vadd.s32 v7, v2;
	v2 =	vtrunc.f32 v6  }
0x64: {  	vm14 =	vgt.s32 v1, $0x0;
	v32 =	vcvt.f32.s32 v2  }
0x65: {  	vm15 =	vlt.f32 v6, v2;
	vm4 =	vgt.s32 v3, $0x0;
	v2 =	vnsel vm14, $0x0, v1  }
0x66: {  	v8 =	vsel vm15, $0xFFFFFFFF, v0;
	v33 =	vnsel vm4, $0x0, v3;
	v9 =	vmin.u32 v2, $0x1D  }
0x67: {  	v2 =	vadd.s32 v32, v8;
	v7 =	vmin.u32 v33, $0x27;
	v34 =	vcvt.s32.f32 v9  }
0x68: {  	vm5 =	vgt.s32 v2, $0x0;
	v10 =	vcvt.s32.f32 v7;
	v7 =	vmul.u32 $0x21, v7  }
0x69: {  	v35 =	vnsel vm5, $0x0, v2;
	v4 =	vsub.f32 v4, v34  }
0x6a: {  	v5 =	vsub.f32 v5, v10;
	v7 =	vadd.s32 v9, v7;
	v8 =	vmin.u32 v35, $0x1E  }
0x6b: {  	v14 =	vcvt.s32.f32 v8;
	v36 =	vmul.f32 v4, v4;
	v37 =	vsub.f32 $1.000000000e+00, v4  }
0x6c: {  	v11 =	vmul.f32 v5, v5;
	v12 =	vsub.f32 $1.000000000e+00, v5  }
0x6d: {  	v6 =	vsub.f32 v6, v14;
	v4 =	vmul.f32 v36, v4;
	v13 =	vmul.f32 v37, v37  }
0x6e: {  	v63 =	vld [tilespmem:s6+$0xFFFFFFC0];
	v5 =	vmul.f32 v11, v5;
	v15 =	vmul.f32 v12, v12  }
0x6f: {  	vm6 =	vlt.u32 v3, $0x28;
	v39 =	vld.idx.msk [tilespmem:v7+s3+$0x0], $0xffff;
	v41 =	vmul.f32 v6, v6;
	v9 =	vmul.f32 v13, v37  }
0x70: {  	vm2 =	vlt.u32 v1, $0x1E;
	v18 =	vld.idx.msk [tilespmem:v7+s25+$0x0], $0xffff;
	v38 =	vmul.f32 $5.000000000e-01, v4;
	v12 =	vmul.f32 v15, v12  }
0x71: {  	v42 =	vsub.f32 $1.000000000e+00, v6;
	v20 =	vld.idx.msk [tilespmem:v7+s26+$0x0], $0xffff;
	v40 =	vmul.f32 $5.000000000e-01, v5;
	v4 =	vmul.f32 $1.666666720e-01, v4  }
0x72: {  	vm0 =	vmand vm6, vm2;
	v43 =	vld.idx.msk [tilespmem:v7+s30+$0x0], $0xffff;
	v5 =	vmul.f32 $1.666666720e-01, v5;
	v6 =	vmul.f32 v41, v6  }
0x73: {  	vm11 =	vlt.u32 v2, $0x1F;
	v44 =	vld.idx.msk [tilespmem:v7+s31+$0x0], $0xffff;
	v22 =	vmul.f32 v42, v42;
	v9 =	vmul.f32 $1.666666720e-01, v9  }
0x74: {  	v46 =	vld.idx.msk [tilespmem:v7+s20+$0x0], $0xffff;
	v10 =	vsub.f32 v38, v36;
	v12 =	vmul.f32 $1.666666720e-01, v12;
	v24 =	vmul.f32 $5.000000000e-01, v6  }
0x75: {  	v29 =	vld.idx.msk [tilespmem:v7+s19+$0x0], $0xffff;
	v11 =	vsub.f32 v40, v11;
	v15 =	vmul.f32 v22, v42;
	v6 =	vmul.f32 $1.666666720e-01, v6  }
0x76: {  	v16 =	vld.idx.msk [tilespmem:v7+s23+$0x0], $0xffff;
	v22 =	vmul.f32 $6.250000000e-02, v63;
	v10 =	vadd.f32 $6.666666860e-01, v10;
	v19 =	vsub.f32 $1.000000000e+00, v9  }
0x77: {  	v23 =	vld.idx.msk [tilespmem:v7+s28+$0x0], $0xffff;
	v11 =	vadd.f32 $6.666666860e-01, v11;
	v14 =	vmul.f32 v9, v39;
	v20 =	vmul.f32 v9, v20  }
0x78: {  	v17 =	vld.idx.msk [tilespmem:v7+s24+$0x0], $0xffff;
	v21 =	vsub.f32 $1.000000000e+00, v12;
	v47 =	vmul.f32 v9, v44;
	v18 =	vmul.f32 v4, v18  }
0x79: {  	v26 =	vld.idx.msk [tilespmem:v7+s0+$0x0], $0xffff;
	v9 =	vmul.f32 v46, v9;
	v53 =	vmul.f32 v4, v43;
	v19 =	vsub.f32 v19, v10  }
0x7a: {  	v25 =	vld.idx.msk [tilespmem:v7+s29+$0x0], $0xffff;
	v57 =	vmul.f32 v29, v4;
	v13 =	vsub.f32 v24, v41;
	v15 =	vmul.f32 $1.666666720e-01, v15  }
0x7b: {  	v48 =	vld.idx.msk [tilespmem:v7+s21+$0x0], $0xffff;
	v14 =	vadd.f32 $0.0e+00, v14;
	v16 =	vmul.f32 v10, v16;
	v19 =	vsub.f32 v19, v4  }
0x7c: {  	v27 =	vld.idx.msk [tilespmem:v7+s4+$0x0], $0xffff;
	v21 =	vsub.f32 v21, v11;
	v20 =	vadd.f32 $0.0e+00, v20;
	v23 =	vmul.f32 v10, v23  }
0x7d: {  	v50 =	vld.idx.msk [tilespmem:v7+s1+$0x0], $0xffff;
	v9 =	vadd.f32 $0.0e+00, v9;
	v14 =	vadd.f32 v16, v14;
	v45 =	vmul.f32 v19, v17  }
0x7e: {  	v26 =	vmul.f32 v10, v26;
	v13 =	vadd.f32 $6.666666860e-01, v13;
	v16 =	vadd.f32 $0.0e+00, v47  }
0x7f: {  	v30 =	vld.idx.msk [tilespmem:v7+s8+$0x0], $0xffff;
	v20 =	vadd.f32 v23, v20;
	v49 =	vmul.f32 v19, v25;
	v14 =	vadd.f32 v45, v14  }
0x80: {  	v10 =	vmul.f32 v48, v10;
	v28 =	vsub.f32 $1.000000000e+00, v15;
	v16 =	vadd.f32 v26, v16  }
0x81: {  	v54 =	vmul.f32 v19, v27;
	v51 =	vadd.f32 v49, v20;
	v14 =	vadd.f32 v14, v18  }
0x82: {  	v21 =	vsub.f32 v21, v5;
	v9 =	vadd.f32 v10, v9;
	v59 =	vmul.f32 v19, v50;
	v18 =	vld [tilespmem:s7+$0xFFFFFFC0]  }
0x83: {  	v58 =	vld.idx.msk [tilespmem:v8+s12+$0x0], $0xffff;
	v16 =	vadd.f32 v54, v16;
	v56 =	vadd.f32 v51, v53;
	v12 =	vmul.f32 v14, v12  }
0x84: {  	v4 =	vmul.f32 v30, v4;
	v28 =	vsub.f32 v28, v13;
	v9 =	vadd.f32 v59, v9  }
0x85: {  	v60 =	vadd.f32 v16, v57;
	v11 =	vmul.f32 v56, v11;
	v12 =	vadd.f32 $0.0e+00, v12  }
0x86: {  	v26 =	vtrunc.f32 v22;
	v28 =	vsub.f32 v28, v6;
	v4 =	vadd.f32 v9, v4  }
0x87: {  	v52 =	vld.idx.msk [tilespmem:v8+s17+$0x0], $0xffff;
	v17 =	vmul.f32 v60, v21;
	v25 =	vmul.f32 $6.250000000e-02, v18;
	v11 =	vadd.f32 v12, v11  }
0x88: {  	v3 =	vld [tilespmem:s9+$0xFFFFFFC0];
	v27 =	vcvt.f32.s32 v26;
	vm7 =	vlt.f32 v22, v26;
	v20 =	vmul.f32 v58, v28  }
0x89: {  	v55 =	vld.idx.msk [tilespmem:v8+s10+$0x0], $0xffff;
	v4 =	vmul.f32 v4, v5;
	v28 =	vtrunc.f32 v25;
	v11 =	vadd.f32 v11, v17  }
0x8a: {  	vm0 =	vmand vm0, vm11;
	v29 =	vsel vm7, $0xFFFFFFFF, v0;
	v30 =	vcvt.f32.s32 v28  }
0x8b: {  	v61 =	vld.idx.msk [tilespmem:v8+s13+$0x0], $0xffff;
	vm8 =	vlt.f32 v25, v28;
	v23 =	vadd.f32 v11, v4;
	v4 =	vadd.s32 v27, v29  }
0x8c: {  	v7 =	vld.idx.msk [tilespmem:v7+s18+$0x0], $0xffff;
	v62 =	vmul.f32 v52, v15;
	v1 =	vsel vm8, $0xFFFFFFFF, v0;
	vm9 =	vgt.s32 v4, $0x0  }
0x8d: {  	v5 =	vadd.s32 v30, v1;
	v1 =	vadd.f32 $-2.500000000e-01, v3;
	v3 =	vnsel vm9, $0x0, v4  }
0x8e: {  	v13 =	vmul.f32 v55, v13;
	vm10 =	vgt.s32 v5, $0x0;
	v2 =	vmin.u32 v3, $0x27  }
0x8f: {  	v3 =	vnsel vm10, $0x0, v5;
	v31 =	vcvt.s32.f32 v2;
	v2 =	vmul.u32 $0x21, v2  }
0x90: {  	v19 =	vadd.f32 v13, v62;
	v1 =	vmul.f32 $4.000000000e+00, v1;
	v3 =	vmin.u32 v3, $0x1D  }
0x91: {  	v7 =	vshrl.u32 v7, v8;
	v6 =	vmul.f32 v61, v6;
	v2 =	vadd.s32 v3, v2  }
0x92: {  	v21 =	vadd.f32 v20, v19;
	v33 =	vtrunc.f32 v1;
	v32 =	vcvt.s32.f32 v3  }
0x93: {  	vm13 =	vlt.f32 v1, v33;
	v35 =	vcvt.f32.s32 v33;
	v8 =	vsub.f32 v22, v31  }
0x94: {  	v24 =	vadd.f32 v6, v21;
	v36 =	vsel vm13, $0xFFFFFFFF, v0;
	v34 =	vsub.f32 v25, v32  }
0x95: {  	v6 =	vadd.s32 v35, v36;
	v37 =	vmul.f32 v8, v8;
	v40 =	vsub.f32 $1.000000000e+00, v8  }
0x96: {  	vm14 =	vgt.s32 v6, $0x0;
	v38 =	vmul.f32 v34, v34;
	v39 =	vsub.f32 $1.000000000e+00, v34;
	v48 =	vld.idx.msk [tilespmem:v2+s3+$0x0], $0xffff  }
0x97: {  	v43 =	vnsel vm14, $0x0, v6;
	v3 =	vmul.f32 v37, v8;
	v44 =	vmul.f32 v40, v40;
	v49 =	vld.idx.msk [tilespmem:v2+s23+$0x0], $0xffff  }
0x98: {  	v15 =	vmin.u32 v43, $0x1E;
	v41 =	vmul.f32 v38, v34;
	v42 =	vmul.f32 v39, v39;
	v50 =	vld.idx.msk [tilespmem:v2+s24+$0x0], $0xffff  }
0x99: {  	v7 =	vand.u32 $0x1, v7;
	v47 =	vcvt.s32.f32 v15;
	v53 =	vld.idx.msk [tilespmem:v2+s25+$0x0], $0xffff;
	v45 =	vmul.f32 $5.000000000e-01, v3  }
0x9a: {  	vm12 =	veq.s32 v7, $0x1;
	v63 =	vld.idx.msk [tilespmem:v2+s30+$0x0], $0xffff;
	v7 =	vmul.f32 v44, v40;
	v3 =	vmul.f32 $1.666666720e-01, v3  }
0x9b: {  	v56 =	vld.idx.msk [tilespmem:v2+s26+$0x0], $0xffff;
	v9 =	vmul.f32 v42, v39;
	v46 =	vmul.f32 $5.000000000e-01, v41;
	v16 =	vsub.f32 v1, v47  }
0x9c: {  	v61 =	vld.idx.msk [tilespmem:v2+s31+$0x0], $0xffff;
	v1 =	vmul.f32 v23, v24;
	v8 =	vmul.f32 $1.666666720e-01, v41;
	v12 =	vsub.f32 v45, v37  }
0x9d: {  	v34 =	vld.idx.msk [tilespmem:v2+s20+$0x0], $0xffff;
	v7 =	vmul.f32 $1.666666720e-01, v7;
	v13 =	vsub.f32 v46, v38;
	v55 =	vmul.f32 v16, v16  }
0x9e: {  	v58 =	vld.idx.msk [tilespmem:v2+s28+$0x0], $0xffff;
	v9 =	vmul.f32 $1.666666720e-01, v9;
	v57 =	vsub.f32 $1.000000000e+00, v16;
	v12 =	vadd.f32 $6.666666860e-01, v12  }
0x9f: {  	v59 =	vld.idx.msk [tilespmem:v2+s29+$0x0], $0xffff;
	v54 =	vsub.f32 $1.000000000e+00, v7;
	v43 =	vmul.f32 v8, v63;
	v16 =	vmul.f32 v55, v16  }
0xa0: {  	v32 =	vld.idx.msk [tilespmem:v2+s0+$0x0], $0xffff;
	v51 =	vadd.f32 $6.666666860e-01, v13;
	v17 =	vmul.f32 v9, v48;
	v60 =	vmul.f32 v57, v57  }
0xa1: {  	v37 =	vld.idx.msk [tilespmem:v2+s21+$0x0], $0xffff;
	v52 =	vsub.f32 $1.000000000e+00, v9;
	v21 =	vmul.f32 v9, v56;
	v36 =	vmul.f32 v9, v61  }
0xa2: {  	v39 =	vld.idx.msk [tilespmem:v2+s19+$0x0], $0xffff;
	v13 =	vmul.f32 v8, v53;
	v9 =	vmul.f32 v34, v9;
	v19 =	vsub.f32 v54, v12  }
0xa3: {  	v35 =	vld.idx.msk [tilespmem:v2+s4+$0x0], $0xffff;
	v11 =	vsub.f32 v52, v51;
	v62 =	vmul.f32 $5.000000000e-01, v16;
	v17 =	vadd.f32 $0.0e+00, v17  }
0xa4: {  	v42 =	vld.idx.msk [tilespmem:v2+s8+$0x0], $0xffff;
	v14 =	vmul.f32 v51, v49;
	v22 =	vmul.f32 v60, v57;
	v21 =	vadd.f32 $0.0e+00, v21  }
0xa5: {  	v40 =	vld.idx.msk [tilespmem:v2+s1+$0x0], $0xffff;
	v23 =	vmul.f32 v51, v58;
	v25 =	vmul.f32 v51, v32;
	v9 =	vadd.f32 $0.0e+00, v9  }
0xa6: {  	v53 =	vld [tilespmem:s7+$0xFFFFFFD0];
	v10 =	vmul.f32 v37, v51;
	v19 =	vsub.f32 v19, v3;
	v11 =	vsub.f32 v11, v8  }
0xa7: {  	v45 =	vld.idx.msk [tilespmem:v15+s17+$0x0], $0xffff;
	v51 =	vmul.f32 v39, v8;
	v20 =	vsub.f32 v62, v55;
	v14 =	vadd.f32 v14, v17  }
0xa8: {  	v22 =	vmul.f32 $1.666666720e-01, v22;
	v21 =	vadd.f32 v23, v21;
	v17 =	vadd.f32 $0.0e+00, v36;
	v55 =	vld [tilespmem:s6+$0xFFFFFFD0]  }
0xa9: {  	v9 =	vadd.f32 v10, v9;
	v8 =	vmul.f32 v42, v8;
	v33 =	vmul.f32 v11, v50  }
0xaa: {  	v38 =	vmul.f32 v11, v59;
	v17 =	vadd.f32 v25, v17;
	v44 =	vmul.f32 v11, v35  }
0xab: {  	v52 =	vmul.f32 v11, v40;
	v11 =	vmul.f32 $6.250000000e-02, v53;
	v14 =	vadd.f32 v33, v14  }
0xac: {  	v46 =	vsub.f32 $1.000000000e+00, v22;
	v58 =	vmul.f32 v45, v22;
	v41 =	vadd.f32 v38, v21  }
0xad: {  	v22 =	vtrunc.f32 v11;
	v62 =	vmul.f32 $6.250000000e-02, v55;
	v13 =	vadd.f32 v14, v13  }
0xae: {  	v23 =	vld.idx.msk [tilespmem:v2+s18+$0x0], $0xffff;
	v49 =	vadd.f32 v44, v17;
	v24 =	vcvt.f32.s32 v22;
	vm15 =	vlt.f32 v11, v22  }
0xaf: {  	v21 =	vld [tilespmem:s9+$0xFFFFFFD0];
	v48 =	vadd.f32 v41, v43;
	v2 =	vtrunc.f32 v62;
	v7 =	vmul.f32 v13, v7  }
0xb0: {  	v25 =	vcvt.f32.s32 v2;
	vm4 =	vlt.f32 v62, v2;
	v2 =	vsel vm15, $0xFFFFFFFF, v0  }
0xb1: {  	v9 =	vadd.f32 v52, v9;
	v14 =	vadd.f32 v49, v51;
	v2 =	vadd.s32 v24, v2  }
0xb2: {  	v12 =	vmul.f32 v48, v12;
	v7 =	vadd.f32 $0.0e+00, v7;
	vm5 =	vgt.s32 v2, $0x0  }
0xb3: {  	v8 =	vadd.f32 v9, v8;
	v59 =	vmul.f32 v14, v19;
	v27 =	vnsel vm5, $0x0, v2  }
0xb4: {  	v26 =	vadd.f32 $-2.500000000e-01, v21;
	v7 =	vadd.f32 v7, v12;
	v10 =	vmin.u32 v27, $0x1D  }
0xb5: {  	vm0 =	vmand vm0, vm12;
	vm8 =	vlt.u32 v5, $0x1E;
	v32 =	vcvt.s32.f32 v10  }
0xb6: {  	v3 =	vmul.f32 v8, v3;
	v30 =	vmul.f32 $4.000000000e+00, v26;
	v7 =	vadd.f32 v7, v59  }
0xb7: {  	v16 =	vmul.f32 $1.666666720e-01, v16;
	v20 =	vadd.f32 $6.666666860e-01, v20;
	v11 =	vsub.f32 v11, v32  }
0xb8: {  	v34 =	vtrunc.f32 v30;
	v7 =	vadd.f32 v7, v3;
	v3 =	vsel vm4, $0xFFFFFFFF, v0  }
0xb9: {  	v3 =	vadd.s32 v25, v3;
	v14 =	vmul.f32 v11, v11;
	v37 =	vsub.f32 $1.000000000e+00, v11  }
0xba: {  	v54 =	vsub.f32 v46, v20;
	vm9 =	vlt.f32 v30, v34;
	vm6 =	vgt.s32 v3, $0x0  }
0xbb: {  	v50 =	vld.idx.msk [tilespmem:v15+s12+$0x0], $0xffff;
	v29 =	vnsel vm6, $0x0, v3;
	v39 =	vmul.f32 v14, v11;
	v40 =	vmul.f32 v37, v37  }
0xbc: {  	v5 =	vcvt.f32.s32 v34;
	v35 =	vsel vm9, $0xFFFFFFFF, v0;
	v31 =	vmin.u32 v29, $0x27  }
0xbd: {  	v9 =	vmul.u32 $0x21, v31;
	v43 =	vmul.f32 $5.000000000e-01, v39;
	v44 =	vmul.f32 v40, v37  }
0xbe: {  	vm11 =	vlt.u32 v6, $0x1F;
	v47 =	vld.idx.msk [tilespmem:v15+s10+$0x0], $0xffff;
	v57 =	vsub.f32 v54, v16;
	v5 =	vadd.s32 v5, v35  }
0xbf: {  	v9 =	vadd.s32 v10, v9;
	v14 =	vsub.f32 v43, v14;
	v6 =	vmul.f32 $1.666666720e-01, v44  }
0xc0: {  	vm7 =	vlt.u32 v4, $0x28;
	v61 =	vmul.f32 v50, v57;
	vm10 =	vgt.s32 v5, $0x0  }
0xc1: {  	v56 =	vld.idx.msk [tilespmem:v15+s13+$0x0], $0xffff;
	v41 =	vnsel vm10, $0x0, v5;
	v14 =	vadd.f32 $6.666666860e-01, v14;
	v50 =	vsub.f32 $1.000000000e+00, v6  }
0xc2: {  	v1 =	vnsel vm0, $0x7FC00000, v1;
	vm0 =	vmand vm7, vm8;
	v11 =	vmin.u32 v41, $0x1E  }
0xc3: {  	v20 =	vmul.f32 v47, v20;
	v47 =	vcvt.s32.f32 v11;
	v21 =	vsub.f32 v50, v14;
	v50 =	vld [tilespmem:s9+$0xFFFFFFE0]  }
0xc4: {  	vm0 =	vmand vm0, vm11;
	v33 =	vcvt.s32.f32 v31;
	v46 =	vld.idx.msk [tilespmem:v9+s3+$0x0], $0xffff  }
0xc5: {  	v28 =	vshrl.u32 v23, v15;
	v60 =	vadd.f32 v20, v58;
	v15 =	vsub.f32 v30, v47;
	v48 =	vld.idx.msk [tilespmem:v9+s23+$0x0], $0xffff  }
0xc6: {  	v20 =	vmul.f32 v56, v16;
	v13 =	vand.u32 $0x1, v28;
	v4 =	vsub.f32 v62, v33;
	v49 =	vld.idx.msk [tilespmem:v9+s24+$0x0], $0xffff  }
0xc7: {  	vm12 =	veq.s32 v13, $0x1;
	v63 =	vadd.f32 v61, v60;
	v54 =	vsub.f32 $1.000000000e+00, v15;
	v51 =	vld.idx.msk [tilespmem:v9+s25+$0x0], $0xffff  }
0xc8: {  	vm0 =	vmand vm0, vm12;
	v56 =	vmul.f32 v15, v15;
	v36 =	vmul.f32 v4, v4;
	v53 =	vld.idx.msk [tilespmem:v9+s26+$0x0], $0xffff  }
0xc9: {  	v12 =	vmul.f32 $1.666666720e-01, v39;
	v38 =	vsub.f32 $1.000000000e+00, v4;
	v58 =	vmul.f32 v54, v54;
	v55 =	vld.idx.msk [tilespmem:v9+s28+$0x0], $0xffff  }
0xca: {  	vm8 =	vlt.u32 v2, $0x1E;
	v15 =	vmul.f32 v56, v15;
	v4 =	vmul.f32 v36, v4;
	v57 =	vld.idx.msk [tilespmem:v9+s29+$0x0], $0xffff  }
0xcb: {  	v8 =	vadd.f32 v20, v63;
	v42 =	vmul.f32 v38, v38;
	v59 =	vld.idx.msk [tilespmem:v9+s31+$0x0], $0xffff;
	v24 =	vmul.f32 v58, v54  }
0xcc: {  	vm9 =	vlt.u32 v5, $0x1F;
	v60 =	vld.idx.msk [tilespmem:v9+s30+$0x0], $0xffff;
	v62 =	vmul.f32 $5.000000000e-01, v15;
	v15 =	vmul.f32 $1.666666720e-01, v15  }
0xcd: {  	vm7 =	vlt.u32 v3, $0x28;
	v61 =	vld.idx.msk [tilespmem:v9+s0+$0x0], $0xffff;
	v10 =	vmul.f32 v42, v38;
	v45 =	vmul.f32 $5.000000000e-01, v4  }
0xce: {  	vm1 =	vmand vm7, vm8;
	v63 =	vld.idx.msk [tilespmem:v9+s20+$0x0], $0xffff;
	v22 =	vmul.f32 $1.666666720e-01, v4;
	v24 =	vmul.f32 $1.666666720e-01, v24  }
0xcf: {  	v31 =	vld.idx.msk [tilespmem:v9+s4+$0x0], $0xffff;
	v21 =	vsub.f32 v21, v12;
	v10 =	vmul.f32 $1.666666720e-01, v10;
	v18 =	vmul.f32 v6, v46  }
0xd0: {  	v34 =	vld.idx.msk [tilespmem:v9+s21+$0x0], $0xffff;
	v13 =	vsub.f32 v62, v56;
	v20 =	vmul.f32 v14, v48;
	v23 =	vmul.f32 v6, v53  }
0xd1: {  	v37 =	vld.idx.msk [tilespmem:v9+s1+$0x0], $0xffff;
	v16 =	vsub.f32 v45, v36;
	v17 =	vmul.f32 v21, v49;
	v25 =	vmul.f32 v14, v55  }
0xd2: {  	v42 =	vld.idx.msk [tilespmem:v11+s17+$0x0], $0xffff;
	v13 =	vadd.f32 $6.666666860e-01, v13;
	v33 =	vmul.f32 v6, v59;
	v19 =	vmul.f32 v12, v51  }
0xd3: {  	v36 =	vld.idx.msk [tilespmem:v9+s19+$0x0], $0xffff;
	v16 =	vadd.f32 $6.666666860e-01, v16;
	v35 =	vmul.f32 v21, v57;
	v27 =	vmul.f32 v14, v61  }
0xd4: {  	v39 =	vld.idx.msk [tilespmem:v9+s8+$0x0], $0xffff;
	v52 =	vsub.f32 $1.000000000e+00, v10;
	v6 =	vmul.f32 v63, v6;
	v40 =	vmul.f32 v12, v60  }
0xd5: {  	v41 =	vmul.f32 v21, v31;
	v14 =	vmul.f32 v34, v14;
	v46 =	vsub.f32 $1.000000000e+00, v24;
	v49 =	vld [tilespmem:s7+$0xFFFFFFE0]  }
0xd6: {  	v47 =	vmul.f32 v21, v37;
	v53 =	vld [tilespmem:s6+$0xFFFFFFE0];
	v4 =	vsub.f32 v52, v16;
	v18 =	vadd.f32 $0.0e+00, v18  }
0xd7: {  	v54 =	vmul.f32 v42, v24;
	v23 =	vadd.f32 $0.0e+00, v23;
	v6 =	vadd.f32 $0.0e+00, v6  }
0xd8: {  	v51 =	vsub.f32 v46, v13;
	v44 =	vmul.f32 v36, v12;
	v4 =	vsub.f32 v4, v22  }
0xd9: {  	v12 =	vmul.f32 v39, v12;
	v18 =	vadd.f32 v20, v18;
	v23 =	vadd.f32 v25, v23  }
0xda: {  	v6 =	vadd.f32 v14, v6;
	v14 =	vadd.f32 $-2.500000000e-01, v50;
	v59 =	vmul.f32 $6.250000000e-02, v49  }
0xdb: {  	v61 =	vmul.f32 $6.250000000e-02, v53;
	v17 =	vadd.f32 v17, v18;
	v18 =	vadd.f32 $0.0e+00, v33  }
0xdc: {  	v38 =	vadd.f32 v35, v23;
	v6 =	vadd.f32 v47, v6;
	v63 =	vmul.f32 $4.000000000e+00, v14  }
0xdd: {  	v20 =	vtrunc.f32 v59;
	v17 =	vadd.f32 v17, v19;
	v18 =	vadd.f32 v27, v18  }
0xde: {  	v21 =	vtrunc.f32 v61;
	v19 =	vadd.f32 v38, v40;
	v6 =	vadd.f32 v6, v12  }
0xdf: {  	vm13 =	vlt.f32 v59, v20;
	v23 =	vcvt.f32.s32 v21;
	v18 =	vadd.f32 v41, v18  }
0xe0: {  	vm14 =	vlt.f32 v61, v21;
	v27 =	vtrunc.f32 v63;
	v10 =	vmul.f32 v17, v10  }
0xe1: {  	v28 =	vcvt.f32.s32 v27;
	vm4 =	vlt.f32 v63, v27;
	v18 =	vadd.f32 v18, v44  }
0xe2: {  	v16 =	vmul.f32 v19, v16;
	v30 =	vsel vm4, $0xFFFFFFFF, v0;
	v10 =	vadd.f32 $0.0e+00, v10  }
0xe3: {  	v52 =	vmul.f32 v18, v4;
	v4 =	vmul.f32 v7, v8;
	v8 =	vadd.s32 v28, v30  }
0xe4: {  	v26 =	vsel vm14, $0xFFFFFFFF, v0;
	v10 =	vadd.f32 v10, v16;
	vm6 =	vgt.s32 v8, $0x0  }
0xe5: {  	v43 =	vld.idx.msk [tilespmem:v11+s10+$0x0], $0xffff;
	v6 =	vmul.f32 v6, v22;
	v22 =	vcvt.f32.s32 v20;
	v3 =	vnsel vm6, $0x0, v8  }
0xe6: {  	v25 =	vld.idx.msk [tilespmem:v9+s18+$0x0], $0xffff;
	v9 =	vadd.s32 v23, v26;
	v56 =	vadd.f32 v10, v52;
	v16 =	vmin.u32 v3, $0x1E  }
0xe7: {  	v24 =	vsel vm13, $0xFFFFFFFF, v0;
	vm5 =	vgt.s32 v9, $0x0;
	v38 =	vcvt.s32.f32 v16  }
0xe8: {  	v45 =	vld.idx.msk [tilespmem:v11+s12+$0x0], $0xffff;
	v32 =	vnsel vm5, $0x0, v9;
	v7 =	vadd.f32 v56, v6;
	v6 =	vadd.s32 v22, v24  }
0xe9: {  	v48 =	vld.idx.msk [tilespmem:v11+s13+$0x0], $0xffff;
	v14 =	vmin.u32 v32, $0x27;
	vm15 =	vgt.s32 v6, $0x0;
	v12 =	vsub.f32 v63, v38  }
0xea: {  	v34 =	vcvt.s32.f32 v14;
	v14 =	vmul.u32 $0x21, v14;
	v29 =	vnsel vm15, $0x0, v6  }
0xeb: {  	v13 =	vmul.f32 v43, v13;
	v31 =	vmin.u32 v29, $0x1D;
	v46 =	vsub.f32 $1.000000000e+00, v12  }
0xec: {  	vm1 =	vmand vm1, vm9;
	v55 =	vsub.f32 v51, v15;
	v14 =	vadd.s32 v31, v14  }
0xed: {  	v57 =	vadd.f32 v13, v54;
	v2 =	vsub.f32 v61, v34;
	v51 =	vmul.f32 v46, v46  }
0xee: {  	v60 =	vmul.f32 v48, v15;
	v58 =	vmul.f32 v45, v55;
	v11 =	vshrl.u32 v25, v11  }
0xef: {  	v11 =	vand.u32 $0x1, v11;
	v36 =	vmul.f32 v2, v2;
	v20 =	vmul.f32 v51, v46;
	v46 =	vld.idx.msk [tilespmem:v16+s13+$0x0], $0xffff  }
0xf0: {  	v62 =	vadd.f32 v58, v57;
	vm10 =	veq.s32 v11, $0x1;
	v18 =	vsub.f32 $1.000000000e+00, v2;
	v51 =	vld [tilespmem:s7+$0xFFFFFFF0]  }
0xf1: {  	vm11 =	vlt.u32 v9, $0x28;
	vm1 =	vmand vm1, vm10;
	v2 =	vmul.f32 v36, v2;
	v41 =	vld.idx.msk [tilespmem:v14+s3+$0x0], $0xffff  }
0xf2: {  	vm5 =	vlt.u32 v8, $0x1F;
	v39 =	vmul.f32 v18, v18;
	v33 =	vcvt.s32.f32 v31;
	v43 =	vld.idx.msk [tilespmem:v14+s23+$0x0], $0xffff  }
0xf3: {  	v10 =	vadd.f32 v60, v62;
	v42 =	vmul.f32 $5.000000000e-01, v2;
	v44 =	vmul.f32 v12, v12;
	v45 =	vld.idx.msk [tilespmem:v14+s24+$0x0], $0xffff  }
0xf4: {  	vm14 =	vlt.u32 v6, $0x1E;
	v18 =	vmul.f32 v39, v18;
	v13 =	vsub.f32 v59, v33;
	v47 =	vld.idx.msk [tilespmem:v14+s25+$0x0], $0xffff  }
0xf5: {  	v7 =	vmul.f32 v7, v10;
	v17 =	vsub.f32 v42, v36;
	v12 =	vmul.f32 v44, v12;
	v49 =	vld.idx.msk [tilespmem:v14+s26+$0x0], $0xffff  }
0xf6: {  	v18 =	vmul.f32 $1.666666720e-01, v18;
	v35 =	vmul.f32 v13, v13;
	v3 =	vsub.f32 $1.000000000e+00, v13;
	v52 =	vld.idx.msk [tilespmem:v14+s28+$0x0], $0xffff  }
0xf7: {  	v2 =	vmul.f32 $1.666666720e-01, v2;
	v17 =	vadd.f32 $6.666666860e-01, v17;
	v53 =	vmul.f32 $5.000000000e-01, v12;
	v54 =	vld.idx.msk [tilespmem:v14+s29+$0x0], $0xffff  }
0xf8: {  	v50 =	vsub.f32 $1.000000000e+00, v18;
	v55 =	vld.idx.msk [tilespmem:v14+s30+$0x0], $0xffff;
	v13 =	vmul.f32 v35, v13;
	v37 =	vmul.f32 v3, v3  }
0xf9: {  	v12 =	vmul.f32 $1.666666720e-01, v12;
	v34 =	vld.idx.msk [tilespmem:v14+s19+$0x0], $0xffff;
	v15 =	vsub.f32 v53, v44;
	v20 =	vmul.f32 $1.666666720e-01, v20  }
0xfa: {  	v56 =	vld.idx.msk [tilespmem:v14+s31+$0x0], $0xffff;
	v26 =	vsub.f32 v50, v17;
	v3 =	vmul.f32 v37, v3;
	v40 =	vmul.f32 $5.000000000e-01, v13  }
0xfb: {  	v59 =	vld.idx.msk [tilespmem:v14+s20+$0x0], $0xffff;
	v13 =	vmul.f32 $1.666666720e-01, v13;
	v15 =	vadd.f32 $6.666666860e-01, v15;
	v33 =	vsub.f32 $1.000000000e+00, v20  }
0xfc: {  	v26 =	vsub.f32 v26, v2;
	v37 =	vld.idx.msk [tilespmem:v16+s17+$0x0], $0xffff;
	v3 =	vmul.f32 $1.666666720e-01, v3;
	v5 =	vsub.f32 v40, v35  }
0xfd: {  	v57 =	vld.idx.msk [tilespmem:v14+s0+$0x0], $0xffff;
	v33 =	vsub.f32 v33, v15;
	v23 =	vmul.f32 v13, v47;
	v38 =	vmul.f32 v13, v55  }
0xfe: {  	v61 =	vld.idx.msk [tilespmem:v14+s21+$0x0], $0xffff;
	v42 =	vmul.f32 v34, v13;
	v5 =	vadd.f32 $6.666666860e-01, v5;
	v19 =	vmul.f32 v3, v41  }
0xff: {  	v32 =	vld.idx.msk [tilespmem:v14+s4+$0x0], $0xffff;
	v48 =	vsub.f32 $1.000000000e+00, v3;
	v25 =	vmul.f32 v3, v49;
	v60 =	vmul.f32 v3, v56  }
0x100: {  	v40 =	vld.idx.msk [tilespmem:v16+s10+$0x0], $0xffff;
	v33 =	vsub.f32 v33, v12;
	v3 =	vmul.f32 v59, v3;
	v12 =	vmul.f32 v46, v12  }
0x101: {  	v35 =	vld.idx.msk [tilespmem:v14+s8+$0x0], $0xffff;
	v47 =	vmul.f32 v37, v20;
	v24 =	vsub.f32 v48, v5;
	v19 =	vadd.f32 $0.0e+00, v19  }
0x102: {  	v59 =	vld [tilespmem:s9+$0xFFFFFFF0];
	v21 =	vmul.f32 v5, v43;
	v25 =	vadd.f32 $0.0e+00, v25;
	v28 =	vmul.f32 v5, v52  }
0x103: {  	v63 =	vld.idx.msk [tilespmem:v14+s1+$0x0], $0xffff;
	v31 =	vmul.f32 v5, v57;
	v3 =	vadd.f32 $0.0e+00, v3;
	v5 =	vmul.f32 v61, v5  }
0x104: {  	v43 =	vld.idx.msk [tilespmem:v16+s12+$0x0], $0xffff;
	v57 =	vmul.f32 $6.250000000e-02, v51;
	v24 =	vsub.f32 v24, v13;
	v19 =	vadd.f32 v21, v19  }
0x105: {  	v48 =	vld [tilespmem:s6+$0xFFFFFFF0];
	v15 =	vmul.f32 v40, v15;
	v25 =	vadd.f32 v28, v25;
	v21 =	vadd.f32 $0.0e+00, v60  }
0x106: {  	v3 =	vadd.f32 v5, v3;
	v13 =	vmul.f32 v35, v13;
	v58 =	vmul.f32 v24, v45  }
0x107: {  	v5 =	vadd.f32 v15, v47;
	v20 =	vadd.f32 $-2.500000000e-01, v59;
	v62 =	vmul.f32 v24, v54  }
0x108: {  	v21 =	vadd.f32 v31, v21;
	v39 =	vmul.f32 v24, v32;
	v19 =	vadd.f32 v58, v19  }
0x109: {  	v44 =	vmul.f32 v24, v63;
	v52 =	vmul.f32 v43, v33;
	v36 =	vadd.f32 v62, v25  }
0x10a: {  	v55 =	vmul.f32 $6.250000000e-02, v48;
	v21 =	vadd.f32 v39, v21;
	v19 =	vadd.f32 v19, v23  }
0x10b: {  	v3 =	vadd.f32 v44, v3;
	v62 =	vtrunc.f32 v57;
	v5 =	vadd.f32 v52, v5  }
0x10c: {  	v60 =	vtrunc.f32 v55;
	v41 =	vadd.f32 v36, v38;
	v18 =	vmul.f32 v19, v18  }
0x10d: {  	vm13 =	vlt.f32 v57, v62;
	v45 =	vadd.f32 v21, v42;
	v61 =	vcvt.f32.s32 v60  }
0x10e: {  	v14 =	vld.idx.msk [tilespmem:v14+s18+$0x0], $0xffff;
	vm12 =	vlt.f32 v55, v60;
	v17 =	vmul.f32 v41, v17;
	v18 =	vadd.f32 $0.0e+00, v18  }
0x10f: {  	v3 =	vadd.f32 v3, v13;
	v56 =	vadd.f32 v12, v5;
	v63 =	vsel vm12, $0xFFFFFFFF, v0  }
0x110: {  	v5 =	vadd.s32 v61, v63;
	v49 =	vadd.f32 v18, v17;
	v18 =	vcvt.f32.s32 v62  }
0x111: {  	v54 =	vmul.f32 v3, v2;
	v19 =	vsel vm13, $0xFFFFFFFF, v0;
	vm15 =	vgt.s32 v5, $0x0  }
0x112: {  	v2 =	vnsel vm1, $0x7FC00000, v7;
	v21 =	vnsel vm15, $0x0, v5;
	v7 =	vadd.s32 v18, v19  }
0x113: {  	v58 =	vshrl.u32 v14, v16;
	v22 =	vmin.u32 v21, $0x27;
	vm4 =	vgt.s32 v7, $0x0  }
0x114: {  	v13 =	vand.u32 $0x1, v58;
	v8 =	vmul.u32 $0x21, v22;
	v23 =	vnsel vm4, $0x0, v7  }
0x115: {  	v6 =	vmul.f32 $4.000000000e+00, v20;
	vm6 =	veq.s32 v13, $0x1;
	v9 =	vmin.u32 v23, $0x1D  }
0x116: {  	v50 =	vmul.f32 v45, v26;
	v24 =	vcvt.s32.f32 v22;
	v8 =	vadd.s32 v9, v8  }
0x117: {  	v3 =	vnsel vm0, $0x7FC00000, v4;
	vm0 =	vmand vm11, vm14;
	v26 =	vtrunc.f32 v6  }
0x118: {  	vm0 =	vmand vm0, vm5;
	vm7 =	vlt.f32 v6, v26;
	v4 =	vsub.f32 v55, v24  }
0x119: {  	v13 =	vcvt.f32.s32 v26;
	vm13 =	vlt.u32 v5, $0x28;
	v27 =	vsel vm7, $0xFFFFFFFF, v0  }
0x11a: {  	vm0 =	vmand vm0, vm6;
	v53 =	vadd.f32 v49, v50;
	v28 =	vmul.f32 v4, v4  }
0x11b: {  	vm14 =	vlt.u32 v7, $0x1E;
	v25 =	vcvt.s32.f32 v9;
	v9 =	vadd.s32 v13, v27;
	v38 =	vld.idx.msk [tilespmem:v8+s3+$0x0], $0xffff  }
0x11c: {  	v31 =	vmul.f32 v28, v4;
	v4 =	vsub.f32 $1.000000000e+00, v4;
	vm8 =	vgt.s32 v9, $0x0;
	v39 =	vld.idx.msk [tilespmem:v8+s23+$0x0], $0xffff  }
0x11d: {  	v10 =	vadd.f32 v53, v54;
	v12 =	vsub.f32 v57, v25;
	v33 =	vnsel vm8, $0x0, v9;
	v41 =	vld.idx.msk [tilespmem:v8+s24+$0x0], $0xffff  }
0x11e: {  	v34 =	vmul.f32 v4, v4;
	v35 =	vmul.f32 $5.000000000e-01, v31;
	v18 =	vmin.u32 v33, $0x1E;
	v45 =	vld.idx.msk [tilespmem:v8+s25+$0x0], $0xffff  }
0x11f: {  	v42 =	vmul.f32 v10, v56;
	v30 =	vsub.f32 $1.000000000e+00, v12;
	v37 =	vcvt.s32.f32 v18;
	v48 =	vld.idx.msk [tilespmem:v8+s26+$0x0], $0xffff  }
0x120: {  	v29 =	vmul.f32 v12, v12;
	v4 =	vmul.f32 v34, v4;
	v15 =	vsub.f32 v35, v28;
	v50 =	vld.idx.msk [tilespmem:v8+s28+$0x0], $0xffff  }
0x121: {  	v13 =	vmul.f32 $1.666666720e-01, v31;
	v55 =	vld.idx.msk [tilespmem:v8+s30+$0x0], $0xffff;
	v32 =	vmul.f32 v30, v30;
	v6 =	vsub.f32 v6, v37  }
0x122: {  	v51 =	vld.idx.msk [tilespmem:v8+s29+$0x0], $0xffff;
	v12 =	vmul.f32 v29, v12;
	v40 =	vmul.f32 $1.666666720e-01, v4;
	v15 =	vadd.f32 $6.666666860e-01, v15  }
0x123: {  	v53 =	vld.idx.msk [tilespmem:v8+s31+$0x0], $0xffff;
	v4 =	vnsel vm0, $0x7FC00000, v42;
	v14 =	vmul.f32 v32, v30;
	v47 =	vmul.f32 v6, v6  }
0x124: {  	v56 =	vld.idx.msk [tilespmem:v8+s0+$0x0], $0xffff;
	v36 =	vmul.f32 $5.000000000e-01, v12;
	v12 =	vmul.f32 $1.666666720e-01, v12;
	v49 =	vsub.f32 $1.000000000e+00, v6  }
0x125: {  	v57 =	vld.idx.msk [tilespmem:v8+s20+$0x0], $0xffff;
	v46 =	vsub.f32 $1.000000000e+00, v40;
	v14 =	vmul.f32 $1.666666720e-01, v14;
	v6 =	vmul.f32 v47, v6  }
0x126: {  	v34 =	vld.idx.msk [tilespmem:v8+s8+$0x0], $0xffff;
	v16 =	vsub.f32 v36, v29;
	v52 =	vmul.f32 v49, v49;
	v35 =	vmul.f32 v12, v55  }
0x127: {  	v58 =	vld.idx.msk [tilespmem:v8+s4+$0x0], $0xffff;
	v22 =	vsub.f32 v46, v15;
	v20 =	vmul.f32 v14, v38;
	v54 =	vmul.f32 $5.000000000e-01, v6  }
0x128: {  	v60 =	vld.idx.msk [tilespmem:v8+s21+$0x0], $0xffff;
	v43 =	vadd.f32 $6.666666860e-01, v16;
	v25 =	vmul.f32 v52, v49;
	v24 =	vmul.f32 v14, v48  }
0x129: {  	v62 =	vld.idx.msk [tilespmem:v8+s19+$0x0], $0xffff;
	v44 =	vsub.f32 $1.000000000e+00, v14;
	v59 =	vmul.f32 v14, v53;
	v16 =	vmul.f32 v12, v45  }
0x12a: {  	v37 =	vld.idx.msk [tilespmem:v18+s17+$0x0], $0xffff;
	v22 =	vsub.f32 v22, v13;
	v6 =	vmul.f32 $1.666666720e-01, v6;
	v14 =	vmul.f32 v57, v14  }
0x12b: {  	v42 =	vld [tilespmem:s7+$0x0];
	v45 =	vmul.f32 v34, v12;
	v11 =	vsub.f32 v44, v43;
	v20 =	vadd.f32 $0.0e+00, v20  }
0x12c: {  	v63 =	vld.idx.msk [tilespmem:v8+s1+$0x0], $0xffff;
	v17 =	vmul.f32 v43, v39;
	v23 =	vsub.f32 v54, v47;
	v25 =	vmul.f32 $1.666666720e-01, v25  }
0x12d: {  	v46 =	vld.idx.msk [tilespmem:v18+s13+$0x0], $0xffff;
	v24 =	vadd.f32 $0.0e+00, v24;
	v26 =	vmul.f32 v43, v50;
	v28 =	vmul.f32 v43, v56  }
0x12e: {  	v14 =	vadd.f32 $0.0e+00, v14;
	v10 =	vmul.f32 v60, v43;
	v39 =	vld.idx.msk [tilespmem:v18+s10+$0x0], $0xffff;
	v11 =	vsub.f32 v11, v12  }
0x12f: {  	v44 =	vld [tilespmem:s6+$0x0];
	v17 =	vadd.f32 v17, v20;
	v23 =	vadd.f32 $6.666666860e-01, v23;
	v48 =	vmul.f32 v37, v25  }
0x130: {  	v10 =	vadd.f32 v10, v14;
	v14 =	vmul.f32 $6.250000000e-02, v42;
	v19 =	vmul.f32 v11, v41  }
0x131: {  	v38 =	vsub.f32 $1.000000000e+00, v25;
	v61 =	vmul.f32 v11, v51;
	v36 =	vmul.f32 v11, v58  }
0x132: {  	v53 =	vld [tilespmem:s9+$0x0];
	v24 =	vadd.f32 v26, v24;
	v41 =	vmul.f32 v62, v12;
	v11 =	vmul.f32 v11, v63  }
0x133: {  	v43 =	vsub.f32 v38, v23;
	v12 =	vmul.f32 v46, v6;
	v54 =	vtrunc.f32 v14  }
0x134: {  	v23 =	vmul.f32 v39, v23;
	v52 =	vmul.f32 $6.250000000e-02, v44;
	v17 =	vadd.f32 v19, v17  }
0x135: {  	v57 =	vcvt.f32.s32 v54;
	v19 =	vadd.f32 $0.0e+00, v59;
	v33 =	vadd.f32 v61, v24  }
0x136: {  	vm9 =	vlt.f32 v14, v54;
	v10 =	vadd.f32 v11, v10;
	v47 =	vsub.f32 v43, v6  }
0x137: {  	v6 =	vsel vm9, $0xFFFFFFFF, v0;
	v59 =	vadd.f32 $-2.500000000e-01, v53;
	v50 =	vadd.f32 v23, v48  }
0x138: {  	v56 =	vtrunc.f32 v52;
	v16 =	vadd.f32 v17, v16;
	v19 =	vadd.f32 v28, v19  }
0x139: {  	v6 =	vadd.s32 v57, v6;
	v17 =	vadd.f32 v33, v35;
	v10 =	vadd.f32 v10, v45  }
0x13a: {  	v58 =	vcvt.f32.s32 v56;
	vm10 =	vlt.f32 v52, v56;
	v16 =	vmul.f32 v16, v40;
	v40 =	vld.idx.msk [tilespmem:v18+s12+$0x0], $0xffff  }
0x13b: {  	v55 =	vld.idx.msk [tilespmem:v8+s18+$0x0], $0xffff;
	vm11 =	vgt.s32 v6, $0x0;
	v63 =	vmul.f32 $4.000000000e+00, v59;
	v8 =	vsel vm10, $0xFFFFFFFF, v0  }
0x13c: {  	v60 =	vnsel vm11, $0x0, v6;
	v19 =	vadd.f32 v36, v19;
	v15 =	vmul.f32 v17, v15  }
0x13d: {  	v10 =	vmul.f32 v10, v13;
	v8 =	vadd.s32 v58, v8;
	v32 =	vtrunc.f32 v63  }
0x13e: {  	vm12 =	vgt.s32 v8, $0x0;
	v16 =	vadd.f32 $0.0e+00, v16;
	v19 =	vadd.f32 v19, v41  }
0x13f: {  	v33 =	vcvt.f32.s32 v32;
	vm15 =	vlt.f32 v63, v32;
	v51 =	vmul.f32 v40, v47  }
0x140: {  	v62 =	vnsel vm12, $0x0, v8;
	v15 =	vadd.f32 v16, v15;
	v49 =	vmul.f32 v19, v22  }
0x141: {  	v7 =	vsel vm15, $0xFFFFFFFF, v0;
	v29 =	vmin.u32 v62, $0x27;
	v11 =	vadd.f32 v51, v50  }
0x142: {  	v7 =	vadd.s32 v33, v7;
	v31 =	vcvt.s32.f32 v29;
	v15 =	vadd.f32 v15, v49  }
0x143: {  	vm4 =	vgt.s32 v7, $0x0;
	v11 =	vadd.f32 v12, v11;
	v12 =	vmul.u32 $0x21, v29  }
0x144: {  	v41 =	vnsel vm4, $0x0, v7;
	v10 =	vadd.f32 v15, v10;
	v15 =	vmin.u32 v60, $0x1D  }
0x145: {  	v5 =	vsub.f32 v52, v31;
	v21 =	vmin.u32 v41, $0x1E;
	v12 =	vadd.s32 v15, v12  }
0x146: {  	v49 =	vcvt.s32.f32 v21  }
0x147: {  	vm5 =	vlt.u32 v9, $0x1F;
	vm0 =	vmand vm13, vm14;
	v36 =	vmul.f32 v5, v5  }
0x148: {  	v37 =	vsub.f32 $1.000000000e+00, v5;
	v30 =	vcvt.s32.f32 v15;
	v53 =	vsub.f32 v63, v49  }
0x149: {  	vm0 =	vmand vm0, vm5;
	v61 =	vshrl.u32 v55, v18;
	v5 =	vmul.f32 v36, v5  }
0x14a: {  	v39 =	vmul.f32 v37, v37;
	v14 =	vsub.f32 v14, v30;
	v60 =	vmul.f32 v53, v53;
	v43 =	vld.idx.msk [tilespmem:v12+s3+$0x0], $0xffff  }
0x14b: {  	v58 =	vsub.f32 $1.000000000e+00, v53;
	v10 =	vmul.f32 v10, v11;
	v42 =	vmul.f32 $5.000000000e-01, v5;
	v44 =	vld.idx.msk [tilespmem:v12+s23+$0x0], $0xffff  }
0x14c: {  	v17 =	vmul.f32 v39, v37;
	v34 =	vmul.f32 v14, v14;
	v35 =	vsub.f32 $1.000000000e+00, v14;
	v46 =	vld.idx.msk [tilespmem:v12+s24+$0x0], $0xffff  }
0x14d: {  	v16 =	vand.u32 $0x1, v61;
	v5 =	vmul.f32 $1.666666720e-01, v5;
	v62 =	vmul.f32 v58, v58;
	v48 =	vld.idx.msk [tilespmem:v12+s25+$0x0], $0xffff  }
0x14e: {  	vm6 =	veq.s32 v16, $0x1;
	v14 =	vmul.f32 v34, v14;
	v38 =	vmul.f32 v35, v35;
	v50 =	vld.idx.msk [tilespmem:v12+s26+$0x0], $0xffff  }
0x14f: {  	v45 =	vsub.f32 v42, v36;
	v17 =	vmul.f32 $1.666666720e-01, v17;
	v29 =	vmul.f32 v62, v58;
	v57 =	vld.idx.msk [tilespmem:v12+s31+$0x0], $0xffff  }
0x150: {  	vm0 =	vmand vm0, vm6;
	v59 =	vld.idx.msk [tilespmem:v12+s30+$0x0], $0xffff;
	v19 =	vmul.f32 v38, v35;
	v40 =	vmul.f32 $5.000000000e-01, v14  }
0x151: {  	v9 =	vadd.f32 $6.666666860e-01, v45;
	v51 =	vsub.f32 $1.000000000e+00, v17;
	v63 =	vld.idx.msk [tilespmem:v12+s20+$0x0], $0xffff;
	v29 =	vmul.f32 $1.666666720e-01, v29  }
0x152: {  	v16 =	vmul.f32 v60, v53;
	v52 =	vld.idx.msk [tilespmem:v12+s28+$0x0], $0xffff;
	v19 =	vmul.f32 $1.666666720e-01, v19;
	v13 =	vsub.f32 v40, v34  }
0x153: {  	v61 =	vld.idx.msk [tilespmem:v12+s0+$0x0], $0xffff;
	v14 =	vmul.f32 $1.666666720e-01, v14;
	v56 =	vsub.f32 v51, v9;
	v53 =	vsub.f32 $1.000000000e+00, v29  }
0x154: {  	v38 =	vld.idx.msk [tilespmem:v12+s21+$0x0], $0xffff;
	v13 =	vadd.f32 $6.666666860e-01, v13;
	v54 =	vmul.f32 v19, v43;
	v26 =	vmul.f32 v19, v50  }
0x155: {  	v55 =	vld.idx.msk [tilespmem:v12+s29+$0x0], $0xffff;
	v47 =	vsub.f32 $1.000000000e+00, v19;
	v37 =	vmul.f32 v19, v57;
	v24 =	vmul.f32 v14, v48  }
0x156: {  	v51 =	vld [tilespmem:s7+$0x10];
	v25 =	vsub.f32 v56, v5;
	v19 =	vmul.f32 v63, v19;
	v41 =	vmul.f32 v14, v59  }
0x157: {  	v48 =	vld.idx.msk [tilespmem:v21+s17+$0x0], $0xffff;
	v22 =	vsub.f32 v47, v13;
	v18 =	vadd.f32 $0.0e+00, v54;
	v20 =	vmul.f32 v13, v44  }
0x158: {  	v40 =	vld.idx.msk [tilespmem:v12+s1+$0x0], $0xffff;
	v26 =	vadd.f32 $0.0e+00, v26;
	v28 =	vmul.f32 v13, v52;
	v32 =	vmul.f32 v13, v61  }
0x159: {  	v36 =	vld.idx.msk [tilespmem:v12+s4+$0x0], $0xffff;
	v44 =	vmul.f32 $5.000000000e-01, v16;
	v19 =	vadd.f32 $0.0e+00, v19;
	v13 =	vmul.f32 v38, v13  }
0x15a: {  	v39 =	vld.idx.msk [tilespmem:v12+s19+$0x0], $0xffff;
	v16 =	vmul.f32 $1.666666720e-01, v16;
	v22 =	vsub.f32 v22, v14;
	v18 =	vadd.f32 v20, v18  }
0x15b: {  	v43 =	vld.idx.msk [tilespmem:v12+s8+$0x0], $0xffff;
	v13 =	vadd.f32 v13, v19;
	v49 =	vsub.f32 v44, v60;
	v19 =	vmul.f32 $6.250000000e-02, v51  }
0x15c: {  	v54 =	vld [tilespmem:s6+$0x10];
	v26 =	vadd.f32 v28, v26;
	v58 =	vmul.f32 v48, v29;
	v15 =	vmul.f32 v22, v46  }
0x15d: {  	v23 =	vmul.f32 v22, v55;
	v47 =	vmul.f32 v22, v40;
	v52 =	vadd.f32 $6.666666860e-01, v49  }
0x15e: {  	v60 =	vld.idx.msk [tilespmem:v21+s13+$0x0], $0xffff;
	v42 =	vmul.f32 v22, v36;
	v15 =	vadd.f32 v15, v18;
	v18 =	vadd.f32 $0.0e+00, v37  }
0x15f: {  	v46 =	vmul.f32 v39, v14;
	v23 =	vadd.f32 v23, v26;
	v13 =	vadd.f32 v47, v13  }
0x160: {  	v14 =	vmul.f32 v43, v14;
	v15 =	vadd.f32 v15, v24;
	v18 =	vadd.f32 v32, v18  }
0x161: {  	v50 =	vld.idx.msk [tilespmem:v21+s10+$0x0], $0xffff;
	v61 =	vmul.f32 $6.250000000e-02, v54;
	v57 =	vsub.f32 v53, v52;
	v45 =	vadd.f32 v23, v41  }
0x162: {  	v56 =	vld.idx.msk [tilespmem:v21+s12+$0x0], $0xffff;
	v13 =	vadd.f32 v13, v14;
	v15 =	vmul.f32 v15, v17;
	v18 =	vadd.f32 v42, v18  }
0x163: {  	v59 =	vsub.f32 v57, v16;
	v24 =	vtrunc.f32 v19;
	v16 =	vmul.f32 v60, v16  }
0x164: {  	v9 =	vmul.f32 v45, v9;
	v15 =	vadd.f32 $0.0e+00, v15;
	v18 =	vadd.f32 v18, v46  }
0x165: {  	v26 =	vcvt.f32.s32 v24;
	vm7 =	vlt.f32 v19, v24;
	v13 =	vmul.f32 v13, v5  }
0x166: {  	v17 =	vmul.f32 v50, v52;
	v9 =	vadd.f32 v15, v9;
	v55 =	vmul.f32 v18, v25  }
0x167: {  	v5 =	vnsel vm0, $0x7FC00000, v10;
	v14 =	vmul.f32 v56, v59;
	v25 =	vtrunc.f32 v61  }
0x168: {  	v27 =	vcvt.f32.s32 v25;
	vm8 =	vlt.f32 v61, v25;
	v9 =	vadd.f32 v9, v55  }
0x169: {  	v28 =	vsel vm7, $0xFFFFFFFF, v0;
	v62 =	vadd.f32 v17, v58;
	v29 =	vsel vm8, $0xFFFFFFFF, v0  }
0x16a: {  	v63 =	vld [tilespmem:s9+$0x10];
	v10 =	vadd.s32 v26, v28;
	v11 =	vadd.f32 v9, v13;
	v9 =	vadd.s32 v27, v29  }
0x16b: {  	vm9 =	vgt.s32 v10, $0x0;
	v14 =	vadd.f32 v14, v62;
	vm10 =	vgt.s32 v9, $0x0  }
0x16c: {  	v12 =	vld.idx.msk [tilespmem:v12+s18+$0x0], $0xffff;
	v30 =	vnsel vm9, $0x0, v10;
	v31 =	vnsel vm10, $0x0, v9  }
0x16d: {  	v17 =	vmin.u32 v30, $0x1D;
	v14 =	vadd.f32 v16, v14;
	v16 =	vmin.u32 v31, $0x27  }
0x16e: {  	v32 =	vcvt.s32.f32 v17;
	v36 =	vmul.u32 $0x21, v16  }
0x16f: {  	v15 =	vadd.f32 $-2.500000000e-01, v63  }
0x170: {  	vm11 =	vlt.u32 v8, $0x28;
	v18 =	vsub.f32 v19, v32;
	v8 =	vadd.s32 v17, v36  }
0x171: {  	vm12 =	vlt.u32 v6, $0x1E;
	v33 =	vshrl.u32 v12, v21;
	v15 =	vmul.f32 $4.000000000e+00, v15  }
0x172: {  	vm15 =	vlt.u32 v7, $0x1F;
	v20 =	vand.u32 $0x1, v33;
	v38 =	vmul.f32 v18, v18  }
0x173: {  	vm4 =	veq.s32 v20, $0x1;
	v35 =	vtrunc.f32 v15;
	v40 =	vsub.f32 $1.000000000e+00, v18  }
0x174: {  	vm0 =	vmand vm11, vm12;
	v42 =	vmul.f32 v38, v18;
	v34 =	vcvt.s32.f32 v16  }
0x175: {  	vm13 =	vlt.f32 v15, v35;
	v6 =	vcvt.f32.s32 v35;
	v44 =	vmul.f32 v40, v40;
	v49 =	vld.idx.msk [tilespmem:v8+s3+$0x0], $0xffff  }
0x176: {  	v37 =	vsel vm13, $0xFFFFFFFF, v0;
	v47 =	vmul.f32 $5.000000000e-01, v42;
	v13 =	vsub.f32 v61, v34;
	v52 =	vld.idx.msk [tilespmem:v8+s23+$0x0], $0xffff  }
0x177: {  	vm0 =	vmand vm0, vm15;
	v12 =	vadd.s32 v6, v37;
	v21 =	vmul.f32 v44, v40;
	v53 =	vld.idx.msk [tilespmem:v8+s24+$0x0], $0xffff  }
0x178: {  	vm14 =	vgt.s32 v12, $0x0;
	v16 =	vsub.f32 v47, v38;
	v39 =	vmul.f32 v13, v13;
	v55 =	vld.idx.msk [tilespmem:v8+s25+$0x0], $0xffff  }
0x179: {  	v45 =	vnsel vm14, $0x0, v12;
	v50 =	vmul.f32 $1.666666720e-01, v21;
	v41 =	vsub.f32 $1.000000000e+00, v13;
	v57 =	vld.idx.msk [tilespmem:v8+s26+$0x0], $0xffff  }
0x17a: {  	v16 =	vadd.f32 $6.666666860e-01, v16;
	v43 =	vmul.f32 v39, v13;
	v13 =	vmin.u32 v45, $0x1E;
	v59 =	vld.idx.msk [tilespmem:v8+s28+$0x0], $0xffff  }
0x17b: {  	v54 =	vsub.f32 $1.000000000e+00, v50;
	v46 =	vmul.f32 v41, v41;
	v51 =	vcvt.s32.f32 v13;
	v61 =	vld.idx.msk [tilespmem:v8+s29+$0x0], $0xffff  }
0x17c: {  	vm0 =	vmand vm0, vm4;
	v11 =	vmul.f32 v11, v14;
	v17 =	vmul.f32 $1.666666720e-01, v42;
	v63 =	vld.idx.msk [tilespmem:v8+s31+$0x0], $0xffff  }
0x17d: {  	v25 =	vsub.f32 v54, v16;
	v37 =	vld.idx.msk [tilespmem:v8+s30+$0x0], $0xffff;
	v6 =	vmul.f32 v46, v41;
	v15 =	vsub.f32 v15, v51  }
0x17e: {  	vm7 =	vlt.u32 v9, $0x28;
	v38 =	vld.idx.msk [tilespmem:v8+s0+$0x0], $0xffff;
	v48 =	vmul.f32 $5.000000000e-01, v43;
	v18 =	vmul.f32 $1.666666720e-01, v43  }
0x17f: {  	v40 =	vld.idx.msk [tilespmem:v8+s4+$0x0], $0xffff;
	v25 =	vsub.f32 v25, v17;
	v6 =	vmul.f32 $1.666666720e-01, v6;
	v36 =	vmul.f32 v15, v15  }
0x180: {  	vm10 =	vlt.u32 v10, $0x1E;
	v44 =	vld.idx.msk [tilespmem:v8+s19+$0x0], $0xffff;
	v60 =	vmul.f32 v50, v49;
	v24 =	vmul.f32 v16, v52  }
0x181: {  	v45 =	vld.idx.msk [tilespmem:v8+s1+$0x0], $0xffff;
	v19 =	vsub.f32 v48, v39;
	v27 =	vmul.f32 v50, v57;
	v22 =	vmul.f32 v25, v53  }
0x182: {  	vm11 =	vlt.u32 v12, $0x1F;
	v29 =	vmul.f32 v16, v59;
	v42 =	vmul.f32 v50, v63  }
0x183: {  	v39 =	vld.idx.msk [tilespmem:v8+s20+$0x0], $0xffff;
	v19 =	vadd.f32 $6.666666860e-01, v19;
	v21 =	vmul.f32 v17, v55;
	v23 =	vmul.f32 v25, v61  }
0x184: {  	v56 =	vsub.f32 $1.000000000e+00, v6;
	v30 =	vmul.f32 v16, v38;
	v47 =	vmul.f32 v17, v37  }
0x185: {  	v43 =	vld.idx.msk [tilespmem:v8+s21+$0x0], $0xffff;
	v58 =	vsub.f32 $1.000000000e+00, v15;
	v48 =	vmul.f32 v25, v40;
	v54 =	vmul.f32 v44, v17  }
0x186: {  	v55 =	vmul.f32 v25, v45;
	v15 =	vmul.f32 v36, v15;
	v26 =	vsub.f32 v56, v19  }
0x187: {  	v35 =	vld [tilespmem:s9+$0x20];
	v62 =	vmul.f32 v58, v58;
	v20 =	vadd.f32 $0.0e+00, v60;
	v27 =	vadd.f32 $0.0e+00, v27  }
0x188: {  	v49 =	vld.idx.msk [tilespmem:v8+s8+$0x0], $0xffff;
	v41 =	vmul.f32 $5.000000000e-01, v15;
	v7 =	vmul.f32 v39, v50;
	v26 =	vsub.f32 v26, v18  }
0x189: {  	v60 =	vld [tilespmem:s6+$0x20];
	v28 =	vmul.f32 v62, v58;
	v20 =	vadd.f32 v24, v20;
	v27 =	vadd.f32 v29, v27  }
0x18a: {  	v16 =	vmul.f32 v43, v16;
	v62 =	vld [tilespmem:s7+$0x20];
	v32 =	vsub.f32 v41, v36;
	v7 =	vadd.f32 $0.0e+00, v7  }
0x18b: {  	v56 =	vld.idx.msk [tilespmem:v13+s10+$0x0], $0xffff;
	v28 =	vmul.f32 $1.666666720e-01, v28;
	v20 =	vadd.f32 v22, v20;
	v22 =	vadd.f32 $0.0e+00, v42  }
0x18c: {  	v15 =	vmul.f32 $1.666666720e-01, v15;
	v46 =	vadd.f32 v23, v27;
	v50 =	vadd.f32 $6.666666860e-01, v32  }
0x18d: {  	v53 =	vld.idx.msk [tilespmem:v13+s17+$0x0], $0xffff;
	v59 =	vmul.f32 v49, v17;
	v7 =	vadd.f32 v16, v7;
	v57 =	vsub.f32 $1.000000000e+00, v28  }
0x18e: {  	v17 =	vmul.f32 $6.250000000e-02, v60;
	v16 =	vadd.f32 $-2.500000000e-01, v35;
	v20 =	vadd.f32 v20, v21  }
0x18f: {  	v22 =	vadd.f32 v30, v22;
	v51 =	vadd.f32 v46, v47;
	v33 =	vmul.f32 $6.250000000e-02, v62  }
0x190: {  	v7 =	vadd.f32 v55, v7;
	v29 =	vmul.f32 v56, v50;
	v36 =	vtrunc.f32 v17  }
0x191: {  	v61 =	vsub.f32 v57, v50;
	v16 =	vmul.f32 $4.000000000e+00, v16;
	v6 =	vmul.f32 v20, v6  }
0x192: {  	v52 =	vadd.f32 v48, v22;
	v19 =	vmul.f32 v51, v19;
	v22 =	vmul.f32 v53, v28  }
0x193: {  	v58 =	vld.idx.msk [tilespmem:v13+s12+$0x0], $0xffff;
	v37 =	vcvt.f32.s32 v36;
	vm5 =	vlt.f32 v17, v36;
	v38 =	vtrunc.f32 v33  }
0x194: {  	v7 =	vadd.f32 v7, v59;
	v27 =	vsub.f32 v61, v15;
	v39 =	vsel vm5, $0xFFFFFFFF, v0  }
0x195: {  	v40 =	vcvt.f32.s32 v38;
	vm6 =	vlt.f32 v33, v38;
	v6 =	vadd.f32 $0.0e+00, v6  }
0x196: {  	v41 =	vld.idx.msk [tilespmem:v8+s18+$0x0], $0xffff;
	v47 =	vtrunc.f32 v16;
	v21 =	vadd.f32 v52, v54;
	v31 =	vadd.f32 v29, v22  }
0x197: {  	v8 =	vadd.s32 v37, v39;
	vm12 =	vlt.f32 v16, v47;
	v12 =	vcvt.f32.s32 v47  }
0x198: {  	v7 =	vmul.f32 v7, v18;
	v32 =	vmul.f32 v58, v27;
	v18 =	vsel vm6, $0xFFFFFFFF, v0  }
0x199: {  	vm8 =	vgt.s32 v8, $0x0;
	v48 =	vsel vm12, $0xFFFFFFFF, v0;
	vm4 =	vlt.u32 v8, $0x28  }
0x19a: {  	v6 =	vadd.f32 v6, v19;
	v63 =	vmul.f32 v21, v26;
	v9 =	vadd.s32 v40, v18  }
0x19b: {  	v26 =	vld.idx.msk [tilespmem:v13+s13+$0x0], $0xffff;
	v42 =	vnsel vm8, $0x0, v8;
	v13 =	vshrl.u32 v41, v13;
	v34 =	vadd.f32 v32, v31  }
0x19c: {  	vm9 =	vgt.s32 v9, $0x0;
	v43 =	vmin.u32 v42, $0x27;
	v13 =	vand.u32 $0x1, v13  }
0x19d: {  	v30 =	vadd.f32 v6, v63;
	v6 =	vnsel vm0, $0x7FC00000, v11;
	v44 =	vnsel vm9, $0x0, v9  }
0x19e: {  	v45 =	vcvt.s32.f32 v43;
	vm0 =	vmand vm7, vm10;
	v10 =	vmul.u32 $0x21, v43  }
0x19f: {  	vm14 =	veq.s32 v13, $0x1;
	vm9 =	vlt.u32 v9, $0x1E;
	v18 =	vmin.u32 v44, $0x1D  }
0x1a0: {  	vm0 =	vmand vm0, vm11;
	v7 =	vadd.f32 v30, v7;
	v46 =	vcvt.s32.f32 v18  }
0x1a1: {  	v17 =	vsub.f32 v17, v45;
	v18 =	vadd.s32 v18, v10;
	v10 =	vadd.s32 v12, v48  }
0x1a2: {  	v15 =	vmul.f32 v26, v15;
	vm13 =	vgt.s32 v10, $0x0;
	v14 =	vsub.f32 v33, v46  }
0x1a3: {  	v19 =	vmul.f32 v17, v17;
	v52 =	vsub.f32 $1.000000000e+00, v17;
	v54 =	vnsel vm13, $0x0, v10  }
0x1a4: {  	v11 =	vadd.f32 v15, v34;
	v22 =	vmin.u32 v54, $0x1E;
	v49 =	vmul.f32 v14, v14  }
0x1a5: {  	v50 =	vsub.f32 $1.000000000e+00, v14;
	v51 =	vmul.f32 v19, v17;
	v55 =	vmul.f32 v52, v52  }
0x1a6: {  	vm0 =	vmand vm0, vm14;
	v58 =	vcvt.s32.f32 v22;
	v59 =	vld.idx.msk [tilespmem:v18+s3+$0x0], $0xffff;
	v7 =	vmul.f32 v7, v11  }
0x1a7: {  	vm10 =	vlt.u32 v10, $0x1F;
	v60 =	vld.idx.msk [tilespmem:v18+s23+$0x0], $0xffff;
	v14 =	vmul.f32 v49, v14;
	v53 =	vmul.f32 v50, v50  }
0x1a8: {  	v61 =	vld.idx.msk [tilespmem:v18+s24+$0x0], $0xffff;
	v56 =	vmul.f32 $5.000000000e-01, v51;
	v15 =	vmul.f32 v55, v52;
	v16 =	vsub.f32 v16, v58  }
0x1a9: {  	v63 =	vld.idx.msk [tilespmem:v18+s25+$0x0], $0xffff;
	v12 =	vmul.f32 $1.666666720e-01, v51;
	v7 =	vnsel vm0, $0x7FC00000, v7;
	v17 =	vmul.f32 v53, v50  }
0x1aa: {  	v46 =	vld.idx.msk [tilespmem:v18+s30+$0x0], $0xffff;
	vm0 =	vmand vm4, vm9;
	v57 =	vmul.f32 $5.000000000e-01, v14;
	v15 =	vmul.f32 $1.666666720e-01, v15  }
0x1ab: {  	v37 =	vld.idx.msk [tilespmem:v18+s26+$0x0], $0xffff;
	v19 =	vsub.f32 v56, v19;
	v36 =	vmul.f32 v16, v16;
	v14 =	vmul.f32 $1.666666720e-01, v14  }
0x1ac: {  	v44 =	vld.idx.msk [tilespmem:v18+s31+$0x0], $0xffff;
	v38 =	vsub.f32 $1.000000000e+00, v16;
	vm0 =	vmand vm0, vm10;
	v17 =	vmul.f32 $1.666666720e-01, v17  }
0x1ad: {  	v39 =	vld.idx.msk [tilespmem:v18+s28+$0x0], $0xffff;
	v20 =	vsub.f32 v57, v49;
	v19 =	vadd.f32 $6.666666860e-01, v19;
	v40 =	vmul.f32 v36, v16  }
0x1ae: {  	v42 =	vld.idx.msk [tilespmem:v18+s29+$0x0], $0xffff;
	v35 =	vsub.f32 $1.000000000e+00, v15;
	v43 =	vmul.f32 v38, v38;
	v26 =	vmul.f32 v14, v63  }
0x1af: {  	v47 =	vld.idx.msk [tilespmem:v18+s0+$0x0], $0xffff;
	v55 =	vmul.f32 v14, v46;
	v20 =	vadd.f32 $6.666666860e-01, v20;
	v41 =	vmul.f32 v17, v59  }
0x1b0: {  	v52 =	vld.idx.msk [tilespmem:v18+s21+$0x0], $0xffff;
	v62 =	vsub.f32 $1.000000000e+00, v17;
	v45 =	vmul.f32 $5.000000000e-01, v40;
	v30 =	vmul.f32 v43, v38  }
0x1b1: {  	v49 =	vld.idx.msk [tilespmem:v18+s20+$0x0], $0xffff;
	v27 =	vsub.f32 v35, v19;
	v29 =	vmul.f32 v17, v37;
	v51 =	vmul.f32 v17, v44  }
0x1b2: {  	v50 =	vld.idx.msk [tilespmem:v18+s4+$0x0], $0xffff;
	v13 =	vmul.f32 $1.666666720e-01, v40;
	v25 =	vsub.f32 v62, v20;
	v16 =	vadd.f32 $0.0e+00, v41  }
0x1b3: {  	v53 =	vld.idx.msk [tilespmem:v18+s19+$0x0], $0xffff;
	v21 =	vmul.f32 v20, v60;
	v27 =	vsub.f32 v27, v12;
	v28 =	vsub.f32 v45, v36  }
0x1b4: {  	v59 =	vld.idx.msk [tilespmem:v22+s10+$0x0], $0xffff;
	v30 =	vmul.f32 $1.666666720e-01, v30;
	v29 =	vadd.f32 $0.0e+00, v29;
	v31 =	vmul.f32 v20, v39  }
0x1b5: {  	v32 =	vmul.f32 v20, v47;
	v36 =	vld.idx.msk [tilespmem:v18+s1+$0x0], $0xffff;
	v25 =	vsub.f32 v25, v14;
	v16 =	vadd.f32 v21, v16  }
0x1b6: {  	s5 =	sadd.s32 $0xA0, s5;
	v57 =	vld.idx.msk [tilespmem:v22+s17+$0x0], $0xffff;
	v17 =	vmul.f32 v49, v17;
	v28 =	vadd.f32 $6.666666860e-01, v28;
	v29 =	vadd.f32 v31, v29  }
0x1b7: {  	s15 =	sand.u32 $0xFE0, s5;
	v54 =	vld.idx.msk [tilespmem:v18+s8+$0x0], $0xffff;
	v20 =	vmul.f32 v52, v20;
	v21 =	vadd.f32 $0.0e+00, v51;
	v58 =	vsub.f32 $1.000000000e+00, v30  }
0x1b8: {  	v39 =	vld [tilespmem:s15+$0x6080];
	v17 =	vadd.f32 $0.0e+00, v17;
	v48 =	vmul.f32 v25, v61;
	v24 =	vmul.f32 v25, v42  }
0x1b9: {  	v31 =	vld [tilespmem:s15+$0x8080];
	v21 =	vadd.f32 v32, v21;
	v56 =	vmul.f32 v25, v50;
	v61 =	vmul.f32 v53, v14  }
0x1ba: {  	v34 =	vld.idx.msk [tilespmem:v22+s13+$0x0], $0xffff;
	v37 =	vmul.f32 v59, v28;
	v17 =	vadd.f32 v20, v17;
	v62 =	vmul.f32 v25, v36  }
0x1bb: {  	v36 =	vmul.f32 v57, v30;
	v16 =	vadd.f32 v48, v16;
	v24 =	vadd.f32 v24, v29  }
0x1bc: {  	v14 =	vmul.f32 v54, v14;
	v42 =	vld [tilespmem:s15+$0xA080];
	v21 =	vadd.f32 v56, v21;
	v29 =	vsub.f32 v58, v28  }
0x1bd: {  	v63 =	vld.idx.msk [tilespmem:v22+s12+$0x0], $0xffff;
	v48 =	vmul.f32 $6.250000000e-02, v39;
	v17 =	vadd.f32 v62, v17;
	v40 =	vadd.f32 v37, v36  }
0x1be: {  	v44 =	vmul.f32 $6.250000000e-02, v31;
	v16 =	vadd.f32 v16, v26;
	v60 =	vadd.f32 v24, v55  }
0x1bf: {  	v21 =	vadd.f32 v21, v61;
	v35 =	vsub.f32 v29, v13;
	v13 =	vmul.f32 v34, v13  }
0x1c0: {  	v43 =	vld.idx.msk [tilespmem:v18+s18+$0x0], $0xffff;
	v52 =	vtrunc.f32 v48;
	v14 =	vadd.f32 v17, v14;
	v45 =	vtrunc.f32 v44  }
0x1c1: {  	v49 =	vadd.f32 $-2.500000000e-01, v42;
	v53 =	vcvt.f32.s32 v52;
	v15 =	vmul.f32 v16, v15  }
0x1c2: {  	vm6 =	vlt.f32 v48, v52;
	v16 =	vmul.f32 v60, v19;
	v41 =	vmul.f32 v63, v35  }
0x1c3: {  	v38 =	vmul.f32 v21, v27;
	v47 =	vcvt.f32.s32 v45;
	vm15 =	vlt.f32 v44, v45  }
0x1c4: {  	v55 =	vsel vm6, $0xFFFFFFFF, v0;
	v12 =	vmul.f32 v14, v12;
	v11 =	vadd.f32 v41, v40  }
0x1c5: {  	v50 =	vsel vm15, $0xFFFFFFFF, v0;
	v14 =	vshrl.u32 v43, v22;
	v51 =	vmul.f32 $4.000000000e+00, v49  }
0x1c6: {  	v15 =	vadd.f32 $0.0e+00, v15;
	v46 =	vadd.f32 v13, v11;
	v13 =	vadd.s32 v53, v55  }
0x1c7: {  	v8 =	vadd.s32 v47, v50;
	v14 =	vand.u32 $0x1, v14;
	vm8 =	vgt.s32 v13, $0x0  }
0x1c8: {  	vm5 =	vgt.s32 v8, $0x0;
	v56 =	vtrunc.f32 v51;
	v59 =	vnsel vm8, $0x0, v13  }
0x1c9: {  	v54 =	vnsel vm5, $0x0, v8;
	vm7 =	vlt.f32 v51, v56;
	v60 =	vmin.u32 v59, $0x27  }
0x1ca: {  	v20 =	vcvt.f32.s32 v56;
	v11 =	vmin.u32 v54, $0x1D;
	v19 =	vmul.u32 $0x21, v60  }
0x1cb: {  	vm12 =	veq.s32 v14, $0x1;
	v58 =	vsel vm7, $0xFFFFFFFF, v0;
	v57 =	vcvt.s32.f32 v11  }
0x1cc: {  	v15 =	vadd.f32 v15, v16;
	v9 =	vadd.s32 v20, v58;
	v11 =	vadd.s32 v11, v19  }
0x1cd: {  	vm0 =	vmand vm0, vm12;
	vm11 =	vgt.s32 v9, $0x0;
	v16 =	vsub.f32 v44, v57  }
0x1ce: {  	v15 =	vadd.f32 v15, v38;
	v61 =	vcvt.s32.f32 v60;
	v28 =	vnsel vm11, $0x0, v9  }
0x1cf: {  	v10 =	vmin.u32 v28, $0x1E;
	v62 =	vmul.f32 v16, v16;
	v63 =	vsub.f32 $1.000000000e+00, v16  }
0x1d0: {  	v12 =	vadd.f32 v15, v12;
	v15 =	vsub.f32 v48, v61;
	v33 =	vcvt.s32.f32 v10  }
0x1d1: {  	vm7 =	vlt.u32 v13, $0x28;
	v16 =	vmul.f32 v62, v16;
	v29 =	vmul.f32 v63, v63;
	v34 =	vld.idx.msk [tilespmem:v11+s3+$0x0], $0xffff  }
0x1d2: {  	v12 =	vmul.f32 v12, v46;
	v20 =	vmul.f32 v15, v15;
	v30 =	vsub.f32 $1.000000000e+00, v15;
	v36 =	vld.idx.msk [tilespmem:v11+s23+$0x0], $0xffff  }
0x1d3: {  	v17 =	vsub.f32 v51, v33;
	v31 =	vmul.f32 $5.000000000e-01, v16;
	v19 =	vmul.f32 v29, v63;
	v38 =	vld.idx.msk [tilespmem:v11+s24+$0x0], $0xffff  }
0x1d4: {  	vm8 =	vlt.u32 v8, $0x1E;
	v15 =	vmul.f32 v20, v15;
	v32 =	vmul.f32 v30, v30;
	v39 =	vld.idx.msk [tilespmem:v11+s26+$0x0], $0xffff  }
0x1d5: {  	vm1 =	vmand vm7, vm8;
	v16 =	vmul.f32 $1.666666720e-01, v16;
	v42 =	vmul.f32 v17, v17;
	v41 =	vld.idx.msk [tilespmem:v11+s25+$0x0], $0xffff  }
0x1d6: {  	v40 =	vsub.f32 $1.000000000e+00, v17;
	v43 =	vld.idx.msk [tilespmem:v11+s28+$0x0], $0xffff;
	v14 =	vmul.f32 $1.666666720e-01, v19;
	v22 =	vmul.f32 v32, v30  }
0x1d7: {  	v46 =	vld.idx.msk [tilespmem:v11+s29+$0x0], $0xffff;
	v21 =	vsub.f32 v31, v62;
	v35 =	vmul.f32 $5.000000000e-01, v15;
	v15 =	vmul.f32 $1.666666720e-01, v15  }
0x1d8: {  	vm9 =	vlt.u32 v9, $0x1F;
	v47 =	vld.idx.msk [tilespmem:v11+s30+$0x0], $0xffff;
	v45 =	vmul.f32 v40, v40;
	v17 =	vmul.f32 v42, v17  }
0x1d9: {  	v48 =	vld.idx.msk [tilespmem:v11+s31+$0x0], $0xffff;
	v21 =	vadd.f32 $6.666666860e-01, v21;
	v37 =	vsub.f32 $1.000000000e+00, v14;
	v22 =	vmul.f32 $1.666666720e-01, v22  }
0x1da: {  	v50 =	vld.idx.msk [tilespmem:v11+s0+$0x0], $0xffff;
	v20 =	vsub.f32 v35, v20;
	v26 =	vmul.f32 v45, v40;
	v49 =	vmul.f32 $5.000000000e-01, v17  }
0x1db: {  	v52 =	vld.idx.msk [tilespmem:v11+s20+$0x0], $0xffff;
	v18 =	vsub.f32 v37, v21;
	v24 =	vmul.f32 v14, v34;
	v25 =	vmul.f32 v21, v36  }
0x1dc: {  	v54 =	vld.idx.msk [tilespmem:v11+s19+$0x0], $0xffff;
	v20 =	vadd.f32 $6.666666860e-01, v20;
	v23 =	vmul.f32 v14, v39;
	v29 =	vmul.f32 v21, v43  }
0x1dd: {  	v62 =	vld [tilespmem:s7+$0x40];
	v44 =	vsub.f32 $1.000000000e+00, v22;
	v26 =	vmul.f32 $1.666666720e-01, v26;
	v27 =	vmul.f32 v16, v41  }
0x1de: {  	v51 =	vld.idx.msk [tilespmem:v11+s4+$0x0], $0xffff;
	v28 =	vsub.f32 v49, v42;
	v31 =	vmul.f32 v14, v48;
	v37 =	vmul.f32 $1.666666720e-01, v17  }
0x1df: {  	v56 =	vld.idx.msk [tilespmem:v11+s21+$0x0], $0xffff;
	v60 =	vmul.f32 v16, v47;
	v18 =	vsub.f32 v18, v16;
	v24 =	vadd.f32 $0.0e+00, v24  }
0x1e0: {  	v59 =	vld.idx.msk [tilespmem:v11+s1+$0x0], $0xffff;
	v14 =	vmul.f32 v52, v14;
	v30 =	vsub.f32 v44, v20;
	v23 =	vadd.f32 $0.0e+00, v23  }
0x1e1: {  	v41 =	vld [tilespmem:s6+$0x40];
	v43 =	vmul.f32 v54, v16;
	v28 =	vadd.f32 $6.666666860e-01, v28;
	v55 =	vsub.f32 $1.000000000e+00, v26  }
0x1e2: {  	v61 =	vadd.f32 $0.0e+00, v31;
	v14 =	vadd.f32 $0.0e+00, v14;
	v44 =	vmul.f32 $6.250000000e-02, v62  }
0x1e3: {  	v24 =	vadd.f32 v25, v24;
	v19 =	vmul.f32 v18, v38;
	v53 =	vmul.f32 v18, v46  }
0x1e4: {  	v30 =	vsub.f32 v30, v15;
	v25 =	vmul.f32 v21, v50;
	v40 =	vmul.f32 v18, v51  }
0x1e5: {  	v23 =	vadd.f32 v29, v23;
	v21 =	vmul.f32 v56, v21;
	v18 =	vmul.f32 v18, v59  }
0x1e6: {  	v63 =	vsub.f32 v55, v28;
	v47 =	vtrunc.f32 v44;
	v46 =	vmul.f32 $6.250000000e-02, v41  }
0x1e7: {  	v38 =	vld.idx.msk [tilespmem:v11+s8+$0x0], $0xffff;
	v49 =	vcvt.f32.s32 v47;
	v19 =	vadd.f32 v19, v24;
	v58 =	vadd.f32 v53, v23  }
0x1e8: {  	v48 =	vld [tilespmem:s9+$0x40];
	vm13 =	vlt.f32 v44, v47;
	v39 =	vadd.f32 v25, v61;
	v14 =	vadd.f32 v21, v14  }
0x1e9: {  	v50 =	vld.idx.msk [tilespmem:v10+s17+$0x0], $0xffff;
	v52 =	vsel vm13, $0xFFFFFFFF, v0;
	v57 =	vadd.f32 v19, v27;
	v19 =	vadd.f32 v58, v60  }
0x1ea: {  	v53 =	vld.idx.msk [tilespmem:v10+s10+$0x0], $0xffff;
	v51 =	vtrunc.f32 v46;
	v42 =	vadd.f32 v40, v39;
	v14 =	vadd.f32 v18, v14  }
0x1eb: {  	v54 =	vcvt.f32.s32 v51;
	vm14 =	vlt.f32 v46, v51;
	v60 =	vsub.f32 v63, v37  }
0x1ec: {  	v16 =	vmul.f32 v38, v16;
	v55 =	vsel vm14, $0xFFFFFFFF, v0;
	v17 =	vmul.f32 v57, v22  }
0x1ed: {  	v19 =	vmul.f32 v19, v20;
	v45 =	vadd.f32 v42, v43;
	v22 =	vadd.f32 $-2.500000000e-01, v48  }
0x1ee: {  	v32 =	vld.idx.msk [tilespmem:v10+s13+$0x0], $0xffff;
	v20 =	vmul.f32 v50, v26;
	v16 =	vadd.f32 v14, v16;
	v14 =	vadd.s32 v49, v52  }
0x1ef: {  	v25 =	vmul.f32 v53, v28;
	v17 =	vadd.f32 $0.0e+00, v17;
	vm15 =	vgt.s32 v14, $0x0  }
0x1f0: {  	v22 =	vmul.f32 $4.000000000e+00, v22;
	v16 =	vmul.f32 v16, v15;
	v15 =	vadd.s32 v54, v55  }
0x1f1: {  	v56 =	vnsel vm15, $0x0, v14;
	v62 =	vadd.f32 v25, v20;
	vm4 =	vgt.s32 v15, $0x0  }
0x1f2: {  	v17 =	vadd.f32 v17, v19;
	v19 =	vmul.f32 v45, v30;
	v58 =	vnsel vm4, $0x0, v15  }
0x1f3: {  	v57 =	vld.idx.msk [tilespmem:v10+s12+$0x0], $0xffff;
	v25 =	vmul.f32 v32, v37;
	v63 =	vtrunc.f32 v22;
	v24 =	vmin.u32 v58, $0x27  }
0x1f4: {  	v17 =	vadd.f32 v17, v19;
	v19 =	vmin.u32 v56, $0x1D;
	v61 =	vmul.u32 $0x21, v24  }
0x1f5: {  	v35 =	vcvt.f32.s32 v63;
	vm5 =	vlt.f32 v22, v63;
	v59 =	vcvt.s32.f32 v19  }
0x1f6: {  	v20 =	vsel vm5, $0xFFFFFFFF, v0;
	v38 =	vcvt.s32.f32 v24;
	v19 =	vadd.s32 v19, v61  }
0x1f7: {  	v11 =	vld.idx.msk [tilespmem:v11+s18+$0x0], $0xffff;
	v16 =	vadd.f32 v17, v16;
	v17 =	vadd.s32 v35, v20;
	v21 =	vsub.f32 v44, v59  }
0x1f8: {  	v23 =	vmul.f32 v57, v60;
	vm6 =	vgt.s32 v17, $0x0;
	v18 =	vsub.f32 v46, v38  }
0x1f9: {  	v41 =	vnsel vm6, $0x0, v17;
	v33 =	vmul.f32 v21, v21;
	v34 =	vsub.f32 $1.000000000e+00, v21  }
0x1fa: {  	v27 =	vmin.u32 v41, $0x1E;
	v44 =	vsub.f32 $1.000000000e+00, v18;
	v47 =	vmul.f32 v18, v18  }
0x1fb: {  	vm10 =	vmand vm1, vm9;
	v45 =	vcvt.s32.f32 v27;
	v36 =	vmul.f32 v34, v34;
	v42 =	vld.idx.msk [tilespmem:v19+s3+$0x0], $0xffff  }
0x1fc: {  	v10 =	vshrl.u32 v11, v10;
	v21 =	vmul.f32 v33, v21;
	v50 =	vmul.f32 v44, v44;
	v43 =	vld.idx.msk [tilespmem:v19+s23+$0x0], $0xffff  }
0x1fd: {  	v23 =	vadd.f32 v23, v62;
	v18 =	vmul.f32 v47, v18;
	v49 =	vld.idx.msk [tilespmem:v19+s25+$0x0], $0xffff;
	v39 =	vmul.f32 v36, v34  }
0x1fe: {  	v22 =	vsub.f32 v22, v45;
	v51 =	vld.idx.msk [tilespmem:v19+s26+$0x0], $0xffff;
	v40 =	vmul.f32 $5.000000000e-01, v21;
	v21 =	vmul.f32 $1.666666720e-01, v21  }
0x1ff: {  	v23 =	vadd.f32 v25, v23;
	v38 =	vld.idx.msk [tilespmem:v19+s31+$0x0], $0xffff;
	v13 =	vmul.f32 v50, v44;
	v55 =	vmul.f32 $5.000000000e-01, v18  }
0x200: {  	v57 =	vld.idx.msk [tilespmem:v19+s20+$0x0], $0xffff;
	v18 =	vmul.f32 $1.666666720e-01, v18;
	v53 =	vsub.f32 $1.000000000e+00, v22;
	v56 =	vmul.f32 v22, v22  }
0x201: {  	v44 =	vld.idx.msk [tilespmem:v19+s19+$0x0], $0xffff;
	v24 =	vmul.f32 $1.666666720e-01, v39;
	v26 =	vsub.f32 v40, v33;
	v13 =	vmul.f32 $1.666666720e-01, v13  }
0x202: {  	v46 =	vld.idx.msk [tilespmem:v19+s24+$0x0], $0xffff;
	v31 =	vsub.f32 v55, v47;
	v39 =	vmul.f32 v53, v53;
	v22 =	vmul.f32 v56, v22  }
0x203: {  	v52 =	vld.idx.msk [tilespmem:v19+s28+$0x0], $0xffff;
	v26 =	vadd.f32 $6.666666860e-01, v26;
	v20 =	vmul.f32 v24, v42;
	v29 =	vmul.f32 v24, v51  }
0x204: {  	v54 =	vld.idx.msk [tilespmem:v19+s29+$0x0], $0xffff;
	v48 =	vsub.f32 $1.000000000e+00, v24;
	v61 =	vmul.f32 v21, v49;
	v62 =	vmul.f32 v24, v38  }
0x205: {  	v40 =	vld.idx.msk [tilespmem:v19+s0+$0x0], $0xffff;
	v24 =	vmul.f32 v57, v24;
	v31 =	vadd.f32 $6.666666860e-01, v31;
	v25 =	vmul.f32 v39, v53  }
0x206: {  	v59 =	vld.idx.msk [tilespmem:v19+s21+$0x0], $0xffff;
	v60 =	vmul.f32 $5.000000000e-01, v22;
	v50 =	vmul.f32 v44, v21;
	v32 =	vsub.f32 v48, v26  }
0x207: {  	v41 =	vld.idx.msk [tilespmem:v19+s30+$0x0], $0xffff;
	v22 =	vmul.f32 $1.666666720e-01, v22;
	v20 =	vadd.f32 $0.0e+00, v20;
	v29 =	vadd.f32 $0.0e+00, v29  }
0x208: {  	v49 =	vld.idx.msk [tilespmem:v27+s17+$0x0], $0xffff;
	v28 =	vmul.f32 v26, v43;
	v42 =	vadd.f32 $0.0e+00, v62;
	v32 =	vsub.f32 v32, v21  }
0x209: {  	v63 =	vld.idx.msk [tilespmem:v19+s4+$0x0], $0xffff;
	v34 =	vmul.f32 v26, v52;
	v24 =	vadd.f32 $0.0e+00, v24;
	v37 =	vsub.f32 v60, v56  }
0x20a: {  	v45 =	vld.idx.msk [tilespmem:v19+s1+$0x0], $0xffff;
	v43 =	vmul.f32 v26, v40;
	v20 =	vadd.f32 v28, v20;
	v58 =	vmul.f32 v32, v46  }
0x20b: {  	v26 =	vmul.f32 v59, v26;
	v25 =	vmul.f32 $1.666666720e-01, v25;
	v29 =	vadd.f32 v34, v29  }
0x20c: {  	v48 =	vld.idx.msk [tilespmem:v19+s8+$0x0], $0xffff;
	v28 =	vadd.f32 v43, v42;
	v39 =	vmul.f32 v32, v54;
	v20 =	vadd.f32 v58, v20  }
0x20d: {  	v24 =	vadd.f32 v26, v24;
	v53 =	vsub.f32 $1.000000000e+00, v25;
	v25 =	vmul.f32 v49, v25  }
0x20e: {  	v51 =	vld.idx.msk [tilespmem:v27+s10+$0x0], $0xffff;
	v46 =	vmul.f32 v21, v41;
	v29 =	vadd.f32 v39, v29;
	v20 =	vadd.f32 v20, v61  }
0x20f: {  	v52 =	vadd.f32 $6.666666860e-01, v37;
	v47 =	vmul.f32 v32, v63;
	v30 =	vmul.f32 v32, v45  }
0x210: {  	v29 =	vadd.f32 v29, v46;
	v20 =	vmul.f32 v20, v13;
	v13 =	vsub.f32 $1.000000000e+00, v13  }
0x211: {  	v54 =	vld.idx.msk [tilespmem:v27+s12+$0x0], $0xffff;
	v21 =	vmul.f32 v48, v21;
	v28 =	vadd.f32 v47, v28;
	v24 =	vadd.f32 v30, v24  }
0x212: {  	v55 =	vld.idx.msk [tilespmem:v27+s13+$0x0], $0xffff;
	v29 =	vmul.f32 v29, v31;
	v13 =	vsub.f32 v13, v31;
	v31 =	vsub.f32 v53, v52  }
0x213: {  	v32 =	vmul.f32 v51, v52;
	v28 =	vadd.f32 v28, v50;
	v20 =	vadd.f32 $0.0e+00, v20  }
0x214: {  	[tilespmem:s22+$0xFFFFFFD0] =	vst v2;
	v2 =	vand.u32 $0x1, v10;
	v13 =	vsub.f32 v13, v18;
	v31 =	vsub.f32 v31, v22  }
0x215: {  	vm12 =	vlt.u32 v14, $0x1E;
	v19 =	vld.idx.msk [tilespmem:v19+s18+$0x0], $0xffff;
	v58 =	vadd.f32 v32, v25;
	v57 =	vadd.f32 v24, v21  }
0x216: {  	v56 =	vadd.f32 v20, v29;
	v13 =	vmul.f32 v28, v13;
	v59 =	vmul.f32 v54, v31  }
0x217: {  	[tilespmem:s22+$0xFFFFFFB0] =	vst v1;
	vm15 =	veq.s32 v2, $0x1;
	vm11 =	vlt.u32 v15, $0x28;
	v61 =	vmul.f32 v55, v22  }
0x218: {  	[tilespmem:s22+$0xFFFFFFC0] =	vst v3;
	v1 =	vmul.f32 v57, v18;
	v8 =	vadd.f32 v56, v13;
	v60 =	vadd.f32 v59, v58  }
0x219: {  	[tilespmem:s22+$0xFFFFFFE0] =	vst v4;
	v3 =	vnsel vm0, $0x7FC00000, v12;
	vm0 =	vmand vm10, vm15;
	vm1 =	vmand vm11, vm12  }
0x21a: {  	p0 =	slt.u32 s5, $0xF00;
	[tilespmem:s22+$0xFFFFFFF0] =	vst v5;
	v63 =	vshrl.u32 v19, v27;
	v1 =	vadd.f32 v8, v1;
	v62 =	vadd.f32 v61, v60  }
.Ltmp5:
0x21b: {  	[tilespmem:s22+$0x0] =	vst v6;
	vm13 =	vlt.u32 v17, $0x1F;
	v2 =	vmul.f32 v16, v23;
	v4 =	vand.u32 $0x1, v63;
	(pc) =	sbr.rel @p0 .LBB2_5-.Ltmp5, $4  }
0x21c: {  	[tilespmem:s22+$0x10] =	vst v7;
	vm1 =	vmand vm1, vm13;
	vm14 =	veq.s32 v4, $0x1;
	v1 =	vmul.f32 v1, v62  }
0x21d: {  	[tilespmem:s22+$0x20] =	vst v3;
	v2 =	vnsel vm0, $0x7FC00000, v2;
	vm1 =	vmand vm1, vm14  }
0x21e: {  	s7 =	sadd.s32 $0xA0, s7;
	[tilespmem:s15+$0xC080] =	vst v2;
	v1 =	vnsel vm1, $0x7FC00000, v1  }
0x21f: {  	s6 =	sadd.s32 $0xA0, s6;
	s9 =	sadd.s32 $0xA0, s9;
	[tilespmem:s22+$0x40] =	vst v1;
	s22 =	sadd.s32 $0xA0, s22  }
0x220: {  	s5 =	sshll.u32 s14, $0x6;
	s9 =	rddreg [dreg:$0x7]  }
.Ltmp6:
0x221: {  	s5 =	sor.u32 s9, s5;
	(pc) =	sbr.rel .LBB2_7-.Ltmp6, $4  }
0x222: {  	s5 =	smul.u32 $0x1F4, s5  }
0x223: {  	s22 =	rddreg [dreg:$0x1]  }
0x224: {  	s6 =	simm.s32 $0xC000;
	s5 =	sadd.s32 s22, s5  }
0x225: {  	[hbm4b:s5+s3] =	stream.linear.scatter [tilespmem:s6], [sflag:$0x3], $0xFA0, $0x38;
	[tilespmem:$0xE000] =	vst v63  }
.LBB2_3:
0x226: {  	s16 =	sor.u32 $0x1, s2  }
.LBB2_7:
0x227: {  	p0 =	sge.u32 s16, s11  }
.Ltmp7:
0x228: {  	_ = 	snop;
	(pc) =	sbr.rel @p0 .LBB2_11-.Ltmp7, $1  }
0x229: {  	_ =	sdelay $0x3  }
0x22a: {  	s5 =	simm.s32 $0x2  }
0x22b: {  	_ =	swait.ge [sflag:s5], $0xFA0  }
0x22c: {  	[sflag:s5] =	ssyncset.done $0x0  }
0x22d: {  	[sflag:s5] =	ssyncadd.s32 $0xFFFFF060  }
0x22e: {  	s2 =	sadd.s32 $0x2, s2;
	_ =	swait.ge [sflag:s5], $0xFA0  }
0x22f: {  	p0 =	sge.u32 s2, s11;
	[sflag:s5] =	ssyncset.done $0x0  }
0x230: {  	s2 =	sshll.u32 @!p0 s2, $0x5;
	[sflag:s5] =	ssyncadd.s32 $0xFFFFF060  }
0x231: {  	s2 =	sor.u32 @!p0 s9, s2;
	_ =	swait.ge [sflag:s5], $0xFA0  }
0x232: {  	s2 =	smul.u32 @!p0 $0x1F4, s2;
	[sflag:s5] =	ssyncset.done $0x0  }
0x233: {  	[sflag:s5] =	ssyncadd.s32 $0xFFFFF060;
	s5 =	rddreg [dreg:$0x3]  }
0x234: {  	s6 =	simm.s32 @!p0 $0x0;
	s7 =	simm.s32 @!p0 $0x6000;
	s5 =	sadd.s32 @!p0 s5, s2  }
0x235: {  	[tilespmem:s7], [sflag:$0x1] =	stream.linear.gather @!p0 [hbm4b:s5+s6], $0xFA0, $0x38;
	[tilespmem:$0xE000] =	vst v63  }
0x236: {  	s5 =	rddreg [dreg:$0x4]  }
0x237: {  	s7 =	simm.s32 @!p0 $0x8000;
	s5 =	sadd.s32 @!p0 s5, s2  }
0x238: {  	[tilespmem:s7], [sflag:$0x1] =	stream.linear.gather @!p0 [hbm4b:s5+s6], $0xFA0, $0x38;
	[tilespmem:$0xE000] =	vst v63  }
0x239: {  	s5 =	rddreg [dreg:$0x5]  }
0x23a: {  	s2 =	sadd.s32 @!p0 s5, s2;
	s5 =	simm.s32 @!p0 $0xA000  }
0x23b: {  	[tilespmem:s5], [sflag:$0x1] =	stream.linear.gather @!p0 [hbm4b:s2+s6], $0xFA0, $0x38;
	[tilespmem:$0xE000] =	vst v63  }
0x23c: {  	p0 =	seq.s32 s14, $0x0  }
0x23d: {  	s2 =	simm.s32 @!p0 $0x4  }
0x23e: {  	s9 =	simm.s32 $0xD050;
	_ =	swait.ge @!p0 [sflag:s2], $0xFA0  }
0x23f: {  	s7 =	simm.s32 $0xB050;
	s5 =	simm.s32 $0x7050;
	[sflag:s2] =	ssyncset.done @!p0 $0x0  }
0x240: {  	s6 =	simm.s32 $0x9050;
	[sflag:s2] =	ssyncadd.s32 @!p0 $0xFFFFF060;
	s2 =	simm.s32 $0xFFFFFF60  }
.LBB2_9:
0x241: {  	v1 =	vld [tilespmem:s6+$0xFFFFFFB0]  }
0x242: {  	v2 =	vld [tilespmem:s7+$0xFFFFFFB0]  }
0x243: {  	v3 =	vld [tilespmem:s5+$0xFFFFFFB0];
	_ =	sdelay $0x3  }
0x244: {  	v4 =	vmul.f32 $6.250000000e-02, v1;
	v1 =	vadd.f32 $-2.500000000e-01, v2  }
0x245: {  	v5 =	vmul.f32 $6.250000000e-02, v3  }
0x246: {  	v6 =	vmul.f32 $4.000000000e+00, v1;
	v1 =	vtrunc.f32 v4  }
0x247: {  	v2 =	vtrunc.f32 v5;
	v3 =	vcvt.f32.s32 v1  }
0x248: {  	vm0 =	vlt.f32 v4, v1;
	v7 =	vcvt.f32.s32 v2;
	vm1 =	vlt.f32 v5, v2  }
0x249: {  	v1 =	vsel vm0, $0xFFFFFFFF, v0;
	v2 =	vsel vm1, $0xFFFFFFFF, v0  }
0x24a: {  	v1 =	vadd.s32 v3, v1;
	v3 =	vadd.s32 v7, v2;
	v2 =	vtrunc.f32 v6  }
0x24b: {  	vm14 =	vgt.s32 v1, $0x0;
	v32 =	vcvt.f32.s32 v2  }
0x24c: {  	vm15 =	vlt.f32 v6, v2;
	vm4 =	vgt.s32 v3, $0x0;
	v2 =	vnsel vm14, $0x0, v1  }
0x24d: {  	v8 =	vsel vm15, $0xFFFFFFFF, v0;
	v33 =	vnsel vm4, $0x0, v3;
	v9 =	vmin.u32 v2, $0x1D  }
0x24e: {  	v2 =	vadd.s32 v32, v8;
	v7 =	vmin.u32 v33, $0x27;
	v34 =	vcvt.s32.f32 v9  }
0x24f: {  	vm5 =	vgt.s32 v2, $0x0;
	v10 =	vcvt.s32.f32 v7;
	v7 =	vmul.u32 $0x21, v7  }
0x250: {  	v35 =	vnsel vm5, $0x0, v2;
	v4 =	vsub.f32 v4, v34  }
0x251: {  	v5 =	vsub.f32 v5, v10;
	v7 =	vadd.s32 v9, v7;
	v8 =	vmin.u32 v35, $0x1E  }
0x252: {  	v14 =	vcvt.s32.f32 v8;
	v36 =	vmul.f32 v4, v4;
	v37 =	vsub.f32 $1.000000000e+00, v4  }
0x253: {  	v11 =	vmul.f32 v5, v5;
	v12 =	vsub.f32 $1.000000000e+00, v5  }
0x254: {  	v6 =	vsub.f32 v6, v14;
	v4 =	vmul.f32 v36, v4;
	v13 =	vmul.f32 v37, v37  }
0x255: {  	v63 =	vld [tilespmem:s5+$0xFFFFFFC0];
	v5 =	vmul.f32 v11, v5;
	v15 =	vmul.f32 v12, v12  }
0x256: {  	vm6 =	vlt.u32 v3, $0x28;
	v39 =	vld.idx.msk [tilespmem:v7+s3+$0x0], $0xffff;
	v41 =	vmul.f32 v6, v6;
	v9 =	vmul.f32 v13, v37  }
0x257: {  	vm2 =	vlt.u32 v1, $0x1E;
	v18 =	vld.idx.msk [tilespmem:v7+s25+$0x0], $0xffff;
	v38 =	vmul.f32 $5.000000000e-01, v4;
	v12 =	vmul.f32 v15, v12  }
0x258: {  	v42 =	vsub.f32 $1.000000000e+00, v6;
	v20 =	vld.idx.msk [tilespmem:v7+s26+$0x0], $0xffff;
	v40 =	vmul.f32 $5.000000000e-01, v5;
	v4 =	vmul.f32 $1.666666720e-01, v4  }
0x259: {  	vm0 =	vmand vm6, vm2;
	v43 =	vld.idx.msk [tilespmem:v7+s30+$0x0], $0xffff;
	v5 =	vmul.f32 $1.666666720e-01, v5;
	v6 =	vmul.f32 v41, v6  }
0x25a: {  	vm11 =	vlt.u32 v2, $0x1F;
	v44 =	vld.idx.msk [tilespmem:v7+s31+$0x0], $0xffff;
	v22 =	vmul.f32 v42, v42;
	v9 =	vmul.f32 $1.666666720e-01, v9  }
0x25b: {  	v46 =	vld.idx.msk [tilespmem:v7+s20+$0x0], $0xffff;
	v10 =	vsub.f32 v38, v36;
	v12 =	vmul.f32 $1.666666720e-01, v12;
	v24 =	vmul.f32 $5.000000000e-01, v6  }
0x25c: {  	v29 =	vld.idx.msk [tilespmem:v7+s19+$0x0], $0xffff;
	v11 =	vsub.f32 v40, v11;
	v15 =	vmul.f32 v22, v42;
	v6 =	vmul.f32 $1.666666720e-01, v6  }
0x25d: {  	v16 =	vld.idx.msk [tilespmem:v7+s23+$0x0], $0xffff;
	v22 =	vmul.f32 $6.250000000e-02, v63;
	v10 =	vadd.f32 $6.666666860e-01, v10;
	v19 =	vsub.f32 $1.000000000e+00, v9  }
0x25e: {  	v23 =	vld.idx.msk [tilespmem:v7+s28+$0x0], $0xffff;
	v11 =	vadd.f32 $6.666666860e-01, v11;
	v14 =	vmul.f32 v9, v39;
	v20 =	vmul.f32 v9, v20  }
0x25f: {  	v17 =	vld.idx.msk [tilespmem:v7+s24+$0x0], $0xffff;
	v21 =	vsub.f32 $1.000000000e+00, v12;
	v47 =	vmul.f32 v9, v44;
	v18 =	vmul.f32 v4, v18  }
0x260: {  	v26 =	vld.idx.msk [tilespmem:v7+s0+$0x0], $0xffff;
	v9 =	vmul.f32 v46, v9;
	v53 =	vmul.f32 v4, v43;
	v19 =	vsub.f32 v19, v10  }
0x261: {  	v25 =	vld.idx.msk [tilespmem:v7+s29+$0x0], $0xffff;
	v57 =	vmul.f32 v29, v4;
	v13 =	vsub.f32 v24, v41;
	v15 =	vmul.f32 $1.666666720e-01, v15  }
0x262: {  	v48 =	vld.idx.msk [tilespmem:v7+s21+$0x0], $0xffff;
	v14 =	vadd.f32 $0.0e+00, v14;
	v16 =	vmul.f32 v10, v16;
	v19 =	vsub.f32 v19, v4  }
0x263: {  	v27 =	vld.idx.msk [tilespmem:v7+s4+$0x0], $0xffff;
	v21 =	vsub.f32 v21, v11;
	v20 =	vadd.f32 $0.0e+00, v20;
	v23 =	vmul.f32 v10, v23  }
0x264: {  	v50 =	vld.idx.msk [tilespmem:v7+s1+$0x0], $0xffff;
	v9 =	vadd.f32 $0.0e+00, v9;
	v14 =	vadd.f32 v16, v14;
	v45 =	vmul.f32 v19, v17  }
0x265: {  	v26 =	vmul.f32 v10, v26;
	v13 =	vadd.f32 $6.666666860e-01, v13;
	v16 =	vadd.f32 $0.0e+00, v47  }
0x266: {  	v30 =	vld.idx.msk [tilespmem:v7+s8+$0x0], $0xffff;
	v20 =	vadd.f32 v23, v20;
	v49 =	vmul.f32 v19, v25;
	v14 =	vadd.f32 v45, v14  }
0x267: {  	v10 =	vmul.f32 v48, v10;
	v28 =	vsub.f32 $1.000000000e+00, v15;
	v16 =	vadd.f32 v26, v16  }
0x268: {  	v54 =	vmul.f32 v19, v27;
	v51 =	vadd.f32 v49, v20;
	v14 =	vadd.f32 v14, v18  }
0x269: {  	v21 =	vsub.f32 v21, v5;
	v9 =	vadd.f32 v10, v9;
	v59 =	vmul.f32 v19, v50;
	v18 =	vld [tilespmem:s6+$0xFFFFFFC0]  }
0x26a: {  	v58 =	vld.idx.msk [tilespmem:v8+s12+$0x0], $0xffff;
	v16 =	vadd.f32 v54, v16;
	v56 =	vadd.f32 v51, v53;
	v12 =	vmul.f32 v14, v12  }
0x26b: {  	v4 =	vmul.f32 v30, v4;
	v28 =	vsub.f32 v28, v13;
	v9 =	vadd.f32 v59, v9  }
0x26c: {  	v60 =	vadd.f32 v16, v57;
	v11 =	vmul.f32 v56, v11;
	v12 =	vadd.f32 $0.0e+00, v12  }
0x26d: {  	v26 =	vtrunc.f32 v22;
	v28 =	vsub.f32 v28, v6;
	v4 =	vadd.f32 v9, v4  }
0x26e: {  	v52 =	vld.idx.msk [tilespmem:v8+s17+$0x0], $0xffff;
	v17 =	vmul.f32 v60, v21;
	v25 =	vmul.f32 $6.250000000e-02, v18;
	v11 =	vadd.f32 v12, v11  }
0x26f: {  	v3 =	vld [tilespmem:s7+$0xFFFFFFC0];
	v27 =	vcvt.f32.s32 v26;
	vm7 =	vlt.f32 v22, v26;
	v20 =	vmul.f32 v58, v28  }
0x270: {  	v55 =	vld.idx.msk [tilespmem:v8+s10+$0x0], $0xffff;
	v4 =	vmul.f32 v4, v5;
	v28 =	vtrunc.f32 v25;
	v11 =	vadd.f32 v11, v17  }
0x271: {  	vm0 =	vmand vm0, vm11;
	v29 =	vsel vm7, $0xFFFFFFFF, v0;
	v30 =	vcvt.f32.s32 v28  }
0x272: {  	v61 =	vld.idx.msk [tilespmem:v8+s13+$0x0], $0xffff;
	vm8 =	vlt.f32 v25, v28;
	v23 =	vadd.f32 v11, v4;
	v4 =	vadd.s32 v27, v29  }
0x273: {  	v7 =	vld.idx.msk [tilespmem:v7+s18+$0x0], $0xffff;
	v62 =	vmul.f32 v52, v15;
	v1 =	vsel vm8, $0xFFFFFFFF, v0;
	vm9 =	vgt.s32 v4, $0x0  }
0x274: {  	v5 =	vadd.s32 v30, v1;
	v1 =	vadd.f32 $-2.500000000e-01, v3;
	v3 =	vnsel vm9, $0x0, v4  }
0x275: {  	v13 =	vmul.f32 v55, v13;
	vm10 =	vgt.s32 v5, $0x0;
	v2 =	vmin.u32 v3, $0x27  }
0x276: {  	v3 =	vnsel vm10, $0x0, v5;
	v31 =	vcvt.s32.f32 v2;
	v2 =	vmul.u32 $0x21, v2  }
0x277: {  	v19 =	vadd.f32 v13, v62;
	v1 =	vmul.f32 $4.000000000e+00, v1;
	v3 =	vmin.u32 v3, $0x1D  }
0x278: {  	v7 =	vshrl.u32 v7, v8;
	v6 =	vmul.f32 v61, v6;
	v2 =	vadd.s32 v3, v2  }
0x279: {  	v21 =	vadd.f32 v20, v19;
	v33 =	vtrunc.f32 v1;
	v32 =	vcvt.s32.f32 v3  }
0x27a: {  	vm13 =	vlt.f32 v1, v33;
	v35 =	vcvt.f32.s32 v33;
	v8 =	vsub.f32 v22, v31  }
0x27b: {  	v24 =	vadd.f32 v6, v21;
	v36 =	vsel vm13, $0xFFFFFFFF, v0;
	v34 =	vsub.f32 v25, v32  }
0x27c: {  	v6 =	vadd.s32 v35, v36;
	v37 =	vmul.f32 v8, v8;
	v40 =	vsub.f32 $1.000000000e+00, v8  }
0x27d: {  	vm14 =	vgt.s32 v6, $0x0;
	v38 =	vmul.f32 v34, v34;
	v39 =	vsub.f32 $1.000000000e+00, v34;
	v48 =	vld.idx.msk [tilespmem:v2+s3+$0x0], $0xffff  }
0x27e: {  	v43 =	vnsel vm14, $0x0, v6;
	v3 =	vmul.f32 v37, v8;
	v44 =	vmul.f32 v40, v40;
	v49 =	vld.idx.msk [tilespmem:v2+s23+$0x0], $0xffff  }
0x27f: {  	v15 =	vmin.u32 v43, $0x1E;
	v41 =	vmul.f32 v38, v34;
	v42 =	vmul.f32 v39, v39;
	v50 =	vld.idx.msk [tilespmem:v2+s24+$0x0], $0xffff  }
0x280: {  	v7 =	vand.u32 $0x1, v7;
	v47 =	vcvt.s32.f32 v15;
	v53 =	vld.idx.msk [tilespmem:v2+s25+$0x0], $0xffff;
	v45 =	vmul.f32 $5.000000000e-01, v3  }
0x281: {  	vm12 =	veq.s32 v7, $0x1;
	v63 =	vld.idx.msk [tilespmem:v2+s30+$0x0], $0xffff;
	v7 =	vmul.f32 v44, v40;
	v3 =	vmul.f32 $1.666666720e-01, v3  }
0x282: {  	v56 =	vld.idx.msk [tilespmem:v2+s26+$0x0], $0xffff;
	v9 =	vmul.f32 v42, v39;
	v46 =	vmul.f32 $5.000000000e-01, v41;
	v16 =	vsub.f32 v1, v47  }
0x283: {  	v61 =	vld.idx.msk [tilespmem:v2+s31+$0x0], $0xffff;
	v1 =	vmul.f32 v23, v24;
	v8 =	vmul.f32 $1.666666720e-01, v41;
	v12 =	vsub.f32 v45, v37  }
0x284: {  	v34 =	vld.idx.msk [tilespmem:v2+s20+$0x0], $0xffff;
	v7 =	vmul.f32 $1.666666720e-01, v7;
	v13 =	vsub.f32 v46, v38;
	v55 =	vmul.f32 v16, v16  }
0x285: {  	v58 =	vld.idx.msk [tilespmem:v2+s28+$0x0], $0xffff;
	v9 =	vmul.f32 $1.666666720e-01, v9;
	v57 =	vsub.f32 $1.000000000e+00, v16;
	v12 =	vadd.f32 $6.666666860e-01, v12  }
0x286: {  	v59 =	vld.idx.msk [tilespmem:v2+s29+$0x0], $0xffff;
	v54 =	vsub.f32 $1.000000000e+00, v7;
	v43 =	vmul.f32 v8, v63;
	v16 =	vmul.f32 v55, v16  }
0x287: {  	v32 =	vld.idx.msk [tilespmem:v2+s0+$0x0], $0xffff;
	v51 =	vadd.f32 $6.666666860e-01, v13;
	v17 =	vmul.f32 v9, v48;
	v60 =	vmul.f32 v57, v57  }
0x288: {  	v37 =	vld.idx.msk [tilespmem:v2+s21+$0x0], $0xffff;
	v52 =	vsub.f32 $1.000000000e+00, v9;
	v21 =	vmul.f32 v9, v56;
	v36 =	vmul.f32 v9, v61  }
0x289: {  	v39 =	vld.idx.msk [tilespmem:v2+s19+$0x0], $0xffff;
	v13 =	vmul.f32 v8, v53;
	v9 =	vmul.f32 v34, v9;
	v19 =	vsub.f32 v54, v12  }
0x28a: {  	v35 =	vld.idx.msk [tilespmem:v2+s4+$0x0], $0xffff;
	v11 =	vsub.f32 v52, v51;
	v62 =	vmul.f32 $5.000000000e-01, v16;
	v17 =	vadd.f32 $0.0e+00, v17  }
0x28b: {  	v42 =	vld.idx.msk [tilespmem:v2+s8+$0x0], $0xffff;
	v14 =	vmul.f32 v51, v49;
	v22 =	vmul.f32 v60, v57;
	v21 =	vadd.f32 $0.0e+00, v21  }
0x28c: {  	v40 =	vld.idx.msk [tilespmem:v2+s1+$0x0], $0xffff;
	v23 =	vmul.f32 v51, v58;
	v25 =	vmul.f32 v51, v32;
	v9 =	vadd.f32 $0.0e+00, v9  }
0x28d: {  	v53 =	vld [tilespmem:s6+$0xFFFFFFD0];
	v10 =	vmul.f32 v37, v51;
	v19 =	vsub.f32 v19, v3;
	v11 =	vsub.f32 v11, v8  }
0x28e: {  	v45 =	vld.idx.msk [tilespmem:v15+s17+$0x0], $0xffff;
	v51 =	vmul.f32 v39, v8;
	v20 =	vsub.f32 v62, v55;
	v14 =	vadd.f32 v14, v17  }
0x28f: {  	v22 =	vmul.f32 $1.666666720e-01, v22;
	v21 =	vadd.f32 v23, v21;
	v17 =	vadd.f32 $0.0e+00, v36;
	v55 =	vld [tilespmem:s5+$0xFFFFFFD0]  }
0x290: {  	v9 =	vadd.f32 v10, v9;
	v8 =	vmul.f32 v42, v8;
	v33 =	vmul.f32 v11, v50  }
0x291: {  	v38 =	vmul.f32 v11, v59;
	v17 =	vadd.f32 v25, v17;
	v44 =	vmul.f32 v11, v35  }
0x292: {  	v52 =	vmul.f32 v11, v40;
	v11 =	vmul.f32 $6.250000000e-02, v53;
	v14 =	vadd.f32 v33, v14  }
0x293: {  	v46 =	vsub.f32 $1.000000000e+00, v22;
	v58 =	vmul.f32 v45, v22;
	v41 =	vadd.f32 v38, v21  }
0x294: {  	v22 =	vtrunc.f32 v11;
	v62 =	vmul.f32 $6.250000000e-02, v55;
	v13 =	vadd.f32 v14, v13  }
0x295: {  	v23 =	vld.idx.msk [tilespmem:v2+s18+$0x0], $0xffff;
	v49 =	vadd.f32 v44, v17;
	v24 =	vcvt.f32.s32 v22;
	vm15 =	vlt.f32 v11, v22  }
0x296: {  	v21 =	vld [tilespmem:s7+$0xFFFFFFD0];
	v48 =	vadd.f32 v41, v43;
	v2 =	vtrunc.f32 v62;
	v7 =	vmul.f32 v13, v7  }
0x297: {  	v25 =	vcvt.f32.s32 v2;
	vm4 =	vlt.f32 v62, v2;
	v2 =	vsel vm15, $0xFFFFFFFF, v0  }
0x298: {  	v9 =	vadd.f32 v52, v9;
	v14 =	vadd.f32 v49, v51;
	v2 =	vadd.s32 v24, v2  }
0x299: {  	v12 =	vmul.f32 v48, v12;
	v7 =	vadd.f32 $0.0e+00, v7;
	vm5 =	vgt.s32 v2, $0x0  }
0x29a: {  	v8 =	vadd.f32 v9, v8;
	v59 =	vmul.f32 v14, v19;
	v27 =	vnsel vm5, $0x0, v2  }
0x29b: {  	v26 =	vadd.f32 $-2.500000000e-01, v21;
	v7 =	vadd.f32 v7, v12;
	v10 =	vmin.u32 v27, $0x1D  }
0x29c: {  	vm0 =	vmand vm0, vm12;
	vm8 =	vlt.u32 v5, $0x1E;
	v32 =	vcvt.s32.f32 v10  }
0x29d: {  	v3 =	vmul.f32 v8, v3;
	v30 =	vmul.f32 $4.000000000e+00, v26;
	v7 =	vadd.f32 v7, v59  }
0x29e: {  	v16 =	vmul.f32 $1.666666720e-01, v16;
	v20 =	vadd.f32 $6.666666860e-01, v20;
	v11 =	vsub.f32 v11, v32  }
0x29f: {  	v34 =	vtrunc.f32 v30;
	v7 =	vadd.f32 v7, v3;
	v3 =	vsel vm4, $0xFFFFFFFF, v0  }
0x2a0: {  	v3 =	vadd.s32 v25, v3;
	v14 =	vmul.f32 v11, v11;
	v37 =	vsub.f32 $1.000000000e+00, v11  }
0x2a1: {  	v54 =	vsub.f32 v46, v20;
	vm9 =	vlt.f32 v30, v34;
	vm6 =	vgt.s32 v3, $0x0  }
0x2a2: {  	v50 =	vld.idx.msk [tilespmem:v15+s12+$0x0], $0xffff;
	v29 =	vnsel vm6, $0x0, v3;
	v39 =	vmul.f32 v14, v11;
	v40 =	vmul.f32 v37, v37  }
0x2a3: {  	v5 =	vcvt.f32.s32 v34;
	v35 =	vsel vm9, $0xFFFFFFFF, v0;
	v31 =	vmin.u32 v29, $0x27  }
0x2a4: {  	v9 =	vmul.u32 $0x21, v31;
	v43 =	vmul.f32 $5.000000000e-01, v39;
	v44 =	vmul.f32 v40, v37  }
0x2a5: {  	vm11 =	vlt.u32 v6, $0x1F;
	v47 =	vld.idx.msk [tilespmem:v15+s10+$0x0], $0xffff;
	v57 =	vsub.f32 v54, v16;
	v5 =	vadd.s32 v5, v35  }
0x2a6: {  	v9 =	vadd.s32 v10, v9;
	v14 =	vsub.f32 v43, v14;
	v6 =	vmul.f32 $1.666666720e-01, v44  }
0x2a7: {  	vm7 =	vlt.u32 v4, $0x28;
	v61 =	vmul.f32 v50, v57;
	vm10 =	vgt.s32 v5, $0x0  }
0x2a8: {  	v56 =	vld.idx.msk [tilespmem:v15+s13+$0x0], $0xffff;
	v41 =	vnsel vm10, $0x0, v5;
	v14 =	vadd.f32 $6.666666860e-01, v14;
	v50 =	vsub.f32 $1.000000000e+00, v6  }
0x2a9: {  	v1 =	vnsel vm0, $0x7FC00000, v1;
	vm0 =	vmand vm7, vm8;
	v11 =	vmin.u32 v41, $0x1E  }
0x2aa: {  	v20 =	vmul.f32 v47, v20;
	v47 =	vcvt.s32.f32 v11;
	v21 =	vsub.f32 v50, v14;
	v50 =	vld [tilespmem:s7+$0xFFFFFFE0]  }
0x2ab: {  	vm0 =	vmand vm0, vm11;
	v33 =	vcvt.s32.f32 v31;
	v46 =	vld.idx.msk [tilespmem:v9+s3+$0x0], $0xffff  }
0x2ac: {  	v28 =	vshrl.u32 v23, v15;
	v60 =	vadd.f32 v20, v58;
	v15 =	vsub.f32 v30, v47;
	v48 =	vld.idx.msk [tilespmem:v9+s23+$0x0], $0xffff  }
0x2ad: {  	v20 =	vmul.f32 v56, v16;
	v13 =	vand.u32 $0x1, v28;
	v4 =	vsub.f32 v62, v33;
	v49 =	vld.idx.msk [tilespmem:v9+s24+$0x0], $0xffff  }
0x2ae: {  	vm12 =	veq.s32 v13, $0x1;
	v63 =	vadd.f32 v61, v60;
	v54 =	vsub.f32 $1.000000000e+00, v15;
	v51 =	vld.idx.msk [tilespmem:v9+s25+$0x0], $0xffff  }
0x2af: {  	vm0 =	vmand vm0, vm12;
	v56 =	vmul.f32 v15, v15;
	v36 =	vmul.f32 v4, v4;
	v53 =	vld.idx.msk [tilespmem:v9+s26+$0x0], $0xffff  }
0x2b0: {  	v12 =	vmul.f32 $1.666666720e-01, v39;
	v38 =	vsub.f32 $1.000000000e+00, v4;
	v58 =	vmul.f32 v54, v54;
	v55 =	vld.idx.msk [tilespmem:v9+s28+$0x0], $0xffff  }
0x2b1: {  	vm8 =	vlt.u32 v2, $0x1E;
	v15 =	vmul.f32 v56, v15;
	v4 =	vmul.f32 v36, v4;
	v57 =	vld.idx.msk [tilespmem:v9+s29+$0x0], $0xffff  }
0x2b2: {  	v8 =	vadd.f32 v20, v63;
	v42 =	vmul.f32 v38, v38;
	v59 =	vld.idx.msk [tilespmem:v9+s31+$0x0], $0xffff;
	v24 =	vmul.f32 v58, v54  }
0x2b3: {  	vm9 =	vlt.u32 v5, $0x1F;
	v60 =	vld.idx.msk [tilespmem:v9+s30+$0x0], $0xffff;
	v62 =	vmul.f32 $5.000000000e-01, v15;
	v15 =	vmul.f32 $1.666666720e-01, v15  }
0x2b4: {  	vm7 =	vlt.u32 v3, $0x28;
	v61 =	vld.idx.msk [tilespmem:v9+s0+$0x0], $0xffff;
	v10 =	vmul.f32 v42, v38;
	v45 =	vmul.f32 $5.000000000e-01, v4  }
0x2b5: {  	vm1 =	vmand vm7, vm8;
	v63 =	vld.idx.msk [tilespmem:v9+s20+$0x0], $0xffff;
	v22 =	vmul.f32 $1.666666720e-01, v4;
	v24 =	vmul.f32 $1.666666720e-01, v24  }
0x2b6: {  	v31 =	vld.idx.msk [tilespmem:v9+s4+$0x0], $0xffff;
	v21 =	vsub.f32 v21, v12;
	v10 =	vmul.f32 $1.666666720e-01, v10;
	v18 =	vmul.f32 v6, v46  }
0x2b7: {  	v34 =	vld.idx.msk [tilespmem:v9+s21+$0x0], $0xffff;
	v13 =	vsub.f32 v62, v56;
	v20 =	vmul.f32 v14, v48;
	v23 =	vmul.f32 v6, v53  }
0x2b8: {  	v37 =	vld.idx.msk [tilespmem:v9+s1+$0x0], $0xffff;
	v16 =	vsub.f32 v45, v36;
	v17 =	vmul.f32 v21, v49;
	v25 =	vmul.f32 v14, v55  }
0x2b9: {  	v42 =	vld.idx.msk [tilespmem:v11+s17+$0x0], $0xffff;
	v13 =	vadd.f32 $6.666666860e-01, v13;
	v33 =	vmul.f32 v6, v59;
	v19 =	vmul.f32 v12, v51  }
0x2ba: {  	v36 =	vld.idx.msk [tilespmem:v9+s19+$0x0], $0xffff;
	v16 =	vadd.f32 $6.666666860e-01, v16;
	v35 =	vmul.f32 v21, v57;
	v27 =	vmul.f32 v14, v61  }
0x2bb: {  	v39 =	vld.idx.msk [tilespmem:v9+s8+$0x0], $0xffff;
	v52 =	vsub.f32 $1.000000000e+00, v10;
	v6 =	vmul.f32 v63, v6;
	v40 =	vmul.f32 v12, v60  }
0x2bc: {  	v41 =	vmul.f32 v21, v31;
	v14 =	vmul.f32 v34, v14;
	v46 =	vsub.f32 $1.000000000e+00, v24;
	v49 =	vld [tilespmem:s6+$0xFFFFFFE0]  }
0x2bd: {  	v47 =	vmul.f32 v21, v37;
	v53 =	vld [tilespmem:s5+$0xFFFFFFE0];
	v4 =	vsub.f32 v52, v16;
	v18 =	vadd.f32 $0.0e+00, v18  }
0x2be: {  	v54 =	vmul.f32 v42, v24;
	v23 =	vadd.f32 $0.0e+00, v23;
	v6 =	vadd.f32 $0.0e+00, v6  }
0x2bf: {  	v51 =	vsub.f32 v46, v13;
	v44 =	vmul.f32 v36, v12;
	v4 =	vsub.f32 v4, v22  }
0x2c0: {  	v12 =	vmul.f32 v39, v12;
	v18 =	vadd.f32 v20, v18;
	v23 =	vadd.f32 v25, v23  }
0x2c1: {  	v6 =	vadd.f32 v14, v6;
	v14 =	vadd.f32 $-2.500000000e-01, v50;
	v59 =	vmul.f32 $6.250000000e-02, v49  }
0x2c2: {  	v61 =	vmul.f32 $6.250000000e-02, v53;
	v17 =	vadd.f32 v17, v18;
	v18 =	vadd.f32 $0.0e+00, v33  }
0x2c3: {  	v38 =	vadd.f32 v35, v23;
	v6 =	vadd.f32 v47, v6;
	v63 =	vmul.f32 $4.000000000e+00, v14  }
0x2c4: {  	v20 =	vtrunc.f32 v59;
	v17 =	vadd.f32 v17, v19;
	v18 =	vadd.f32 v27, v18  }
0x2c5: {  	v21 =	vtrunc.f32 v61;
	v19 =	vadd.f32 v38, v40;
	v6 =	vadd.f32 v6, v12  }
0x2c6: {  	vm13 =	vlt.f32 v59, v20;
	v23 =	vcvt.f32.s32 v21;
	v18 =	vadd.f32 v41, v18  }
0x2c7: {  	vm14 =	vlt.f32 v61, v21;
	v27 =	vtrunc.f32 v63;
	v10 =	vmul.f32 v17, v10  }
0x2c8: {  	v28 =	vcvt.f32.s32 v27;
	vm4 =	vlt.f32 v63, v27;
	v18 =	vadd.f32 v18, v44  }
0x2c9: {  	v16 =	vmul.f32 v19, v16;
	v30 =	vsel vm4, $0xFFFFFFFF, v0;
	v10 =	vadd.f32 $0.0e+00, v10  }
0x2ca: {  	v52 =	vmul.f32 v18, v4;
	v4 =	vmul.f32 v7, v8;
	v8 =	vadd.s32 v28, v30  }
0x2cb: {  	v26 =	vsel vm14, $0xFFFFFFFF, v0;
	v10 =	vadd.f32 v10, v16;
	vm6 =	vgt.s32 v8, $0x0  }
0x2cc: {  	v43 =	vld.idx.msk [tilespmem:v11+s10+$0x0], $0xffff;
	v6 =	vmul.f32 v6, v22;
	v22 =	vcvt.f32.s32 v20;
	v3 =	vnsel vm6, $0x0, v8  }
0x2cd: {  	v25 =	vld.idx.msk [tilespmem:v9+s18+$0x0], $0xffff;
	v9 =	vadd.s32 v23, v26;
	v56 =	vadd.f32 v10, v52;
	v16 =	vmin.u32 v3, $0x1E  }
0x2ce: {  	v24 =	vsel vm13, $0xFFFFFFFF, v0;
	vm5 =	vgt.s32 v9, $0x0;
	v38 =	vcvt.s32.f32 v16  }
0x2cf: {  	v45 =	vld.idx.msk [tilespmem:v11+s12+$0x0], $0xffff;
	v32 =	vnsel vm5, $0x0, v9;
	v7 =	vadd.f32 v56, v6;
	v6 =	vadd.s32 v22, v24  }
0x2d0: {  	v48 =	vld.idx.msk [tilespmem:v11+s13+$0x0], $0xffff;
	v14 =	vmin.u32 v32, $0x27;
	vm15 =	vgt.s32 v6, $0x0;
	v12 =	vsub.f32 v63, v38  }
0x2d1: {  	v34 =	vcvt.s32.f32 v14;
	v14 =	vmul.u32 $0x21, v14;
	v29 =	vnsel vm15, $0x0, v6  }
0x2d2: {  	v13 =	vmul.f32 v43, v13;
	v31 =	vmin.u32 v29, $0x1D;
	v46 =	vsub.f32 $1.000000000e+00, v12  }
0x2d3: {  	vm1 =	vmand vm1, vm9;
	v55 =	vsub.f32 v51, v15;
	v14 =	vadd.s32 v31, v14  }
0x2d4: {  	v57 =	vadd.f32 v13, v54;
	v2 =	vsub.f32 v61, v34;
	v51 =	vmul.f32 v46, v46  }
0x2d5: {  	v60 =	vmul.f32 v48, v15;
	v58 =	vmul.f32 v45, v55;
	v11 =	vshrl.u32 v25, v11  }
0x2d6: {  	v11 =	vand.u32 $0x1, v11;
	v36 =	vmul.f32 v2, v2;
	v20 =	vmul.f32 v51, v46;
	v46 =	vld.idx.msk [tilespmem:v16+s13+$0x0], $0xffff  }
0x2d7: {  	v62 =	vadd.f32 v58, v57;
	vm10 =	veq.s32 v11, $0x1;
	v18 =	vsub.f32 $1.000000000e+00, v2;
	v51 =	vld [tilespmem:s6+$0xFFFFFFF0]  }
0x2d8: {  	vm11 =	vlt.u32 v9, $0x28;
	vm1 =	vmand vm1, vm10;
	v2 =	vmul.f32 v36, v2;
	v41 =	vld.idx.msk [tilespmem:v14+s3+$0x0], $0xffff  }
0x2d9: {  	vm5 =	vlt.u32 v8, $0x1F;
	v39 =	vmul.f32 v18, v18;
	v33 =	vcvt.s32.f32 v31;
	v43 =	vld.idx.msk [tilespmem:v14+s23+$0x0], $0xffff  }
0x2da: {  	v10 =	vadd.f32 v60, v62;
	v42 =	vmul.f32 $5.000000000e-01, v2;
	v44 =	vmul.f32 v12, v12;
	v45 =	vld.idx.msk [tilespmem:v14+s24+$0x0], $0xffff  }
0x2db: {  	vm14 =	vlt.u32 v6, $0x1E;
	v18 =	vmul.f32 v39, v18;
	v13 =	vsub.f32 v59, v33;
	v47 =	vld.idx.msk [tilespmem:v14+s25+$0x0], $0xffff  }
0x2dc: {  	v7 =	vmul.f32 v7, v10;
	v17 =	vsub.f32 v42, v36;
	v12 =	vmul.f32 v44, v12;
	v49 =	vld.idx.msk [tilespmem:v14+s26+$0x0], $0xffff  }
0x2dd: {  	v18 =	vmul.f32 $1.666666720e-01, v18;
	v35 =	vmul.f32 v13, v13;
	v3 =	vsub.f32 $1.000000000e+00, v13;
	v52 =	vld.idx.msk [tilespmem:v14+s28+$0x0], $0xffff  }
0x2de: {  	v2 =	vmul.f32 $1.666666720e-01, v2;
	v17 =	vadd.f32 $6.666666860e-01, v17;
	v53 =	vmul.f32 $5.000000000e-01, v12;
	v54 =	vld.idx.msk [tilespmem:v14+s29+$0x0], $0xffff  }
0x2df: {  	v50 =	vsub.f32 $1.000000000e+00, v18;
	v55 =	vld.idx.msk [tilespmem:v14+s30+$0x0], $0xffff;
	v13 =	vmul.f32 v35, v13;
	v37 =	vmul.f32 v3, v3  }
0x2e0: {  	v12 =	vmul.f32 $1.666666720e-01, v12;
	v34 =	vld.idx.msk [tilespmem:v14+s19+$0x0], $0xffff;
	v15 =	vsub.f32 v53, v44;
	v20 =	vmul.f32 $1.666666720e-01, v20  }
0x2e1: {  	v56 =	vld.idx.msk [tilespmem:v14+s31+$0x0], $0xffff;
	v26 =	vsub.f32 v50, v17;
	v3 =	vmul.f32 v37, v3;
	v40 =	vmul.f32 $5.000000000e-01, v13  }
0x2e2: {  	v59 =	vld.idx.msk [tilespmem:v14+s20+$0x0], $0xffff;
	v13 =	vmul.f32 $1.666666720e-01, v13;
	v15 =	vadd.f32 $6.666666860e-01, v15;
	v33 =	vsub.f32 $1.000000000e+00, v20  }
0x2e3: {  	v26 =	vsub.f32 v26, v2;
	v37 =	vld.idx.msk [tilespmem:v16+s17+$0x0], $0xffff;
	v3 =	vmul.f32 $1.666666720e-01, v3;
	v5 =	vsub.f32 v40, v35  }
0x2e4: {  	v57 =	vld.idx.msk [tilespmem:v14+s0+$0x0], $0xffff;
	v33 =	vsub.f32 v33, v15;
	v23 =	vmul.f32 v13, v47;
	v38 =	vmul.f32 v13, v55  }
0x2e5: {  	v61 =	vld.idx.msk [tilespmem:v14+s21+$0x0], $0xffff;
	v42 =	vmul.f32 v34, v13;
	v5 =	vadd.f32 $6.666666860e-01, v5;
	v19 =	vmul.f32 v3, v41  }
0x2e6: {  	v32 =	vld.idx.msk [tilespmem:v14+s4+$0x0], $0xffff;
	v48 =	vsub.f32 $1.000000000e+00, v3;
	v25 =	vmul.f32 v3, v49;
	v60 =	vmul.f32 v3, v56  }
0x2e7: {  	v40 =	vld.idx.msk [tilespmem:v16+s10+$0x0], $0xffff;
	v33 =	vsub.f32 v33, v12;
	v3 =	vmul.f32 v59, v3;
	v12 =	vmul.f32 v46, v12  }
0x2e8: {  	v35 =	vld.idx.msk [tilespmem:v14+s8+$0x0], $0xffff;
	v47 =	vmul.f32 v37, v20;
	v24 =	vsub.f32 v48, v5;
	v19 =	vadd.f32 $0.0e+00, v19  }
0x2e9: {  	v59 =	vld [tilespmem:s7+$0xFFFFFFF0];
	v21 =	vmul.f32 v5, v43;
	v25 =	vadd.f32 $0.0e+00, v25;
	v28 =	vmul.f32 v5, v52  }
0x2ea: {  	v63 =	vld.idx.msk [tilespmem:v14+s1+$0x0], $0xffff;
	v31 =	vmul.f32 v5, v57;
	v3 =	vadd.f32 $0.0e+00, v3;
	v5 =	vmul.f32 v61, v5  }
0x2eb: {  	v43 =	vld.idx.msk [tilespmem:v16+s12+$0x0], $0xffff;
	v57 =	vmul.f32 $6.250000000e-02, v51;
	v24 =	vsub.f32 v24, v13;
	v19 =	vadd.f32 v21, v19  }
0x2ec: {  	v48 =	vld [tilespmem:s5+$0xFFFFFFF0];
	v15 =	vmul.f32 v40, v15;
	v25 =	vadd.f32 v28, v25;
	v21 =	vadd.f32 $0.0e+00, v60  }
0x2ed: {  	v3 =	vadd.f32 v5, v3;
	v13 =	vmul.f32 v35, v13;
	v58 =	vmul.f32 v24, v45  }
0x2ee: {  	v5 =	vadd.f32 v15, v47;
	v20 =	vadd.f32 $-2.500000000e-01, v59;
	v62 =	vmul.f32 v24, v54  }
0x2ef: {  	v21 =	vadd.f32 v31, v21;
	v39 =	vmul.f32 v24, v32;
	v19 =	vadd.f32 v58, v19  }
0x2f0: {  	v44 =	vmul.f32 v24, v63;
	v52 =	vmul.f32 v43, v33;
	v36 =	vadd.f32 v62, v25  }
0x2f1: {  	v55 =	vmul.f32 $6.250000000e-02, v48;
	v21 =	vadd.f32 v39, v21;
	v19 =	vadd.f32 v19, v23  }
0x2f2: {  	v3 =	vadd.f32 v44, v3;
	v62 =	vtrunc.f32 v57;
	v5 =	vadd.f32 v52, v5  }
0x2f3: {  	v60 =	vtrunc.f32 v55;
	v41 =	vadd.f32 v36, v38;
	v18 =	vmul.f32 v19, v18  }
0x2f4: {  	vm13 =	vlt.f32 v57, v62;
	v45 =	vadd.f32 v21, v42;
	v61 =	vcvt.f32.s32 v60  }
0x2f5: {  	v14 =	vld.idx.msk [tilespmem:v14+s18+$0x0], $0xffff;
	vm12 =	vlt.f32 v55, v60;
	v17 =	vmul.f32 v41, v17;
	v18 =	vadd.f32 $0.0e+00, v18  }
0x2f6: {  	v3 =	vadd.f32 v3, v13;
	v56 =	vadd.f32 v12, v5;
	v63 =	vsel vm12, $0xFFFFFFFF, v0  }
0x2f7: {  	v5 =	vadd.s32 v61, v63;
	v49 =	vadd.f32 v18, v17;
	v18 =	vcvt.f32.s32 v62  }
0x2f8: {  	v54 =	vmul.f32 v3, v2;
	v19 =	vsel vm13, $0xFFFFFFFF, v0;
	vm15 =	vgt.s32 v5, $0x0  }
0x2f9: {  	v2 =	vnsel vm1, $0x7FC00000, v7;
	v21 =	vnsel vm15, $0x0, v5;
	v7 =	vadd.s32 v18, v19  }
0x2fa: {  	v58 =	vshrl.u32 v14, v16;
	v22 =	vmin.u32 v21, $0x27;
	vm4 =	vgt.s32 v7, $0x0  }
0x2fb: {  	v13 =	vand.u32 $0x1, v58;
	v8 =	vmul.u32 $0x21, v22;
	v23 =	vnsel vm4, $0x0, v7  }
0x2fc: {  	v6 =	vmul.f32 $4.000000000e+00, v20;
	vm6 =	veq.s32 v13, $0x1;
	v9 =	vmin.u32 v23, $0x1D  }
0x2fd: {  	v50 =	vmul.f32 v45, v26;
	v24 =	vcvt.s32.f32 v22;
	v8 =	vadd.s32 v9, v8  }
0x2fe: {  	v3 =	vnsel vm0, $0x7FC00000, v4;
	vm0 =	vmand vm11, vm14;
	v26 =	vtrunc.f32 v6  }
0x2ff: {  	vm0 =	vmand vm0, vm5;
	vm7 =	vlt.f32 v6, v26;
	v4 =	vsub.f32 v55, v24  }
0x300: {  	v13 =	vcvt.f32.s32 v26;
	vm13 =	vlt.u32 v5, $0x28;
	v27 =	vsel vm7, $0xFFFFFFFF, v0  }
0x301: {  	vm0 =	vmand vm0, vm6;
	v53 =	vadd.f32 v49, v50;
	v28 =	vmul.f32 v4, v4  }
0x302: {  	vm14 =	vlt.u32 v7, $0x1E;
	v25 =	vcvt.s32.f32 v9;
	v9 =	vadd.s32 v13, v27;
	v38 =	vld.idx.msk [tilespmem:v8+s3+$0x0], $0xffff  }
0x303: {  	v31 =	vmul.f32 v28, v4;
	v4 =	vsub.f32 $1.000000000e+00, v4;
	vm8 =	vgt.s32 v9, $0x0;
	v39 =	vld.idx.msk [tilespmem:v8+s23+$0x0], $0xffff  }
0x304: {  	v10 =	vadd.f32 v53, v54;
	v12 =	vsub.f32 v57, v25;
	v33 =	vnsel vm8, $0x0, v9;
	v41 =	vld.idx.msk [tilespmem:v8+s24+$0x0], $0xffff  }
0x305: {  	v34 =	vmul.f32 v4, v4;
	v35 =	vmul.f32 $5.000000000e-01, v31;
	v18 =	vmin.u32 v33, $0x1E;
	v45 =	vld.idx.msk [tilespmem:v8+s25+$0x0], $0xffff  }
0x306: {  	v42 =	vmul.f32 v10, v56;
	v30 =	vsub.f32 $1.000000000e+00, v12;
	v37 =	vcvt.s32.f32 v18;
	v48 =	vld.idx.msk [tilespmem:v8+s26+$0x0], $0xffff  }
0x307: {  	v29 =	vmul.f32 v12, v12;
	v4 =	vmul.f32 v34, v4;
	v15 =	vsub.f32 v35, v28;
	v50 =	vld.idx.msk [tilespmem:v8+s28+$0x0], $0xffff  }
0x308: {  	v13 =	vmul.f32 $1.666666720e-01, v31;
	v55 =	vld.idx.msk [tilespmem:v8+s30+$0x0], $0xffff;
	v32 =	vmul.f32 v30, v30;
	v6 =	vsub.f32 v6, v37  }
0x309: {  	v51 =	vld.idx.msk [tilespmem:v8+s29+$0x0], $0xffff;
	v12 =	vmul.f32 v29, v12;
	v40 =	vmul.f32 $1.666666720e-01, v4;
	v15 =	vadd.f32 $6.666666860e-01, v15  }
0x30a: {  	v53 =	vld.idx.msk [tilespmem:v8+s31+$0x0], $0xffff;
	v4 =	vnsel vm0, $0x7FC00000, v42;
	v14 =	vmul.f32 v32, v30;
	v47 =	vmul.f32 v6, v6  }
0x30b: {  	v56 =	vld.idx.msk [tilespmem:v8+s0+$0x0], $0xffff;
	v36 =	vmul.f32 $5.000000000e-01, v12;
	v12 =	vmul.f32 $1.666666720e-01, v12;
	v49 =	vsub.f32 $1.000000000e+00, v6  }
0x30c: {  	v57 =	vld.idx.msk [tilespmem:v8+s20+$0x0], $0xffff;
	v46 =	vsub.f32 $1.000000000e+00, v40;
	v14 =	vmul.f32 $1.666666720e-01, v14;
	v6 =	vmul.f32 v47, v6  }
0x30d: {  	v34 =	vld.idx.msk [tilespmem:v8+s8+$0x0], $0xffff;
	v16 =	vsub.f32 v36, v29;
	v52 =	vmul.f32 v49, v49;
	v35 =	vmul.f32 v12, v55  }
0x30e: {  	v58 =	vld.idx.msk [tilespmem:v8+s4+$0x0], $0xffff;
	v22 =	vsub.f32 v46, v15;
	v20 =	vmul.f32 v14, v38;
	v54 =	vmul.f32 $5.000000000e-01, v6  }
0x30f: {  	v60 =	vld.idx.msk [tilespmem:v8+s21+$0x0], $0xffff;
	v43 =	vadd.f32 $6.666666860e-01, v16;
	v25 =	vmul.f32 v52, v49;
	v24 =	vmul.f32 v14, v48  }
0x310: {  	v62 =	vld.idx.msk [tilespmem:v8+s19+$0x0], $0xffff;
	v44 =	vsub.f32 $1.000000000e+00, v14;
	v59 =	vmul.f32 v14, v53;
	v16 =	vmul.f32 v12, v45  }
0x311: {  	v37 =	vld.idx.msk [tilespmem:v18+s17+$0x0], $0xffff;
	v22 =	vsub.f32 v22, v13;
	v6 =	vmul.f32 $1.666666720e-01, v6;
	v14 =	vmul.f32 v57, v14  }
0x312: {  	v42 =	vld [tilespmem:s6+$0x0];
	v45 =	vmul.f32 v34, v12;
	v11 =	vsub.f32 v44, v43;
	v20 =	vadd.f32 $0.0e+00, v20  }
0x313: {  	v63 =	vld.idx.msk [tilespmem:v8+s1+$0x0], $0xffff;
	v17 =	vmul.f32 v43, v39;
	v23 =	vsub.f32 v54, v47;
	v25 =	vmul.f32 $1.666666720e-01, v25  }
0x314: {  	v46 =	vld.idx.msk [tilespmem:v18+s13+$0x0], $0xffff;
	v24 =	vadd.f32 $0.0e+00, v24;
	v26 =	vmul.f32 v43, v50;
	v28 =	vmul.f32 v43, v56  }
0x315: {  	v14 =	vadd.f32 $0.0e+00, v14;
	v10 =	vmul.f32 v60, v43;
	v39 =	vld.idx.msk [tilespmem:v18+s10+$0x0], $0xffff;
	v11 =	vsub.f32 v11, v12  }
0x316: {  	v44 =	vld [tilespmem:s5+$0x0];
	v17 =	vadd.f32 v17, v20;
	v23 =	vadd.f32 $6.666666860e-01, v23;
	v48 =	vmul.f32 v37, v25  }
0x317: {  	v10 =	vadd.f32 v10, v14;
	v14 =	vmul.f32 $6.250000000e-02, v42;
	v19 =	vmul.f32 v11, v41  }
0x318: {  	v38 =	vsub.f32 $1.000000000e+00, v25;
	v61 =	vmul.f32 v11, v51;
	v36 =	vmul.f32 v11, v58  }
0x319: {  	v53 =	vld [tilespmem:s7+$0x0];
	v24 =	vadd.f32 v26, v24;
	v41 =	vmul.f32 v62, v12;
	v11 =	vmul.f32 v11, v63  }
0x31a: {  	v43 =	vsub.f32 v38, v23;
	v12 =	vmul.f32 v46, v6;
	v54 =	vtrunc.f32 v14  }
0x31b: {  	v23 =	vmul.f32 v39, v23;
	v52 =	vmul.f32 $6.250000000e-02, v44;
	v17 =	vadd.f32 v19, v17  }
0x31c: {  	v57 =	vcvt.f32.s32 v54;
	v19 =	vadd.f32 $0.0e+00, v59;
	v33 =	vadd.f32 v61, v24  }
0x31d: {  	vm9 =	vlt.f32 v14, v54;
	v10 =	vadd.f32 v11, v10;
	v47 =	vsub.f32 v43, v6  }
0x31e: {  	v6 =	vsel vm9, $0xFFFFFFFF, v0;
	v59 =	vadd.f32 $-2.500000000e-01, v53;
	v50 =	vadd.f32 v23, v48  }
0x31f: {  	v56 =	vtrunc.f32 v52;
	v16 =	vadd.f32 v17, v16;
	v19 =	vadd.f32 v28, v19  }
0x320: {  	v6 =	vadd.s32 v57, v6;
	v17 =	vadd.f32 v33, v35;
	v10 =	vadd.f32 v10, v45  }
0x321: {  	v58 =	vcvt.f32.s32 v56;
	vm10 =	vlt.f32 v52, v56;
	v16 =	vmul.f32 v16, v40;
	v40 =	vld.idx.msk [tilespmem:v18+s12+$0x0], $0xffff  }
0x322: {  	v55 =	vld.idx.msk [tilespmem:v8+s18+$0x0], $0xffff;
	vm11 =	vgt.s32 v6, $0x0;
	v63 =	vmul.f32 $4.000000000e+00, v59;
	v8 =	vsel vm10, $0xFFFFFFFF, v0  }
0x323: {  	v60 =	vnsel vm11, $0x0, v6;
	v19 =	vadd.f32 v36, v19;
	v15 =	vmul.f32 v17, v15  }
0x324: {  	v10 =	vmul.f32 v10, v13;
	v8 =	vadd.s32 v58, v8;
	v32 =	vtrunc.f32 v63  }
0x325: {  	vm12 =	vgt.s32 v8, $0x0;
	v16 =	vadd.f32 $0.0e+00, v16;
	v19 =	vadd.f32 v19, v41  }
0x326: {  	v33 =	vcvt.f32.s32 v32;
	vm15 =	vlt.f32 v63, v32;
	v51 =	vmul.f32 v40, v47  }
0x327: {  	v62 =	vnsel vm12, $0x0, v8;
	v15 =	vadd.f32 v16, v15;
	v49 =	vmul.f32 v19, v22  }
0x328: {  	v7 =	vsel vm15, $0xFFFFFFFF, v0;
	v29 =	vmin.u32 v62, $0x27;
	v11 =	vadd.f32 v51, v50  }
0x329: {  	v7 =	vadd.s32 v33, v7;
	v31 =	vcvt.s32.f32 v29;
	v15 =	vadd.f32 v15, v49  }
0x32a: {  	vm4 =	vgt.s32 v7, $0x0;
	v11 =	vadd.f32 v12, v11;
	v12 =	vmul.u32 $0x21, v29  }
0x32b: {  	v41 =	vnsel vm4, $0x0, v7;
	v10 =	vadd.f32 v15, v10;
	v15 =	vmin.u32 v60, $0x1D  }
0x32c: {  	v5 =	vsub.f32 v52, v31;
	v21 =	vmin.u32 v41, $0x1E;
	v12 =	vadd.s32 v15, v12  }
0x32d: {  	v49 =	vcvt.s32.f32 v21  }
0x32e: {  	vm5 =	vlt.u32 v9, $0x1F;
	vm0 =	vmand vm13, vm14;
	v36 =	vmul.f32 v5, v5  }
0x32f: {  	v37 =	vsub.f32 $1.000000000e+00, v5;
	v30 =	vcvt.s32.f32 v15;
	v53 =	vsub.f32 v63, v49  }
0x330: {  	vm0 =	vmand vm0, vm5;
	v61 =	vshrl.u32 v55, v18;
	v5 =	vmul.f32 v36, v5  }
0x331: {  	v39 =	vmul.f32 v37, v37;
	v14 =	vsub.f32 v14, v30;
	v60 =	vmul.f32 v53, v53;
	v43 =	vld.idx.msk [tilespmem:v12+s3+$0x0], $0xffff  }
0x332: {  	v58 =	vsub.f32 $1.000000000e+00, v53;
	v10 =	vmul.f32 v10, v11;
	v42 =	vmul.f32 $5.000000000e-01, v5;
	v44 =	vld.idx.msk [tilespmem:v12+s23+$0x0], $0xffff  }
0x333: {  	v17 =	vmul.f32 v39, v37;
	v34 =	vmul.f32 v14, v14;
	v35 =	vsub.f32 $1.000000000e+00, v14;
	v46 =	vld.idx.msk [tilespmem:v12+s24+$0x0], $0xffff  }
0x334: {  	v16 =	vand.u32 $0x1, v61;
	v5 =	vmul.f32 $1.666666720e-01, v5;
	v62 =	vmul.f32 v58, v58;
	v48 =	vld.idx.msk [tilespmem:v12+s25+$0x0], $0xffff  }
0x335: {  	vm6 =	veq.s32 v16, $0x1;
	v14 =	vmul.f32 v34, v14;
	v38 =	vmul.f32 v35, v35;
	v50 =	vld.idx.msk [tilespmem:v12+s26+$0x0], $0xffff  }
0x336: {  	v45 =	vsub.f32 v42, v36;
	v17 =	vmul.f32 $1.666666720e-01, v17;
	v29 =	vmul.f32 v62, v58;
	v57 =	vld.idx.msk [tilespmem:v12+s31+$0x0], $0xffff  }
0x337: {  	vm0 =	vmand vm0, vm6;
	v59 =	vld.idx.msk [tilespmem:v12+s30+$0x0], $0xffff;
	v19 =	vmul.f32 v38, v35;
	v40 =	vmul.f32 $5.000000000e-01, v14  }
0x338: {  	v9 =	vadd.f32 $6.666666860e-01, v45;
	v51 =	vsub.f32 $1.000000000e+00, v17;
	v63 =	vld.idx.msk [tilespmem:v12+s20+$0x0], $0xffff;
	v29 =	vmul.f32 $1.666666720e-01, v29  }
0x339: {  	v16 =	vmul.f32 v60, v53;
	v52 =	vld.idx.msk [tilespmem:v12+s28+$0x0], $0xffff;
	v19 =	vmul.f32 $1.666666720e-01, v19;
	v13 =	vsub.f32 v40, v34  }
0x33a: {  	v61 =	vld.idx.msk [tilespmem:v12+s0+$0x0], $0xffff;
	v14 =	vmul.f32 $1.666666720e-01, v14;
	v56 =	vsub.f32 v51, v9;
	v53 =	vsub.f32 $1.000000000e+00, v29  }
0x33b: {  	v38 =	vld.idx.msk [tilespmem:v12+s21+$0x0], $0xffff;
	v13 =	vadd.f32 $6.666666860e-01, v13;
	v54 =	vmul.f32 v19, v43;
	v26 =	vmul.f32 v19, v50  }
0x33c: {  	v55 =	vld.idx.msk [tilespmem:v12+s29+$0x0], $0xffff;
	v47 =	vsub.f32 $1.000000000e+00, v19;
	v37 =	vmul.f32 v19, v57;
	v24 =	vmul.f32 v14, v48  }
0x33d: {  	v51 =	vld [tilespmem:s6+$0x10];
	v25 =	vsub.f32 v56, v5;
	v19 =	vmul.f32 v63, v19;
	v41 =	vmul.f32 v14, v59  }
0x33e: {  	v48 =	vld.idx.msk [tilespmem:v21+s17+$0x0], $0xffff;
	v22 =	vsub.f32 v47, v13;
	v18 =	vadd.f32 $0.0e+00, v54;
	v20 =	vmul.f32 v13, v44  }
0x33f: {  	v40 =	vld.idx.msk [tilespmem:v12+s1+$0x0], $0xffff;
	v26 =	vadd.f32 $0.0e+00, v26;
	v28 =	vmul.f32 v13, v52;
	v32 =	vmul.f32 v13, v61  }
0x340: {  	v36 =	vld.idx.msk [tilespmem:v12+s4+$0x0], $0xffff;
	v44 =	vmul.f32 $5.000000000e-01, v16;
	v19 =	vadd.f32 $0.0e+00, v19;
	v13 =	vmul.f32 v38, v13  }
0x341: {  	v39 =	vld.idx.msk [tilespmem:v12+s19+$0x0], $0xffff;
	v16 =	vmul.f32 $1.666666720e-01, v16;
	v22 =	vsub.f32 v22, v14;
	v18 =	vadd.f32 v20, v18  }
0x342: {  	v43 =	vld.idx.msk [tilespmem:v12+s8+$0x0], $0xffff;
	v13 =	vadd.f32 v13, v19;
	v49 =	vsub.f32 v44, v60;
	v19 =	vmul.f32 $6.250000000e-02, v51  }
0x343: {  	v54 =	vld [tilespmem:s5+$0x10];
	v26 =	vadd.f32 v28, v26;
	v58 =	vmul.f32 v48, v29;
	v15 =	vmul.f32 v22, v46  }
0x344: {  	v23 =	vmul.f32 v22, v55;
	v47 =	vmul.f32 v22, v40;
	v52 =	vadd.f32 $6.666666860e-01, v49  }
0x345: {  	v60 =	vld.idx.msk [tilespmem:v21+s13+$0x0], $0xffff;
	v42 =	vmul.f32 v22, v36;
	v15 =	vadd.f32 v15, v18;
	v18 =	vadd.f32 $0.0e+00, v37  }
0x346: {  	v46 =	vmul.f32 v39, v14;
	v23 =	vadd.f32 v23, v26;
	v13 =	vadd.f32 v47, v13  }
0x347: {  	v14 =	vmul.f32 v43, v14;
	v15 =	vadd.f32 v15, v24;
	v18 =	vadd.f32 v32, v18  }
0x348: {  	v50 =	vld.idx.msk [tilespmem:v21+s10+$0x0], $0xffff;
	v61 =	vmul.f32 $6.250000000e-02, v54;
	v57 =	vsub.f32 v53, v52;
	v45 =	vadd.f32 v23, v41  }
0x349: {  	v56 =	vld.idx.msk [tilespmem:v21+s12+$0x0], $0xffff;
	v13 =	vadd.f32 v13, v14;
	v15 =	vmul.f32 v15, v17;
	v18 =	vadd.f32 v42, v18  }
0x34a: {  	v59 =	vsub.f32 v57, v16;
	v24 =	vtrunc.f32 v19;
	v16 =	vmul.f32 v60, v16  }
0x34b: {  	v9 =	vmul.f32 v45, v9;
	v15 =	vadd.f32 $0.0e+00, v15;
	v18 =	vadd.f32 v18, v46  }
0x34c: {  	v26 =	vcvt.f32.s32 v24;
	vm7 =	vlt.f32 v19, v24;
	v13 =	vmul.f32 v13, v5  }
0x34d: {  	v17 =	vmul.f32 v50, v52;
	v9 =	vadd.f32 v15, v9;
	v55 =	vmul.f32 v18, v25  }
0x34e: {  	v5 =	vnsel vm0, $0x7FC00000, v10;
	v14 =	vmul.f32 v56, v59;
	v25 =	vtrunc.f32 v61  }
0x34f: {  	v27 =	vcvt.f32.s32 v25;
	vm8 =	vlt.f32 v61, v25;
	v9 =	vadd.f32 v9, v55  }
0x350: {  	v28 =	vsel vm7, $0xFFFFFFFF, v0;
	v62 =	vadd.f32 v17, v58;
	v29 =	vsel vm8, $0xFFFFFFFF, v0  }
0x351: {  	v63 =	vld [tilespmem:s7+$0x10];
	v10 =	vadd.s32 v26, v28;
	v11 =	vadd.f32 v9, v13;
	v9 =	vadd.s32 v27, v29  }
0x352: {  	vm9 =	vgt.s32 v10, $0x0;
	v14 =	vadd.f32 v14, v62;
	vm10 =	vgt.s32 v9, $0x0  }
0x353: {  	v12 =	vld.idx.msk [tilespmem:v12+s18+$0x0], $0xffff;
	v30 =	vnsel vm9, $0x0, v10;
	v31 =	vnsel vm10, $0x0, v9  }
0x354: {  	v17 =	vmin.u32 v30, $0x1D;
	v14 =	vadd.f32 v16, v14;
	v16 =	vmin.u32 v31, $0x27  }
0x355: {  	v32 =	vcvt.s32.f32 v17;
	v36 =	vmul.u32 $0x21, v16  }
0x356: {  	v15 =	vadd.f32 $-2.500000000e-01, v63  }
0x357: {  	vm11 =	vlt.u32 v8, $0x28;
	v18 =	vsub.f32 v19, v32;
	v8 =	vadd.s32 v17, v36  }
0x358: {  	vm12 =	vlt.u32 v6, $0x1E;
	v33 =	vshrl.u32 v12, v21;
	v15 =	vmul.f32 $4.000000000e+00, v15  }
0x359: {  	vm15 =	vlt.u32 v7, $0x1F;
	v20 =	vand.u32 $0x1, v33;
	v38 =	vmul.f32 v18, v18  }
0x35a: {  	vm4 =	veq.s32 v20, $0x1;
	v35 =	vtrunc.f32 v15;
	v40 =	vsub.f32 $1.000000000e+00, v18  }
0x35b: {  	vm0 =	vmand vm11, vm12;
	v42 =	vmul.f32 v38, v18;
	v34 =	vcvt.s32.f32 v16  }
0x35c: {  	vm13 =	vlt.f32 v15, v35;
	v6 =	vcvt.f32.s32 v35;
	v44 =	vmul.f32 v40, v40;
	v49 =	vld.idx.msk [tilespmem:v8+s3+$0x0], $0xffff  }
0x35d: {  	v37 =	vsel vm13, $0xFFFFFFFF, v0;
	v47 =	vmul.f32 $5.000000000e-01, v42;
	v13 =	vsub.f32 v61, v34;
	v52 =	vld.idx.msk [tilespmem:v8+s23+$0x0], $0xffff  }
0x35e: {  	vm0 =	vmand vm0, vm15;
	v12 =	vadd.s32 v6, v37;
	v21 =	vmul.f32 v44, v40;
	v53 =	vld.idx.msk [tilespmem:v8+s24+$0x0], $0xffff  }
0x35f: {  	vm14 =	vgt.s32 v12, $0x0;
	v16 =	vsub.f32 v47, v38;
	v39 =	vmul.f32 v13, v13;
	v55 =	vld.idx.msk [tilespmem:v8+s25+$0x0], $0xffff  }
0x360: {  	v45 =	vnsel vm14, $0x0, v12;
	v50 =	vmul.f32 $1.666666720e-01, v21;
	v41 =	vsub.f32 $1.000000000e+00, v13;
	v57 =	vld.idx.msk [tilespmem:v8+s26+$0x0], $0xffff  }
0x361: {  	v16 =	vadd.f32 $6.666666860e-01, v16;
	v43 =	vmul.f32 v39, v13;
	v13 =	vmin.u32 v45, $0x1E;
	v59 =	vld.idx.msk [tilespmem:v8+s28+$0x0], $0xffff  }
0x362: {  	v54 =	vsub.f32 $1.000000000e+00, v50;
	v46 =	vmul.f32 v41, v41;
	v51 =	vcvt.s32.f32 v13;
	v61 =	vld.idx.msk [tilespmem:v8+s29+$0x0], $0xffff  }
0x363: {  	vm0 =	vmand vm0, vm4;
	v11 =	vmul.f32 v11, v14;
	v17 =	vmul.f32 $1.666666720e-01, v42;
	v63 =	vld.idx.msk [tilespmem:v8+s31+$0x0], $0xffff  }
0x364: {  	v25 =	vsub.f32 v54, v16;
	v37 =	vld.idx.msk [tilespmem:v8+s30+$0x0], $0xffff;
	v6 =	vmul.f32 v46, v41;
	v15 =	vsub.f32 v15, v51  }
0x365: {  	vm7 =	vlt.u32 v9, $0x28;
	v38 =	vld.idx.msk [tilespmem:v8+s0+$0x0], $0xffff;
	v48 =	vmul.f32 $5.000000000e-01, v43;
	v18 =	vmul.f32 $1.666666720e-01, v43  }
0x366: {  	v40 =	vld.idx.msk [tilespmem:v8+s4+$0x0], $0xffff;
	v25 =	vsub.f32 v25, v17;
	v6 =	vmul.f32 $1.666666720e-01, v6;
	v36 =	vmul.f32 v15, v15  }
0x367: {  	vm10 =	vlt.u32 v10, $0x1E;
	v44 =	vld.idx.msk [tilespmem:v8+s19+$0x0], $0xffff;
	v60 =	vmul.f32 v50, v49;
	v24 =	vmul.f32 v16, v52  }
0x368: {  	v45 =	vld.idx.msk [tilespmem:v8+s1+$0x0], $0xffff;
	v19 =	vsub.f32 v48, v39;
	v27 =	vmul.f32 v50, v57;
	v22 =	vmul.f32 v25, v53  }
0x369: {  	vm11 =	vlt.u32 v12, $0x1F;
	v29 =	vmul.f32 v16, v59;
	v42 =	vmul.f32 v50, v63  }
0x36a: {  	v39 =	vld.idx.msk [tilespmem:v8+s20+$0x0], $0xffff;
	v19 =	vadd.f32 $6.666666860e-01, v19;
	v21 =	vmul.f32 v17, v55;
	v23 =	vmul.f32 v25, v61  }
0x36b: {  	v56 =	vsub.f32 $1.000000000e+00, v6;
	v30 =	vmul.f32 v16, v38;
	v47 =	vmul.f32 v17, v37  }
0x36c: {  	v43 =	vld.idx.msk [tilespmem:v8+s21+$0x0], $0xffff;
	v58 =	vsub.f32 $1.000000000e+00, v15;
	v48 =	vmul.f32 v25, v40;
	v54 =	vmul.f32 v44, v17  }
0x36d: {  	v55 =	vmul.f32 v25, v45;
	v15 =	vmul.f32 v36, v15;
	v26 =	vsub.f32 v56, v19  }
0x36e: {  	v35 =	vld [tilespmem:s7+$0x20];
	v62 =	vmul.f32 v58, v58;
	v20 =	vadd.f32 $0.0e+00, v60;
	v27 =	vadd.f32 $0.0e+00, v27  }
0x36f: {  	v49 =	vld.idx.msk [tilespmem:v8+s8+$0x0], $0xffff;
	v41 =	vmul.f32 $5.000000000e-01, v15;
	v7 =	vmul.f32 v39, v50;
	v26 =	vsub.f32 v26, v18  }
0x370: {  	v60 =	vld [tilespmem:s5+$0x20];
	v28 =	vmul.f32 v62, v58;
	v20 =	vadd.f32 v24, v20;
	v27 =	vadd.f32 v29, v27  }
0x371: {  	v16 =	vmul.f32 v43, v16;
	v62 =	vld [tilespmem:s6+$0x20];
	v32 =	vsub.f32 v41, v36;
	v7 =	vadd.f32 $0.0e+00, v7  }
0x372: {  	v56 =	vld.idx.msk [tilespmem:v13+s10+$0x0], $0xffff;
	v28 =	vmul.f32 $1.666666720e-01, v28;
	v20 =	vadd.f32 v22, v20;
	v22 =	vadd.f32 $0.0e+00, v42  }
0x373: {  	v15 =	vmul.f32 $1.666666720e-01, v15;
	v46 =	vadd.f32 v23, v27;
	v50 =	vadd.f32 $6.666666860e-01, v32  }
0x374: {  	v53 =	vld.idx.msk [tilespmem:v13+s17+$0x0], $0xffff;
	v59 =	vmul.f32 v49, v17;
	v7 =	vadd.f32 v16, v7;
	v57 =	vsub.f32 $1.000000000e+00, v28  }
0x375: {  	v17 =	vmul.f32 $6.250000000e-02, v60;
	v16 =	vadd.f32 $-2.500000000e-01, v35;
	v20 =	vadd.f32 v20, v21  }
0x376: {  	v22 =	vadd.f32 v30, v22;
	v51 =	vadd.f32 v46, v47;
	v33 =	vmul.f32 $6.250000000e-02, v62  }
0x377: {  	v7 =	vadd.f32 v55, v7;
	v29 =	vmul.f32 v56, v50;
	v36 =	vtrunc.f32 v17  }
0x378: {  	v61 =	vsub.f32 v57, v50;
	v16 =	vmul.f32 $4.000000000e+00, v16;
	v6 =	vmul.f32 v20, v6  }
0x379: {  	v52 =	vadd.f32 v48, v22;
	v19 =	vmul.f32 v51, v19;
	v22 =	vmul.f32 v53, v28  }
0x37a: {  	v58 =	vld.idx.msk [tilespmem:v13+s12+$0x0], $0xffff;
	v37 =	vcvt.f32.s32 v36;
	vm5 =	vlt.f32 v17, v36;
	v38 =	vtrunc.f32 v33  }
0x37b: {  	v7 =	vadd.f32 v7, v59;
	v27 =	vsub.f32 v61, v15;
	v39 =	vsel vm5, $0xFFFFFFFF, v0  }
0x37c: {  	v40 =	vcvt.f32.s32 v38;
	vm6 =	vlt.f32 v33, v38;
	v6 =	vadd.f32 $0.0e+00, v6  }
0x37d: {  	v41 =	vld.idx.msk [tilespmem:v8+s18+$0x0], $0xffff;
	v47 =	vtrunc.f32 v16;
	v21 =	vadd.f32 v52, v54;
	v31 =	vadd.f32 v29, v22  }
0x37e: {  	v8 =	vadd.s32 v37, v39;
	vm12 =	vlt.f32 v16, v47;
	v12 =	vcvt.f32.s32 v47  }
0x37f: {  	v7 =	vmul.f32 v7, v18;
	v32 =	vmul.f32 v58, v27;
	v18 =	vsel vm6, $0xFFFFFFFF, v0  }
0x380: {  	vm8 =	vgt.s32 v8, $0x0;
	v48 =	vsel vm12, $0xFFFFFFFF, v0;
	vm4 =	vlt.u32 v8, $0x28  }
0x381: {  	v6 =	vadd.f32 v6, v19;
	v63 =	vmul.f32 v21, v26;
	v9 =	vadd.s32 v40, v18  }
0x382: {  	v26 =	vld.idx.msk [tilespmem:v13+s13+$0x0], $0xffff;
	v42 =	vnsel vm8, $0x0, v8;
	v13 =	vshrl.u32 v41, v13;
	v34 =	vadd.f32 v32, v31  }
0x383: {  	vm9 =	vgt.s32 v9, $0x0;
	v43 =	vmin.u32 v42, $0x27;
	v13 =	vand.u32 $0x1, v13  }
0x384: {  	v30 =	vadd.f32 v6, v63;
	v6 =	vnsel vm0, $0x7FC00000, v11;
	v44 =	vnsel vm9, $0x0, v9  }
0x385: {  	v45 =	vcvt.s32.f32 v43;
	vm0 =	vmand vm7, vm10;
	v10 =	vmul.u32 $0x21, v43  }
0x386: {  	vm14 =	veq.s32 v13, $0x1;
	vm9 =	vlt.u32 v9, $0x1E;
	v18 =	vmin.u32 v44, $0x1D  }
0x387: {  	vm0 =	vmand vm0, vm11;
	v7 =	vadd.f32 v30, v7;
	v46 =	vcvt.s32.f32 v18  }
0x388: {  	v17 =	vsub.f32 v17, v45;
	v18 =	vadd.s32 v18, v10;
	v10 =	vadd.s32 v12, v48  }
0x389: {  	v15 =	vmul.f32 v26, v15;
	vm13 =	vgt.s32 v10, $0x0;
	v14 =	vsub.f32 v33, v46  }
0x38a: {  	v19 =	vmul.f32 v17, v17;
	v52 =	vsub.f32 $1.000000000e+00, v17;
	v54 =	vnsel vm13, $0x0, v10  }
0x38b: {  	v11 =	vadd.f32 v15, v34;
	v22 =	vmin.u32 v54, $0x1E;
	v49 =	vmul.f32 v14, v14  }
0x38c: {  	v50 =	vsub.f32 $1.000000000e+00, v14;
	v51 =	vmul.f32 v19, v17;
	v55 =	vmul.f32 v52, v52  }
0x38d: {  	vm0 =	vmand vm0, vm14;
	v58 =	vcvt.s32.f32 v22;
	v59 =	vld.idx.msk [tilespmem:v18+s3+$0x0], $0xffff;
	v7 =	vmul.f32 v7, v11  }
0x38e: {  	vm10 =	vlt.u32 v10, $0x1F;
	v60 =	vld.idx.msk [tilespmem:v18+s23+$0x0], $0xffff;
	v14 =	vmul.f32 v49, v14;
	v53 =	vmul.f32 v50, v50  }
0x38f: {  	v61 =	vld.idx.msk [tilespmem:v18+s24+$0x0], $0xffff;
	v56 =	vmul.f32 $5.000000000e-01, v51;
	v15 =	vmul.f32 v55, v52;
	v16 =	vsub.f32 v16, v58  }
0x390: {  	v63 =	vld.idx.msk [tilespmem:v18+s25+$0x0], $0xffff;
	v12 =	vmul.f32 $1.666666720e-01, v51;
	v7 =	vnsel vm0, $0x7FC00000, v7;
	v17 =	vmul.f32 v53, v50  }
0x391: {  	v46 =	vld.idx.msk [tilespmem:v18+s30+$0x0], $0xffff;
	vm0 =	vmand vm4, vm9;
	v57 =	vmul.f32 $5.000000000e-01, v14;
	v15 =	vmul.f32 $1.666666720e-01, v15  }
0x392: {  	v37 =	vld.idx.msk [tilespmem:v18+s26+$0x0], $0xffff;
	v19 =	vsub.f32 v56, v19;
	v36 =	vmul.f32 v16, v16;
	v14 =	vmul.f32 $1.666666720e-01, v14  }
0x393: {  	v44 =	vld.idx.msk [tilespmem:v18+s31+$0x0], $0xffff;
	v38 =	vsub.f32 $1.000000000e+00, v16;
	vm0 =	vmand vm0, vm10;
	v17 =	vmul.f32 $1.666666720e-01, v17  }
0x394: {  	v39 =	vld.idx.msk [tilespmem:v18+s28+$0x0], $0xffff;
	v20 =	vsub.f32 v57, v49;
	v19 =	vadd.f32 $6.666666860e-01, v19;
	v40 =	vmul.f32 v36, v16  }
0x395: {  	v42 =	vld.idx.msk [tilespmem:v18+s29+$0x0], $0xffff;
	v35 =	vsub.f32 $1.000000000e+00, v15;
	v43 =	vmul.f32 v38, v38;
	v26 =	vmul.f32 v14, v63  }
0x396: {  	v47 =	vld.idx.msk [tilespmem:v18+s0+$0x0], $0xffff;
	v55 =	vmul.f32 v14, v46;
	v20 =	vadd.f32 $6.666666860e-01, v20;
	v41 =	vmul.f32 v17, v59  }
0x397: {  	v52 =	vld.idx.msk [tilespmem:v18+s21+$0x0], $0xffff;
	v62 =	vsub.f32 $1.000000000e+00, v17;
	v45 =	vmul.f32 $5.000000000e-01, v40;
	v30 =	vmul.f32 v43, v38  }
0x398: {  	v49 =	vld.idx.msk [tilespmem:v18+s20+$0x0], $0xffff;
	v27 =	vsub.f32 v35, v19;
	v29 =	vmul.f32 v17, v37;
	v51 =	vmul.f32 v17, v44  }
0x399: {  	v50 =	vld.idx.msk [tilespmem:v18+s4+$0x0], $0xffff;
	v13 =	vmul.f32 $1.666666720e-01, v40;
	v25 =	vsub.f32 v62, v20;
	v16 =	vadd.f32 $0.0e+00, v41  }
0x39a: {  	v53 =	vld.idx.msk [tilespmem:v18+s19+$0x0], $0xffff;
	v21 =	vmul.f32 v20, v60;
	v27 =	vsub.f32 v27, v12;
	v28 =	vsub.f32 v45, v36  }
0x39b: {  	v59 =	vld.idx.msk [tilespmem:v22+s10+$0x0], $0xffff;
	v30 =	vmul.f32 $1.666666720e-01, v30;
	v29 =	vadd.f32 $0.0e+00, v29;
	v31 =	vmul.f32 v20, v39  }
0x39c: {  	v32 =	vmul.f32 v20, v47;
	v36 =	vld.idx.msk [tilespmem:v18+s1+$0x0], $0xffff;
	v25 =	vsub.f32 v25, v14;
	v16 =	vadd.f32 v21, v16  }
0x39d: {  	s2 =	sadd.s32 $0xA0, s2;
	v57 =	vld.idx.msk [tilespmem:v22+s17+$0x0], $0xffff;
	v17 =	vmul.f32 v49, v17;
	v28 =	vadd.f32 $6.666666860e-01, v28;
	v29 =	vadd.f32 v31, v29  }
0x39e: {  	s15 =	sand.u32 $0xFE0, s2;
	v54 =	vld.idx.msk [tilespmem:v18+s8+$0x0], $0xffff;
	v20 =	vmul.f32 v52, v20;
	v21 =	vadd.f32 $0.0e+00, v51;
	v58 =	vsub.f32 $1.000000000e+00, v30  }
0x39f: {  	v39 =	vld [tilespmem:s15+$0x7080];
	v17 =	vadd.f32 $0.0e+00, v17;
	v48 =	vmul.f32 v25, v61;
	v24 =	vmul.f32 v25, v42  }
0x3a0: {  	v31 =	vld [tilespmem:s15+$0x9080];
	v21 =	vadd.f32 v32, v21;
	v56 =	vmul.f32 v25, v50;
	v61 =	vmul.f32 v53, v14  }
0x3a1: {  	v34 =	vld.idx.msk [tilespmem:v22+s13+$0x0], $0xffff;
	v37 =	vmul.f32 v59, v28;
	v17 =	vadd.f32 v20, v17;
	v62 =	vmul.f32 v25, v36  }
0x3a2: {  	v36 =	vmul.f32 v57, v30;
	v16 =	vadd.f32 v48, v16;
	v24 =	vadd.f32 v24, v29  }
0x3a3: {  	v14 =	vmul.f32 v54, v14;
	v42 =	vld [tilespmem:s15+$0xB080];
	v21 =	vadd.f32 v56, v21;
	v29 =	vsub.f32 v58, v28  }
0x3a4: {  	v63 =	vld.idx.msk [tilespmem:v22+s12+$0x0], $0xffff;
	v48 =	vmul.f32 $6.250000000e-02, v39;
	v17 =	vadd.f32 v62, v17;
	v40 =	vadd.f32 v37, v36  }
0x3a5: {  	v44 =	vmul.f32 $6.250000000e-02, v31;
	v16 =	vadd.f32 v16, v26;
	v60 =	vadd.f32 v24, v55  }
0x3a6: {  	v21 =	vadd.f32 v21, v61;
	v35 =	vsub.f32 v29, v13;
	v13 =	vmul.f32 v34, v13  }
0x3a7: {  	v43 =	vld.idx.msk [tilespmem:v18+s18+$0x0], $0xffff;
	v52 =	vtrunc.f32 v48;
	v14 =	vadd.f32 v17, v14;
	v45 =	vtrunc.f32 v44  }
0x3a8: {  	v49 =	vadd.f32 $-2.500000000e-01, v42;
	v53 =	vcvt.f32.s32 v52;
	v15 =	vmul.f32 v16, v15  }
0x3a9: {  	vm6 =	vlt.f32 v48, v52;
	v16 =	vmul.f32 v60, v19;
	v41 =	vmul.f32 v63, v35  }
0x3aa: {  	v38 =	vmul.f32 v21, v27;
	v47 =	vcvt.f32.s32 v45;
	vm15 =	vlt.f32 v44, v45  }
0x3ab: {  	v55 =	vsel vm6, $0xFFFFFFFF, v0;
	v12 =	vmul.f32 v14, v12;
	v11 =	vadd.f32 v41, v40  }
0x3ac: {  	v50 =	vsel vm15, $0xFFFFFFFF, v0;
	v14 =	vshrl.u32 v43, v22;
	v51 =	vmul.f32 $4.000000000e+00, v49  }
0x3ad: {  	v15 =	vadd.f32 $0.0e+00, v15;
	v46 =	vadd.f32 v13, v11;
	v13 =	vadd.s32 v53, v55  }
0x3ae: {  	v8 =	vadd.s32 v47, v50;
	v14 =	vand.u32 $0x1, v14;
	vm8 =	vgt.s32 v13, $0x0  }
0x3af: {  	vm5 =	vgt.s32 v8, $0x0;
	v56 =	vtrunc.f32 v51;
	v59 =	vnsel vm8, $0x0, v13  }
0x3b0: {  	v54 =	vnsel vm5, $0x0, v8;
	vm7 =	vlt.f32 v51, v56;
	v60 =	vmin.u32 v59, $0x27  }
0x3b1: {  	v20 =	vcvt.f32.s32 v56;
	v11 =	vmin.u32 v54, $0x1D;
	v19 =	vmul.u32 $0x21, v60  }
0x3b2: {  	vm12 =	veq.s32 v14, $0x1;
	v58 =	vsel vm7, $0xFFFFFFFF, v0;
	v57 =	vcvt.s32.f32 v11  }
0x3b3: {  	v15 =	vadd.f32 v15, v16;
	v9 =	vadd.s32 v20, v58;
	v11 =	vadd.s32 v11, v19  }
0x3b4: {  	vm0 =	vmand vm0, vm12;
	vm11 =	vgt.s32 v9, $0x0;
	v16 =	vsub.f32 v44, v57  }
0x3b5: {  	v15 =	vadd.f32 v15, v38;
	v61 =	vcvt.s32.f32 v60;
	v28 =	vnsel vm11, $0x0, v9  }
0x3b6: {  	v10 =	vmin.u32 v28, $0x1E;
	v62 =	vmul.f32 v16, v16;
	v63 =	vsub.f32 $1.000000000e+00, v16  }
0x3b7: {  	v12 =	vadd.f32 v15, v12;
	v15 =	vsub.f32 v48, v61;
	v33 =	vcvt.s32.f32 v10  }
0x3b8: {  	vm7 =	vlt.u32 v13, $0x28;
	v16 =	vmul.f32 v62, v16;
	v29 =	vmul.f32 v63, v63;
	v34 =	vld.idx.msk [tilespmem:v11+s3+$0x0], $0xffff  }
0x3b9: {  	v12 =	vmul.f32 v12, v46;
	v20 =	vmul.f32 v15, v15;
	v30 =	vsub.f32 $1.000000000e+00, v15;
	v36 =	vld.idx.msk [tilespmem:v11+s23+$0x0], $0xffff  }
0x3ba: {  	v17 =	vsub.f32 v51, v33;
	v31 =	vmul.f32 $5.000000000e-01, v16;
	v19 =	vmul.f32 v29, v63;
	v38 =	vld.idx.msk [tilespmem:v11+s24+$0x0], $0xffff  }
0x3bb: {  	vm8 =	vlt.u32 v8, $0x1E;
	v15 =	vmul.f32 v20, v15;
	v32 =	vmul.f32 v30, v30;
	v39 =	vld.idx.msk [tilespmem:v11+s26+$0x0], $0xffff  }
0x3bc: {  	vm1 =	vmand vm7, vm8;
	v16 =	vmul.f32 $1.666666720e-01, v16;
	v42 =	vmul.f32 v17, v17;
	v41 =	vld.idx.msk [tilespmem:v11+s25+$0x0], $0xffff  }
0x3bd: {  	v40 =	vsub.f32 $1.000000000e+00, v17;
	v43 =	vld.idx.msk [tilespmem:v11+s28+$0x0], $0xffff;
	v14 =	vmul.f32 $1.666666720e-01, v19;
	v22 =	vmul.f32 v32, v30  }
0x3be: {  	v46 =	vld.idx.msk [tilespmem:v11+s29+$0x0], $0xffff;
	v21 =	vsub.f32 v31, v62;
	v35 =	vmul.f32 $5.000000000e-01, v15;
	v15 =	vmul.f32 $1.666666720e-01, v15  }
0x3bf: {  	vm9 =	vlt.u32 v9, $0x1F;
	v47 =	vld.idx.msk [tilespmem:v11+s30+$0x0], $0xffff;
	v45 =	vmul.f32 v40, v40;
	v17 =	vmul.f32 v42, v17  }
0x3c0: {  	v48 =	vld.idx.msk [tilespmem:v11+s31+$0x0], $0xffff;
	v21 =	vadd.f32 $6.666666860e-01, v21;
	v37 =	vsub.f32 $1.000000000e+00, v14;
	v22 =	vmul.f32 $1.666666720e-01, v22  }
0x3c1: {  	v50 =	vld.idx.msk [tilespmem:v11+s0+$0x0], $0xffff;
	v20 =	vsub.f32 v35, v20;
	v26 =	vmul.f32 v45, v40;
	v49 =	vmul.f32 $5.000000000e-01, v17  }
0x3c2: {  	v52 =	vld.idx.msk [tilespmem:v11+s20+$0x0], $0xffff;
	v18 =	vsub.f32 v37, v21;
	v24 =	vmul.f32 v14, v34;
	v25 =	vmul.f32 v21, v36  }
0x3c3: {  	v54 =	vld.idx.msk [tilespmem:v11+s19+$0x0], $0xffff;
	v20 =	vadd.f32 $6.666666860e-01, v20;
	v23 =	vmul.f32 v14, v39;
	v29 =	vmul.f32 v21, v43  }
0x3c4: {  	v62 =	vld [tilespmem:s6+$0x40];
	v44 =	vsub.f32 $1.000000000e+00, v22;
	v26 =	vmul.f32 $1.666666720e-01, v26;
	v27 =	vmul.f32 v16, v41  }
0x3c5: {  	v51 =	vld.idx.msk [tilespmem:v11+s4+$0x0], $0xffff;
	v28 =	vsub.f32 v49, v42;
	v31 =	vmul.f32 v14, v48;
	v37 =	vmul.f32 $1.666666720e-01, v17  }
0x3c6: {  	v56 =	vld.idx.msk [tilespmem:v11+s21+$0x0], $0xffff;
	v60 =	vmul.f32 v16, v47;
	v18 =	vsub.f32 v18, v16;
	v24 =	vadd.f32 $0.0e+00, v24  }
0x3c7: {  	v59 =	vld.idx.msk [tilespmem:v11+s1+$0x0], $0xffff;
	v14 =	vmul.f32 v52, v14;
	v30 =	vsub.f32 v44, v20;
	v23 =	vadd.f32 $0.0e+00, v23  }
0x3c8: {  	v41 =	vld [tilespmem:s5+$0x40];
	v43 =	vmul.f32 v54, v16;
	v28 =	vadd.f32 $6.666666860e-01, v28;
	v55 =	vsub.f32 $1.000000000e+00, v26  }
0x3c9: {  	v61 =	vadd.f32 $0.0e+00, v31;
	v14 =	vadd.f32 $0.0e+00, v14;
	v44 =	vmul.f32 $6.250000000e-02, v62  }
0x3ca: {  	v24 =	vadd.f32 v25, v24;
	v19 =	vmul.f32 v18, v38;
	v53 =	vmul.f32 v18, v46  }
0x3cb: {  	v30 =	vsub.f32 v30, v15;
	v25 =	vmul.f32 v21, v50;
	v40 =	vmul.f32 v18, v51  }
0x3cc: {  	v23 =	vadd.f32 v29, v23;
	v21 =	vmul.f32 v56, v21;
	v18 =	vmul.f32 v18, v59  }
0x3cd: {  	v63 =	vsub.f32 v55, v28;
	v47 =	vtrunc.f32 v44;
	v46 =	vmul.f32 $6.250000000e-02, v41  }
0x3ce: {  	v38 =	vld.idx.msk [tilespmem:v11+s8+$0x0], $0xffff;
	v49 =	vcvt.f32.s32 v47;
	v19 =	vadd.f32 v19, v24;
	v58 =	vadd.f32 v53, v23  }
0x3cf: {  	v48 =	vld [tilespmem:s7+$0x40];
	vm13 =	vlt.f32 v44, v47;
	v39 =	vadd.f32 v25, v61;
	v14 =	vadd.f32 v21, v14  }
0x3d0: {  	v50 =	vld.idx.msk [tilespmem:v10+s17+$0x0], $0xffff;
	v52 =	vsel vm13, $0xFFFFFFFF, v0;
	v57 =	vadd.f32 v19, v27;
	v19 =	vadd.f32 v58, v60  }
0x3d1: {  	v53 =	vld.idx.msk [tilespmem:v10+s10+$0x0], $0xffff;
	v51 =	vtrunc.f32 v46;
	v42 =	vadd.f32 v40, v39;
	v14 =	vadd.f32 v18, v14  }
0x3d2: {  	v54 =	vcvt.f32.s32 v51;
	vm14 =	vlt.f32 v46, v51;
	v60 =	vsub.f32 v63, v37  }
0x3d3: {  	v16 =	vmul.f32 v38, v16;
	v55 =	vsel vm14, $0xFFFFFFFF, v0;
	v17 =	vmul.f32 v57, v22  }
0x3d4: {  	v19 =	vmul.f32 v19, v20;
	v45 =	vadd.f32 v42, v43;
	v22 =	vadd.f32 $-2.500000000e-01, v48  }
0x3d5: {  	v32 =	vld.idx.msk [tilespmem:v10+s13+$0x0], $0xffff;
	v20 =	vmul.f32 v50, v26;
	v16 =	vadd.f32 v14, v16;
	v14 =	vadd.s32 v49, v52  }
0x3d6: {  	v25 =	vmul.f32 v53, v28;
	v17 =	vadd.f32 $0.0e+00, v17;
	vm15 =	vgt.s32 v14, $0x0  }
0x3d7: {  	v22 =	vmul.f32 $4.000000000e+00, v22;
	v16 =	vmul.f32 v16, v15;
	v15 =	vadd.s32 v54, v55  }
0x3d8: {  	v56 =	vnsel vm15, $0x0, v14;
	v62 =	vadd.f32 v25, v20;
	vm4 =	vgt.s32 v15, $0x0  }
0x3d9: {  	v17 =	vadd.f32 v17, v19;
	v19 =	vmul.f32 v45, v30;
	v58 =	vnsel vm4, $0x0, v15  }
0x3da: {  	v57 =	vld.idx.msk [tilespmem:v10+s12+$0x0], $0xffff;
	v25 =	vmul.f32 v32, v37;
	v63 =	vtrunc.f32 v22;
	v24 =	vmin.u32 v58, $0x27  }
0x3db: {  	v17 =	vadd.f32 v17, v19;
	v19 =	vmin.u32 v56, $0x1D;
	v61 =	vmul.u32 $0x21, v24  }
0x3dc: {  	v35 =	vcvt.f32.s32 v63;
	vm5 =	vlt.f32 v22, v63;
	v59 =	vcvt.s32.f32 v19  }
0x3dd: {  	v20 =	vsel vm5, $0xFFFFFFFF, v0;
	v38 =	vcvt.s32.f32 v24;
	v19 =	vadd.s32 v19, v61  }
0x3de: {  	v11 =	vld.idx.msk [tilespmem:v11+s18+$0x0], $0xffff;
	v16 =	vadd.f32 v17, v16;
	v17 =	vadd.s32 v35, v20;
	v21 =	vsub.f32 v44, v59  }
0x3df: {  	v23 =	vmul.f32 v57, v60;
	vm6 =	vgt.s32 v17, $0x0;
	v18 =	vsub.f32 v46, v38  }
0x3e0: {  	v41 =	vnsel vm6, $0x0, v17;
	v33 =	vmul.f32 v21, v21;
	v34 =	vsub.f32 $1.000000000e+00, v21  }
0x3e1: {  	v27 =	vmin.u32 v41, $0x1E;
	v44 =	vsub.f32 $1.000000000e+00, v18;
	v47 =	vmul.f32 v18, v18  }
0x3e2: {  	vm10 =	vmand vm1, vm9;
	v45 =	vcvt.s32.f32 v27;
	v36 =	vmul.f32 v34, v34;
	v42 =	vld.idx.msk [tilespmem:v19+s3+$0x0], $0xffff  }
0x3e3: {  	v10 =	vshrl.u32 v11, v10;
	v21 =	vmul.f32 v33, v21;
	v50 =	vmul.f32 v44, v44;
	v43 =	vld.idx.msk [tilespmem:v19+s23+$0x0], $0xffff  }
0x3e4: {  	v23 =	vadd.f32 v23, v62;
	v18 =	vmul.f32 v47, v18;
	v49 =	vld.idx.msk [tilespmem:v19+s25+$0x0], $0xffff;
	v39 =	vmul.f32 v36, v34  }
0x3e5: {  	v22 =	vsub.f32 v22, v45;
	v51 =	vld.idx.msk [tilespmem:v19+s26+$0x0], $0xffff;
	v40 =	vmul.f32 $5.000000000e-01, v21;
	v21 =	vmul.f32 $1.666666720e-01, v21  }
0x3e6: {  	v23 =	vadd.f32 v25, v23;
	v38 =	vld.idx.msk [tilespmem:v19+s31+$0x0], $0xffff;
	v13 =	vmul.f32 v50, v44;
	v55 =	vmul.f32 $5.000000000e-01, v18  }
0x3e7: {  	v57 =	vld.idx.msk [tilespmem:v19+s20+$0x0], $0xffff;
	v18 =	vmul.f32 $1.666666720e-01, v18;
	v53 =	vsub.f32 $1.000000000e+00, v22;
	v56 =	vmul.f32 v22, v22  }
0x3e8: {  	v44 =	vld.idx.msk [tilespmem:v19+s19+$0x0], $0xffff;
	v24 =	vmul.f32 $1.666666720e-01, v39;
	v26 =	vsub.f32 v40, v33;
	v13 =	vmul.f32 $1.666666720e-01, v13  }
0x3e9: {  	v46 =	vld.idx.msk [tilespmem:v19+s24+$0x0], $0xffff;
	v31 =	vsub.f32 v55, v47;
	v39 =	vmul.f32 v53, v53;
	v22 =	vmul.f32 v56, v22  }
0x3ea: {  	v52 =	vld.idx.msk [tilespmem:v19+s28+$0x0], $0xffff;
	v26 =	vadd.f32 $6.666666860e-01, v26;
	v20 =	vmul.f32 v24, v42;
	v29 =	vmul.f32 v24, v51  }
0x3eb: {  	v54 =	vld.idx.msk [tilespmem:v19+s29+$0x0], $0xffff;
	v48 =	vsub.f32 $1.000000000e+00, v24;
	v61 =	vmul.f32 v21, v49;
	v62 =	vmul.f32 v24, v38  }
0x3ec: {  	v40 =	vld.idx.msk [tilespmem:v19+s0+$0x0], $0xffff;
	v24 =	vmul.f32 v57, v24;
	v31 =	vadd.f32 $6.666666860e-01, v31;
	v25 =	vmul.f32 v39, v53  }
0x3ed: {  	v59 =	vld.idx.msk [tilespmem:v19+s21+$0x0], $0xffff;
	v60 =	vmul.f32 $5.000000000e-01, v22;
	v50 =	vmul.f32 v44, v21;
	v32 =	vsub.f32 v48, v26  }
0x3ee: {  	v41 =	vld.idx.msk [tilespmem:v19+s30+$0x0], $0xffff;
	v22 =	vmul.f32 $1.666666720e-01, v22;
	v20 =	vadd.f32 $0.0e+00, v20;
	v29 =	vadd.f32 $0.0e+00, v29  }
0x3ef: {  	v49 =	vld.idx.msk [tilespmem:v27+s17+$0x0], $0xffff;
	v28 =	vmul.f32 v26, v43;
	v42 =	vadd.f32 $0.0e+00, v62;
	v32 =	vsub.f32 v32, v21  }
0x3f0: {  	v63 =	vld.idx.msk [tilespmem:v19+s4+$0x0], $0xffff;
	v34 =	vmul.f32 v26, v52;
	v24 =	vadd.f32 $0.0e+00, v24;
	v37 =	vsub.f32 v60, v56  }
0x3f1: {  	v45 =	vld.idx.msk [tilespmem:v19+s1+$0x0], $0xffff;
	v43 =	vmul.f32 v26, v40;
	v20 =	vadd.f32 v28, v20;
	v58 =	vmul.f32 v32, v46  }
0x3f2: {  	v26 =	vmul.f32 v59, v26;
	v25 =	vmul.f32 $1.666666720e-01, v25;
	v29 =	vadd.f32 v34, v29  }
0x3f3: {  	v48 =	vld.idx.msk [tilespmem:v19+s8+$0x0], $0xffff;
	v28 =	vadd.f32 v43, v42;
	v39 =	vmul.f32 v32, v54;
	v20 =	vadd.f32 v58, v20  }
0x3f4: {  	v24 =	vadd.f32 v26, v24;
	v53 =	vsub.f32 $1.000000000e+00, v25;
	v25 =	vmul.f32 v49, v25  }
0x3f5: {  	v51 =	vld.idx.msk [tilespmem:v27+s10+$0x0], $0xffff;
	v46 =	vmul.f32 v21, v41;
	v29 =	vadd.f32 v39, v29;
	v20 =	vadd.f32 v20, v61  }
0x3f6: {  	v52 =	vadd.f32 $6.666666860e-01, v37;
	v47 =	vmul.f32 v32, v63;
	v30 =	vmul.f32 v32, v45  }
0x3f7: {  	v29 =	vadd.f32 v29, v46;
	v20 =	vmul.f32 v20, v13;
	v13 =	vsub.f32 $1.000000000e+00, v13  }
0x3f8: {  	v54 =	vld.idx.msk [tilespmem:v27+s12+$0x0], $0xffff;
	v21 =	vmul.f32 v48, v21;
	v28 =	vadd.f32 v47, v28;
	v24 =	vadd.f32 v30, v24  }
0x3f9: {  	v55 =	vld.idx.msk [tilespmem:v27+s13+$0x0], $0xffff;
	v29 =	vmul.f32 v29, v31;
	v13 =	vsub.f32 v13, v31;
	v31 =	vsub.f32 v53, v52  }
0x3fa: {  	v32 =	vmul.f32 v51, v52;
	v28 =	vadd.f32 v28, v50;
	v20 =	vadd.f32 $0.0e+00, v20  }
0x3fb: {  	[tilespmem:s9+$0xFFFFFFD0] =	vst v2;
	v2 =	vand.u32 $0x1, v10;
	v13 =	vsub.f32 v13, v18;
	v31 =	vsub.f32 v31, v22  }
0x3fc: {  	vm12 =	vlt.u32 v14, $0x1E;
	v19 =	vld.idx.msk [tilespmem:v19+s18+$0x0], $0xffff;
	v58 =	vadd.f32 v32, v25;
	v57 =	vadd.f32 v24, v21  }
0x3fd: {  	v56 =	vadd.f32 v20, v29;
	v13 =	vmul.f32 v28, v13;
	v59 =	vmul.f32 v54, v31  }
0x3fe: {  	[tilespmem:s9+$0xFFFFFFB0] =	vst v1;
	vm15 =	veq.s32 v2, $0x1;
	vm11 =	vlt.u32 v15, $0x28;
	v61 =	vmul.f32 v55, v22  }
0x3ff: {  	[tilespmem:s9+$0xFFFFFFC0] =	vst v3;
	v1 =	vmul.f32 v57, v18;
	v8 =	vadd.f32 v56, v13;
	v60 =	vadd.f32 v59, v58  }
0x400: {  	[tilespmem:s9+$0xFFFFFFE0] =	vst v4;
	v3 =	vnsel vm0, $0x7FC00000, v12;
	vm0 =	vmand vm10, vm15;
	vm1 =	vmand vm11, vm12  }
0x401: {  	p0 =	slt.u32 s2, $0xF00;
	[tilespmem:s9+$0xFFFFFFF0] =	vst v5;
	v63 =	vshrl.u32 v19, v27;
	v1 =	vadd.f32 v8, v1;
	v62 =	vadd.f32 v61, v60  }
.Ltmp8:
0x402: {  	[tilespmem:s9+$0x0] =	vst v6;
	vm13 =	vlt.u32 v17, $0x1F;
	v2 =	vmul.f32 v16, v23;
	v4 =	vand.u32 $0x1, v63;
	(pc) =	sbr.rel @p0 .LBB2_9-.Ltmp8, $4  }
0x403: {  	[tilespmem:s9+$0x10] =	vst v7;
	vm1 =	vmand vm1, vm13;
	vm14 =	veq.s32 v4, $0x1;
	v1 =	vmul.f32 v1, v62  }
0x404: {  	[tilespmem:s9+$0x20] =	vst v3;
	v2 =	vnsel vm0, $0x7FC00000, v2;
	vm1 =	vmand vm1, vm14  }
0x405: {  	s6 =	sadd.s32 $0xA0, s6;
	[tilespmem:s15+$0xD080] =	vst v2;
	v1 =	vnsel vm1, $0x7FC00000, v1  }
0x406: {  	s5 =	sadd.s32 $0xA0, s5;
	s7 =	sadd.s32 $0xA0, s7;
	[tilespmem:s9+$0x40] =	vst v1;
	s9 =	sadd.s32 $0xA0, s9  }
.Ltmp9:
0x407: {  	_ = 	snop;
	(pc) =	sbr.rel .LBB2_10-.Ltmp9, $1  }
0x408: {  	_ =	sdelay $0x3  }
.LBB2_13:
0x409: {  	_ =	sfence.sel $0x180000  }
0x40a: {  	[bflag:$0x0] =	sbarrier.arrive $0xFFFF  }
0x40b: {  	_ =	strace $0x90000047  }
0x40c: {  	s0 =	stileid.u32;
	[bflag:$0x2] =	sbarrier.arrive $0xFFFF  }
0x40d: {  	p0 =	sne.s32 s0, $0x0;
	s0 =	rddreg [dreg:$0x2]  }
0x40e: {  	s0 =	sadd.s32 @!p0 $0x100000, s0  }
0x40f: {  	[sflag:s0] =	ssyncadd.tile.s32 @!p0 $0x1;
	_ =	shalt  }
.Lfunc_end2:
_tile_overlayer_lowered:
.L_overlay_start_2:
0x410: {  	(tag) =	ssettag $0x2  }
0x411: {  	s0 =	rddreg [dreg:$0x0];
	s2 =	stileid.u32  }
0x412: {  	s1 =	rddreg [dreg:$0x1];
	p0 =	sne.s32 s2, $0x0  }
0x413: {  	s3 =	rddreg [dreg:$0x2];
	[bflag:$0x3] =	sbarrier.arrive $0xFFFF;
	s2 =	simm.s32 @!p0 $0x1C05  }
0x414: {  	[timem:s3], [sflag:s2] =	dma.local @!p0 [hbm:s0], s1  }
0x415: {  	s0 =	simm.s32 @!p0 $0x5  }
0x416: {  	_ =	swait.ge @!p0 [sflag:s0], s1  }
0x417: {  	s1 =	ssub.s32 @!p0 $0x0, s1;
	[sflag:s0] =	ssyncset.done @!p0 $0x0  }
0x418: {  	[sflag:s0] =	ssyncadd.s32 @!p0 s1  }
0x419: {  	[bflag:$0x3] =	sbarrier.arrive $0xFFFF  }
0x41a: {  	_ =	shalt  }

</sc_bundles>
